<compile_context>
chip_gen: v7x
topology: tpu7x:2x2x1
jax: 0.10.2.dev20260603
libtpu: 0.0.44.dev20260713+nightly
codegen_flags: <defaults>
</compile_context>

<pallas_src>
import functools

import jax
import jax.numpy as jnp
from jax import lax
from jax.experimental import pallas as pl
from jax.experimental.pallas import tpu as pltpu
from jax.experimental.pallas import tpu_sc as plsc

N_NODES = 10000
N_EDGES = 320000
D_IN = 128
HIDDEN = 128
N_CLASSES = 40

N_CORES = 2
N_SUBCORES = 16
N_WORKERS = N_CORES * N_SUBCORES

N_PAD = 10240
CHUNK = 128
CHUNKS_PER_W = 80
E_PAD = N_WORKERS * CHUNKS_PER_W * CHUNK
ROWS_PER_TILE = N_PAD // N_SUBCORES


def _fill(ref, val16, cols16):
    def fbody(i, carry):
        ref[i // cols16, pl.ds((i % cols16) * 16, 16)] = val16
        return carry
    lax.fori_loop(0, CHUNK * cols16, fbody, 0)


def _zero_acc(rows0, acc_sh, s, cols16):
    _fill(rows0, jnp.zeros((16,), jnp.float32), cols16)
    for j in range(ROWS_PER_TILE // CHUNK):
        pltpu.sync_copy(
            rows0, acc_sh.at[pl.ds(s * ROWS_PER_TILE + j * CHUNK, CHUNK)])
    plsc.subcore_barrier()


def _writeback(acc_sh, out_hbm, c, s):
    plsc.subcore_barrier()
    pltpu.sync_copy(
        acc_sh.at[pl.ds(s * ROWS_PER_TILE, ROWS_PER_TILE)],
        out_hbm.at[c, pl.ds(s * ROWS_PER_TILE, ROWS_PER_TILE)])


def _make_agg(D):
    mesh = plsc.VectorSubcoreMesh(core_axis_name="c", subcore_axis_name="s")
    scratch = [
        pltpu.VMEM((4, 2, CHUNK), jnp.int32),
        pltpu.VMEM((CHUNK, D), jnp.float32),
        pltpu.VMEM((CHUNK, D), jnp.float32),
        pltpu.VMEM_SHARED((N_PAD, D), jnp.float32),
        pltpu.SemaphoreType.DMA,
        pltpu.SemaphoreType.DMA,
        pltpu.SemaphoreType.DMA,
        pltpu.SemaphoreType.DMA,
        pltpu.SemaphoreType.DMA,
        pltpu.SemaphoreType.DMA,
    ]

    def body(table_hbm, ei_hbm, out_hbm, ring, rows0, rows1, acc_sh,
             g0, g1, i0, i1, i2, i3):
        bufs = (rows0, rows1)
        gsems = (g0, g1)
        isems = (i0, i1, i2, i3)
        c = lax.axis_index("c")
        s = lax.axis_index("s")
        wid = c * N_SUBCORES + s
        n = CHUNKS_PER_W
        rbase = wid * CHUNKS_PER_W

        _zero_acc(rows0, acc_sh, s, D // 16)

        def ifire(i, slot):
            pltpu.async_copy(ei_hbm.at[rbase + i], ring.at[slot],
                             isems[slot])

        def iwait(i, slot):
            pltpu.make_async_copy(ei_hbm.at[rbase + i], ring.at[slot],
                                  isems[slot]).wait()

        def gfire(slot, b):
            pltpu.async_copy(table_hbm.at[ring.at[slot, 0]], bufs[b],
                             gsems[b])

        def gwait(slot, b):
            pltpu.make_async_copy(table_hbm.at[ring.at[slot, 0]], bufs[b],
                                  gsems[b]).wait()

        for slot in range(4):
            ifire(slot, slot)
        iwait(0, 0)
        gfire(0, 0)

        def outer(g, carry):
            for b in range(4):
                i = g * 4 + b

                @pl.when(i + 1 < n)
                def _():
                    iwait(i + 1, (b + 1) % 4)
                    gfire((b + 1) % 4, (b + 1) % 2)

                gwait(b, b % 2)
                pltpu.sync_copy(bufs[b % 2], acc_sh.at[ring.at[b, 1]],
                                add=True)

                @pl.when(i + 4 < n)
                def _():
                    ifire(i + 4, b)
            return carry

        lax.fori_loop(0, n // 4, outer, 0)
        _writeback(acc_sh, out_hbm, c, s)

    return functools.partial(
        pl.kernel, mesh=mesh,
        out_type=jax.ShapeDtypeStruct((N_CORES, N_PAD, D), jnp.float32),
        compiler_params=pltpu.CompilerParams(use_tc_tiling_on_sc=(D % 128 == 0)),
        scratch_types=scratch)(body)


def _make_deg():
    D = 16
    mesh = plsc.VectorSubcoreMesh(core_axis_name="c", subcore_axis_name="s")
    scratch = [
        pltpu.VMEM((CHUNKS_PER_W, CHUNK), jnp.int32),
        pltpu.VMEM((CHUNK, D), jnp.float32),
        pltpu.VMEM_SHARED((N_PAD, D), jnp.float32),
    ]

    def body(dst_hbm, out_hbm, dst_v, rows0, acc_sh):
        c = lax.axis_index("c")
        s = lax.axis_index("s")
        wid = c * N_SUBCORES + s

        _zero_acc(rows0, acc_sh, s, D // 16)
        pltpu.sync_copy(dst_hbm.at[pl.ds(wid * CHUNKS_PER_W, CHUNKS_PER_W)],
                        dst_v)
        _fill(rows0, jnp.ones((16,), jnp.float32), D // 16)

        def ebody(i, carry):
            pltpu.sync_copy(rows0, acc_sh.at[dst_v.at[i]], add=True)
            return carry

        lax.fori_loop(0, CHUNKS_PER_W, ebody, 0)
        _writeback(acc_sh, out_hbm, c, s)

    return functools.partial(
        pl.kernel, mesh=mesh,
        out_type=jax.ShapeDtypeStruct((N_CORES, N_PAD, D), jnp.float32),
        scratch_types=scratch)(body)


_agg_deg = _make_deg()
_agg_h1 = _make_agg(HIDDEN)
_agg_h2 = _make_agg(48)


def _tc1_body(degp_ref, x_ref, w1_ref, t1_ref, dinv_ref):
    deg = degp_ref[0, :, 0:1] + degp_ref[1, :, 0:1] + 1.0
    dinv = lax.rsqrt(deg)
    h = jnp.dot(x_ref[...], w1_ref[...], preferred_element_type=jnp.float32)
    t1_ref[...] = h * dinv
    dinv_ref[...] = dinv


def _tc2_body(p_ref, t1_ref, dinv_ref, b1_ref, w2_ref, t2_ref):
    agg = p_ref[0] + p_ref[1] + t1_ref[...]
    out1 = jnp.maximum(agg * dinv_ref[...] + b1_ref[...], 0.0)
    h2 = jnp.dot(out1, w2_ref[...], preferred_element_type=jnp.float32)
    t2_ref[...] = h2 * dinv_ref[...]


def _tc3_body(p_ref, t2_ref, dinv_ref, b2_ref, out_ref):
    o = (p_ref[0] + p_ref[1] + t2_ref[...]) * dinv_ref[...] + b2_ref[...]
    col = lax.broadcasted_iota(jnp.int32, (N_PAD, 48), 1)
    mask = col < N_CLASSES
    om = jnp.where(mask, o, -jnp.inf)
    m = jnp.max(om, axis=1, keepdims=True)
    lse = m + jnp.log(jnp.sum(jnp.where(mask, jnp.exp(om - m), 0.0),
                              axis=1, keepdims=True))
    out_ref[...] = o - lse


def kernel(x, edge_index, W1, b1, W2, b2):
    src = edge_index[0].astype(jnp.int32)
    dst = edge_index[1].astype(jnp.int32)
    pad = jnp.full((E_PAD - N_EDGES,), N_NODES, jnp.int32)
    src_p = jnp.concatenate([src, pad]).reshape(E_PAD // CHUNK, CHUNK)
    dst_p = jnp.concatenate([dst, pad]).reshape(E_PAD // CHUNK, CHUNK)
    ei_p = jnp.stack([src_p, dst_p], axis=1)
    x_pad = jnp.zeros((N_PAD, D_IN), jnp.float32).at[:N_NODES].set(x)
    w2_pad = jnp.zeros((HIDDEN, 48), jnp.float32).at[:, :N_CLASSES].set(W2)
    b2_pad = jnp.zeros((48,), jnp.float32).at[:N_CLASSES].set(b2)

    degp = _agg_deg(dst_p)

    t1, dinv = pl.pallas_call(
        _tc1_body,
        out_shape=(jax.ShapeDtypeStruct((N_PAD, HIDDEN), jnp.float32),
                   jax.ShapeDtypeStruct((N_PAD, 1), jnp.float32)),
    )(degp, x_pad, W1)

    agg1 = _agg_h1(t1, ei_p)

    t2 = pl.pallas_call(
        _tc2_body,
        out_shape=jax.ShapeDtypeStruct((N_PAD, 48), jnp.float32),
    )(agg1, t1, dinv, b1, w2_pad)

    agg2 = _agg_h2(t2, ei_p)

    out_pad = pl.pallas_call(
        _tc3_body,
        out_shape=jax.ShapeDtypeStruct((N_PAD, 48), jnp.float32),
    )(agg2, t2, dinv, b2_pad)

    return out_pad[:N_NODES, :N_CLASSES]

# --- scband reference (transcript-rebuilt; emitter-appended) ---
"""Pipeline reference for scband-net-88072599371830 (READ-ONLY COPY).

The authoritative reference and input builder live on the scoring server;
editing this copy changes nothing except your own understanding.
"""

import jax, jax.numpy as jnp
import numpy as np

N_NODES = 10000
N_EDGES = 320000
D_IN = 128
HIDDEN = 128
N_CLASSES = 40


def setup_inputs(seed: int = 0) -> dict:
    key = jax.random.key(seed)
    k1, k2, k3, k4, k5, k6 = jax.random.split(key, 6)
    x = jax.random.normal(k1, (N_NODES, D_IN), dtype=jnp.float32)
    edge_index = jax.random.randint(k2, (2, N_EDGES), 0, N_NODES, dtype=jnp.int64)
    # Glorot-style init for GCN weights
    W1 = jax.random.normal(k3, (D_IN, HIDDEN), dtype=jnp.float32) * (1.0 / np.sqrt(D_IN))
    b1 = jnp.zeros((HIDDEN,), dtype=jnp.float32)
    W2 = jax.random.normal(k4, (HIDDEN, N_CLASSES), dtype=jnp.float32) * (1.0 / np.sqrt(HIDDEN))
    b2 = jnp.zeros((N_CLASSES,), dtype=jnp.float32)
    return {"x": x, "edge_index": edge_index, "W1": W1, "b1": b1, "W2": W2, "b2": b2}


def _gcn_conv(x, src, dst, W, b, num_nodes):
    # x' = x @ W, then symmetric-normalized scatter-add aggregation (PyG GCNConv)
    h = x @ W
    deg = jnp.zeros((num_nodes,), dtype=h.dtype).at[dst].add(1.0)
    deg_inv_sqrt = jnp.where(deg > 0, deg ** -0.5, 0.0)
    norm = deg_inv_sqrt[src] * deg_inv_sqrt[dst]
    msg = h[src] * norm[:, None]
    out = jnp.zeros((num_nodes, h.shape[1]), dtype=h.dtype).at[dst].add(msg)
    return out + b


def reference(x, edge_index, W1, b1, W2, b2):
    num_nodes = x.shape[0]
    # add self-loops (GCNConv default)
    loop = jnp.arange(num_nodes, dtype=edge_index.dtype)
    src = jnp.concatenate([edge_index[0], loop])
    dst = jnp.concatenate([edge_index[1], loop])
    # CRD: GCNConv -> ReLU -> dropout (identity in eval mode)
    h = _gcn_conv(x, src, dst, W1, b1, num_nodes)
    h = jax.nn.relu(h)
    # CLS: GCNConv -> log_softmax
    out = _gcn_conv(h, src, dst, W2, b2, num_nodes)
    out = jax.nn.log_softmax(out, axis=1)
    return out

if __name__ == "__main__":
    import jax
    _d = setup_inputs()
    print(jax.jit(kernel)(*tuple(_d.values())))

</pallas_src>

<mosaic_0001>
#map = affine_map<(d0, d1) -> (0, 0)>
#map1 = affine_map<(d0, d1) -> (0, 0, 0)>
module attributes {stable_mosaic.version = 14 : i64} {
  func.func @body(%arg0: i32, %arg1: i32, %arg2: memref<2560x128xi32, #tpu.memory_space<hbm>>, %arg3: memref<2x10240x16xf32, #tpu.memory_space<hbm>>, %arg4: memref<80x128xi32, #tpu.memory_space<vmem>>, %arg5: memref<128x16xf32, #tpu.memory_space<vmem>>, %arg6: memref<10240x16xf32, #tpu.memory_space<vmem_shared>>) attributes {dimension_semantics = [#tpu.dimension_semantics<core_parallel>, #tpu.dimension_semantics<subcore_parallel>], iteration_bounds = array<i64: 2, 16>, scalar_prefetch = 0 : i64, scratch_operands = 3 : i64, tpu.core_type = #tpu.core_type<sc_vector_subcore>, window_params = [{transform_indices = #map}, {transform_indices = #map1}]} {
    %mul3A = arith.constant 16 : i32
    %mul3A_0 = arith.muli %arg0, %mul3A : i32
    %add3A = arith.addi %mul3A_0, %arg1 : i32
    %broadcast_in_dim3A = arith.constant 0.000000e+00 : f32
    %broadcast_in_dim3A_1 = vector.broadcast %broadcast_in_dim3A : f32 to vector<16xf32>
    %scan3A = arith.constant 0 : i32
    %scan3A_2 = arith.constant 0 : i32
    %scan3A_3 = arith.constant 128 : i32
    %scan3A_4 = arith.addi %scan3A_2, %scan3A_3 : i32
    %scan3A_5 = arith.constant 1 : i32
    scf.for %scan3A_48 = %scan3A_2 to %scan3A_4 step %scan3A_5  : i32 {
      %jit3A = arith.constant 1 : i32
      %div3A = arith.divsi %scan3A_48, %jit3A : i32
      %sign3A = arith.constant 0 : i32
      %sign3A_49 = arith.cmpi sgt, %scan3A_48, %sign3A : i32
      %sign3A_50 = arith.extui %sign3A_49 : i1 to i32
      %sign3A_51 = arith.constant 0 : i32
      %sign3A_52 = arith.cmpi slt, %scan3A_48, %sign3A_51 : i32
      %sign3A_53 = arith.extui %sign3A_52 : i1 to i32
      %sign3A_54 = arith.subi %sign3A_50, %sign3A_53 : i32
      %sign3A_55 = arith.constant 0 : i32
      %sign3A_56 = arith.cmpi sgt, %jit3A, %sign3A_55 : i32
      %sign3A_57 = arith.extui %sign3A_56 : i1 to i32
      %sign3A_58 = arith.constant 0 : i32
      %sign3A_59 = arith.cmpi slt, %jit3A, %sign3A_58 : i32
      %sign3A_60 = arith.extui %sign3A_59 : i1 to i32
      %sign3A_61 = arith.subi %sign3A_57, %sign3A_60 : i32
      %ne3A = arith.cmpi ne, %sign3A_54, %sign3A_61 : i32
      %rem3A = arith.remsi %scan3A_48, %jit3A : i32
      %ne3A_62 = arith.constant 0 : i32
      %ne3A_63 = arith.cmpi ne, %rem3A, %ne3A_62 : i32
      %and3A = arith.andi %ne3A, %ne3A_63 : i1
      %sub3A = arith.constant 1 : i32
      %sub3A_64 = arith.subi %div3A, %sub3A : i32
      %select_n3A = arith.select %and3A, %sub3A_64, %div3A : i32
      %jit3A_65 = arith.constant 1 : i32
      %eq3A = arith.constant 0 : i32
      %eq3A_66 = arith.cmpi eq, %jit3A_65, %eq3A : i32
      %jit3A_67 = arith.constant 1 : i32
      %select_n3A_68 = arith.select %eq3A_66, %jit3A_67, %jit3A_65 : i32
      %rem3A_69 = arith.remsi %scan3A_48, %select_n3A_68 : i32
      %ne3A_70 = arith.constant 0 : i32
      %ne3A_71 = arith.cmpi ne, %rem3A_69, %ne3A_70 : i32
      %lt3A = arith.constant 0 : i32
      %lt3A_72 = arith.cmpi slt, %rem3A_69, %lt3A : i32
      %lt3A_73 = arith.constant 0 : i32
      %lt3A_74 = arith.cmpi slt, %select_n3A_68, %lt3A_73 : i32
      %ne3A_75 = arith.xori %lt3A_72, %lt3A_74 : i1
      %and3A_76 = arith.andi %ne3A_75, %ne3A_71 : i1
      %add3A_77 = arith.addi %rem3A_69, %select_n3A_68 : i32
      %select_n3A_78 = arith.select %and3A_76, %add3A_77, %rem3A_69 : i32
      %mul3A_79 = arith.constant 16 : i32
      %mul3A_80 = arith.muli %select_n3A_78, %mul3A_79 : i32
      %swap3A = arith.index_cast %select_n3A : i32 to index
      %swap3A_81 = arith.index_cast %mul3A_80 : i32 to index
      %swap3A_82 = tpu.vector_load %arg5[%swap3A, %swap3A_81] {strides = array<i32>} : memref<128x16xf32, #tpu.memory_space<vmem>>, vector<1x16xf32>,
      %swap3A_83 = vector.shape_cast %swap3A_82 : vector<1x16xf32> to vector<16xf32>
      %swap3A_84 = vector.shape_cast %broadcast_in_dim3A_1 : vector<16xf32> to vector<1x16xf32>
      tpu.vector_store %arg5[%swap3A, %swap3A_81], %swap3A_84 {strides = array<i32>} : memref<128x16xf32, #tpu.memory_space<vmem>>, vector<1x16xf32>,
    }
    %scan3A_6 = arith.constant 128 : i32
    %mul3A_7 = arith.constant 640 : i32
    %mul3A_8 = arith.muli %arg1, %mul3A_7 : i32
    %add3A_9 = arith.constant 0 : i32
    %add3A_10 = arith.addi %mul3A_8, %add3A_9 : i32
    "tpu.region"() ({
      %run_scoped3A = tpu.sem_alloc : memref<!tpu.dma_semaphore, #tpu.memory_space<semaphore_mem>>
      %dma_start3A = arith.constant 0 : i32
      %dma_start3A_48 = tpu.memref_slice %arg6[%add3A_10, %dma_start3A] : memref<10240x16xf32, #tpu.memory_space<vmem_shared>> -> memref<128x16xf32, #tpu.memory_space<vmem_shared>>
      %dma_start3A_49 = arith.constant 0 : i32
      %dma_start3A_50 = tpu.memref_slice %arg6[%add3A_10, %dma_start3A_49] : memref<10240x16xf32, #tpu.memory_space<vmem_shared>> -> memref<128x16xf32, #tpu.memory_space<vmem_shared>>
      tpu.enqueue_dma source(%arg5 : memref<128x16xf32, #tpu.memory_space<vmem>>) target(%dma_start3A_50 : memref<128x16xf32, #tpu.memory_space<vmem_shared>>) target_semaphore(%run_scoped3A : memref<!tpu.dma_semaphore, #tpu.memory_space<semaphore_mem>>)
      %dma_wait3A = arith.constant 0 : i32
      %dma_wait3A_51 = tpu.memref_slice %arg6[%add3A_10, %dma_wait3A] : memref<10240x16xf32, #tpu.memory_space<vmem_shared>> -> memref<128x16xf32, #tpu.memory_space<vmem_shared>>
      %dma_wait3A_52 = arith.constant 0 : i32
      %dma_wait3A_53 = tpu.memref_slice %arg6[%add3A_10, %dma_wait3A_52] : memref<10240x16xf32, #tpu.memory_space<vmem_shared>> -> memref<128x16xf32, #tpu.memory_space<vmem_shared>>
      tpu.wait_dma2 semaphore(%run_scoped3A : memref<!tpu.dma_semaphore, #tpu.memory_space<semaphore_mem>>) src(%arg5 : memref<128x16xf32, #tpu.memory_space<vmem>>) dst(%dma_wait3A_53 : memref<128x16xf32, #tpu.memory_space<vmem_shared>>)
      tpu.yield
    }) : () -> ()
    %mul3A_11 = arith.constant 640 : i32
    %mul3A_12 = arith.muli %arg1, %mul3A_11 : i32
    %add3A_13 = arith.constant 128 : i32
    %add3A_14 = arith.addi %mul3A_12, %add3A_13 : i32
    "tpu.region"() ({
      %run_scoped3A = tpu.sem_alloc : memref<!tpu.dma_semaphore, #tpu.memory_space<semaphore_mem>>
      %dma_start3A = arith.constant 0 : i32
      %dma_start3A_48 = tpu.memref_slice %arg6[%add3A_14, %dma_start3A] : memref<10240x16xf32, #tpu.memory_space<vmem_shared>> -> memref<128x16xf32, #tpu.memory_space<vmem_shared>>
      %dma_start3A_49 = arith.constant 0 : i32
      %dma_start3A_50 = tpu.memref_slice %arg6[%add3A_14, %dma_start3A_49] : memref<10240x16xf32, #tpu.memory_space<vmem_shared>> -> memref<128x16xf32, #tpu.memory_space<vmem_shared>>
      tpu.enqueue_dma source(%arg5 : memref<128x16xf32, #tpu.memory_space<vmem>>) target(%dma_start3A_50 : memref<128x16xf32, #tpu.memory_space<vmem_shared>>) target_semaphore(%run_scoped3A : memref<!tpu.dma_semaphore, #tpu.memory_space<semaphore_mem>>)
      %dma_wait3A = arith.constant 0 : i32
      %dma_wait3A_51 = tpu.memref_slice %arg6[%add3A_14, %dma_wait3A] : memref<10240x16xf32, #tpu.memory_space<vmem_shared>> -> memref<128x16xf32, #tpu.memory_space<vmem_shared>>
      %dma_wait3A_52 = arith.constant 0 : i32
      %dma_wait3A_53 = tpu.memref_slice %arg6[%add3A_14, %dma_wait3A_52] : memref<10240x16xf32, #tpu.memory_space<vmem_shared>> -> memref<128x16xf32, #tpu.memory_space<vmem_shared>>
      tpu.wait_dma2 semaphore(%run_scoped3A : memref<!tpu.dma_semaphore, #tpu.memory_space<semaphore_mem>>) src(%arg5 : memref<128x16xf32, #tpu.memory_space<vmem>>) dst(%dma_wait3A_53 : memref<128x16xf32, #tpu.memory_space<vmem_shared>>)
      tpu.yield
    }) : () -> ()
    %mul3A_15 = arith.constant 640 : i32
    %mul3A_16 = arith.muli %arg1, %mul3A_15 : i32
    %add3A_17 = arith.constant 256 : i32
    %add3A_18 = arith.addi %mul3A_16, %add3A_17 : i32
    "tpu.region"() ({
      %run_scoped3A = tpu.sem_alloc : memref<!tpu.dma_semaphore, #tpu.memory_space<semaphore_mem>>
      %dma_start3A = arith.constant 0 : i32
      %dma_start3A_48 = tpu.memref_slice %arg6[%add3A_18, %dma_start3A] : memref<10240x16xf32, #tpu.memory_space<vmem_shared>> -> memref<128x16xf32, #tpu.memory_space<vmem_shared>>
      %dma_start3A_49 = arith.constant 0 : i32
      %dma_start3A_50 = tpu.memref_slice %arg6[%add3A_18, %dma_start3A_49] : memref<10240x16xf32, #tpu.memory_space<vmem_shared>> -> memref<128x16xf32, #tpu.memory_space<vmem_shared>>
      tpu.enqueue_dma source(%arg5 : memref<128x16xf32, #tpu.memory_space<vmem>>) target(%dma_start3A_50 : memref<128x16xf32, #tpu.memory_space<vmem_shared>>) target_semaphore(%run_scoped3A : memref<!tpu.dma_semaphore, #tpu.memory_space<semaphore_mem>>)
      %dma_wait3A = arith.constant 0 : i32
      %dma_wait3A_51 = tpu.memref_slice %arg6[%add3A_18, %dma_wait3A] : memref<10240x16xf32, #tpu.memory_space<vmem_shared>> -> memref<128x16xf32, #tpu.memory_space<vmem_shared>>
      %dma_wait3A_52 = arith.constant 0 : i32
      %dma_wait3A_53 = tpu.memref_slice %arg6[%add3A_18, %dma_wait3A_52] : memref<10240x16xf32, #tpu.memory_space<vmem_shared>> -> memref<128x16xf32, #tpu.memory_space<vmem_shared>>
      tpu.wait_dma2 semaphore(%run_scoped3A : memref<!tpu.dma_semaphore, #tpu.memory_space<semaphore_mem>>) src(%arg5 : memref<128x16xf32, #tpu.memory_space<vmem>>) dst(%dma_wait3A_53 : memref<128x16xf32, #tpu.memory_space<vmem_shared>>)
      tpu.yield
    }) : () -> ()
    %mul3A_19 = arith.constant 640 : i32
    %mul3A_20 = arith.muli %arg1, %mul3A_19 : i32
    %add3A_21 = arith.constant 384 : i32
    %add3A_22 = arith.addi %mul3A_20, %add3A_21 : i32
    "tpu.region"() ({
      %run_scoped3A = tpu.sem_alloc : memref<!tpu.dma_semaphore, #tpu.memory_space<semaphore_mem>>
      %dma_start3A = arith.constant 0 : i32
      %dma_start3A_48 = tpu.memref_slice %arg6[%add3A_22, %dma_start3A] : memref<10240x16xf32, #tpu.memory_space<vmem_shared>> -> memref<128x16xf32, #tpu.memory_space<vmem_shared>>
      %dma_start3A_49 = arith.constant 0 : i32
      %dma_start3A_50 = tpu.memref_slice %arg6[%add3A_22, %dma_start3A_49] : memref<10240x16xf32, #tpu.memory_space<vmem_shared>> -> memref<128x16xf32, #tpu.memory_space<vmem_shared>>
      tpu.enqueue_dma source(%arg5 : memref<128x16xf32, #tpu.memory_space<vmem>>) target(%dma_start3A_50 : memref<128x16xf32, #tpu.memory_space<vmem_shared>>) target_semaphore(%run_scoped3A : memref<!tpu.dma_semaphore, #tpu.memory_space<semaphore_mem>>)
      %dma_wait3A = arith.constant 0 : i32
      %dma_wait3A_51 = tpu.memref_slice %arg6[%add3A_22, %dma_wait3A] : memref<10240x16xf32, #tpu.memory_space<vmem_shared>> -> memref<128x16xf32, #tpu.memory_space<vmem_shared>>
      %dma_wait3A_52 = arith.constant 0 : i32
      %dma_wait3A_53 = tpu.memref_slice %arg6[%add3A_22, %dma_wait3A_52] : memref<10240x16xf32, #tpu.memory_space<vmem_shared>> -> memref<128x16xf32, #tpu.memory_space<vmem_shared>>
      tpu.wait_dma2 semaphore(%run_scoped3A : memref<!tpu.dma_semaphore, #tpu.memory_space<semaphore_mem>>) src(%arg5 : memref<128x16xf32, #tpu.memory_space<vmem>>) dst(%dma_wait3A_53 : memref<128x16xf32, #tpu.memory_space<vmem_shared>>)
      tpu.yield
    }) : () -> ()
    %mul3A_23 = arith.constant 640 : i32
    %mul3A_24 = arith.muli %arg1, %mul3A_23 : i32
    %add3A_25 = arith.constant 512 : i32
    %add3A_26 = arith.addi %mul3A_24, %add3A_25 : i32
    "tpu.region"() ({
      %run_scoped3A = tpu.sem_alloc : memref<!tpu.dma_semaphore, #tpu.memory_space<semaphore_mem>>
      %dma_start3A = arith.constant 0 : i32
      %dma_start3A_48 = tpu.memref_slice %arg6[%add3A_26, %dma_start3A] : memref<10240x16xf32, #tpu.memory_space<vmem_shared>> -> memref<128x16xf32, #tpu.memory_space<vmem_shared>>
      %dma_start3A_49 = arith.constant 0 : i32
      %dma_start3A_50 = tpu.memref_slice %arg6[%add3A_26, %dma_start3A_49] : memref<10240x16xf32, #tpu.memory_space<vmem_shared>> -> memref<128x16xf32, #tpu.memory_space<vmem_shared>>
      tpu.enqueue_dma source(%arg5 : memref<128x16xf32, #tpu.memory_space<vmem>>) target(%dma_start3A_50 : memref<128x16xf32, #tpu.memory_space<vmem_shared>>) target_semaphore(%run_scoped3A : memref<!tpu.dma_semaphore, #tpu.memory_space<semaphore_mem>>)
      %dma_wait3A = arith.constant 0 : i32
      %dma_wait3A_51 = tpu.memref_slice %arg6[%add3A_26, %dma_wait3A] : memref<10240x16xf32, #tpu.memory_space<vmem_shared>> -> memref<128x16xf32, #tpu.memory_space<vmem_shared>>
      %dma_wait3A_52 = arith.constant 0 : i32
      %dma_wait3A_53 = tpu.memref_slice %arg6[%add3A_26, %dma_wait3A_52] : memref<10240x16xf32, #tpu.memory_space<vmem_shared>> -> memref<128x16xf32, #tpu.memory_space<vmem_shared>>
      tpu.wait_dma2 semaphore(%run_scoped3A : memref<!tpu.dma_semaphore, #tpu.memory_space<semaphore_mem>>) src(%arg5 : memref<128x16xf32, #tpu.memory_space<vmem>>) dst(%dma_wait3A_53 : memref<128x16xf32, #tpu.memory_space<vmem_shared>>)
      tpu.yield
    }) : () -> ()
    %barrier3A = arith.constant 0 : index
    tpu.barrier barrier_id(%barrier3A)
    %mul3A_27 = arith.constant 80 : i32
    %mul3A_28 = arith.muli %add3A, %mul3A_27 : i32
    "tpu.region"() ({
      %run_scoped3A = tpu.sem_alloc : memref<!tpu.dma_semaphore, #tpu.memory_space<semaphore_mem>>
      %dma_start3A = arith.constant 0 : i32
      %dma_start3A_48 = tpu.memref_slice %arg2[%mul3A_28, %dma_start3A] : memref<2560x128xi32, #tpu.memory_space<hbm>> -> memref<80x128xi32, #tpu.memory_space<hbm>>
      %dma_start3A_49 = arith.constant 0 : i32
      %dma_start3A_50 = tpu.memref_slice %arg2[%mul3A_28, %dma_start3A_49] : memref<2560x128xi32, #tpu.memory_space<hbm>> -> memref<80x128xi32, #tpu.memory_space<hbm>>
      tpu.enqueue_dma source(%dma_start3A_50 : memref<80x128xi32, #tpu.memory_space<hbm>>) target(%arg4 : memref<80x128xi32, #tpu.memory_space<vmem>>) target_semaphore(%run_scoped3A : memref<!tpu.dma_semaphore, #tpu.memory_space<semaphore_mem>>)
      %dma_wait3A = arith.constant 0 : i32
      %dma_wait3A_51 = tpu.memref_slice %arg2[%mul3A_28, %dma_wait3A] : memref<2560x128xi32, #tpu.memory_space<hbm>> -> memref<80x128xi32, #tpu.memory_space<hbm>>
      %dma_wait3A_52 = arith.constant 0 : i32
      %dma_wait3A_53 = tpu.memref_slice %arg2[%mul3A_28, %dma_wait3A_52] : memref<2560x128xi32, #tpu.memory_space<hbm>> -> memref<80x128xi32, #tpu.memory_space<hbm>>
      tpu.wait_dma2 semaphore(%run_scoped3A : memref<!tpu.dma_semaphore, #tpu.memory_space<semaphore_mem>>) src(%dma_wait3A_53 : memref<80x128xi32, #tpu.memory_space<hbm>>) dst(%arg4 : memref<80x128xi32, #tpu.memory_space<vmem>>)
      tpu.yield
    }) : () -> ()
    %broadcast_in_dim3A_29 = arith.constant 1.000000e+00 : f32
    %broadcast_in_dim3A_30 = vector.broadcast %broadcast_in_dim3A_29 : f32 to vector<16xf32>
    %scan3A_31 = arith.constant 0 : i32
    %scan3A_32 = arith.constant 0 : i32
    %scan3A_33 = arith.constant 128 : i32
    %scan3A_34 = arith.addi %scan3A_32, %scan3A_33 : i32
    %scan3A_35 = arith.constant 1 : i32
    scf.for %scan3A_48 = %scan3A_32 to %scan3A_34 step %scan3A_35  : i32 {
      %jit3A = arith.constant 1 : i32
      %div3A = arith.divsi %scan3A_48, %jit3A : i32
      %sign3A = arith.constant 0 : i32
      %sign3A_49 = arith.cmpi sgt, %scan3A_48, %sign3A : i32
      %sign3A_50 = arith.extui %sign3A_49 : i1 to i32
      %sign3A_51 = arith.constant 0 : i32
      %sign3A_52 = arith.cmpi slt, %scan3A_48, %sign3A_51 : i32
      %sign3A_53 = arith.extui %sign3A_52 : i1 to i32
      %sign3A_54 = arith.subi %sign3A_50, %sign3A_53 : i32
      %sign3A_55 = arith.constant 0 : i32
      %sign3A_56 = arith.cmpi sgt, %jit3A, %sign3A_55 : i32
      %sign3A_57 = arith.extui %sign3A_56 : i1 to i32
      %sign3A_58 = arith.constant 0 : i32
      %sign3A_59 = arith.cmpi slt, %jit3A, %sign3A_58 : i32
      %sign3A_60 = arith.extui %sign3A_59 : i1 to i32
      %sign3A_61 = arith.subi %sign3A_57, %sign3A_60 : i32
      %ne3A = arith.cmpi ne, %sign3A_54, %sign3A_61 : i32
      %rem3A = arith.remsi %scan3A_48, %jit3A : i32
      %ne3A_62 = arith.constant 0 : i32
      %ne3A_63 = arith.cmpi ne, %rem3A, %ne3A_62 : i32
      %and3A = arith.andi %ne3A, %ne3A_63 : i1
      %sub3A = arith.constant 1 : i32
      %sub3A_64 = arith.subi %div3A, %sub3A : i32
      %select_n3A = arith.select %and3A, %sub3A_64, %div3A : i32
      %jit3A_65 = arith.constant 1 : i32
      %eq3A = arith.constant 0 : i32
      %eq3A_66 = arith.cmpi eq, %jit3A_65, %eq3A : i32
      %jit3A_67 = arith.constant 1 : i32
      %select_n3A_68 = arith.select %eq3A_66, %jit3A_67, %jit3A_65 : i32
      %rem3A_69 = arith.remsi %scan3A_48, %select_n3A_68 : i32
      %ne3A_70 = arith.constant 0 : i32
      %ne3A_71 = arith.cmpi ne, %rem3A_69, %ne3A_70 : i32
      %lt3A = arith.constant 0 : i32
      %lt3A_72 = arith.cmpi slt, %rem3A_69, %lt3A : i32
      %lt3A_73 = arith.constant 0 : i32
      %lt3A_74 = arith.cmpi slt, %select_n3A_68, %lt3A_73 : i32
      %ne3A_75 = arith.xori %lt3A_72, %lt3A_74 : i1
      %and3A_76 = arith.andi %ne3A_75, %ne3A_71 : i1
      %add3A_77 = arith.addi %rem3A_69, %select_n3A_68 : i32
      %select_n3A_78 = arith.select %and3A_76, %add3A_77, %rem3A_69 : i32
      %mul3A_79 = arith.constant 16 : i32
      %mul3A_80 = arith.muli %select_n3A_78, %mul3A_79 : i32
      %swap3A = arith.index_cast %select_n3A : i32 to index
      %swap3A_81 = arith.index_cast %mul3A_80 : i32 to index
      %swap3A_82 = tpu.vector_load %arg5[%swap3A, %swap3A_81] {strides = array<i32>} : memref<128x16xf32, #tpu.memory_space<vmem>>, vector<1x16xf32>,
      %swap3A_83 = vector.shape_cast %swap3A_82 : vector<1x16xf32> to vector<16xf32>
      %swap3A_84 = vector.shape_cast %broadcast_in_dim3A_30 : vector<16xf32> to vector<1x16xf32>
      tpu.vector_store %arg5[%swap3A, %swap3A_81], %swap3A_84 {strides = array<i32>} : memref<128x16xf32, #tpu.memory_space<vmem>>, vector<1x16xf32>,
    }
    %scan3A_36 = arith.constant 128 : i32
    %scan3A_37 = arith.constant 0 : i32
    %scan3A_38 = arith.constant 0 : i32
    %scan3A_39 = arith.constant 80 : i32
    %scan3A_40 = arith.addi %scan3A_38, %scan3A_39 : i32
    %scan3A_41 = arith.constant 1 : i32
    scf.for %scan3A_48 = %scan3A_38 to %scan3A_40 step %scan3A_41  : i32 {
      "tpu.region"() ({
        %run_scoped3A = tpu.sem_alloc : memref<!tpu.dma_semaphore, #tpu.memory_space<semaphore_mem>>
        %dma_start3A = arith.constant 0 : i32
        %dma_start3A_49 = tpu.memref_slice %arg4[%scan3A_48, %dma_start3A] : memref<80x128xi32, #tpu.memory_space<vmem>> -> memref<1x128xi32, #tpu.memory_space<vmem>>
        %dma_start3A_50 = tpu.memref_squeeze %dma_start3A_49 : memref<1x128xi32, #tpu.memory_space<vmem>> -> memref<128xi32, #tpu.memory_space<vmem>>
        %dma_start3A_51 = arith.constant 0 : i32
        %dma_start3A_52 = arith.constant 0 : i32
        %dma_start3A_53 = tpu.memref_slice %arg6[%dma_start3A_51, %dma_start3A_52] : memref<10240x16xf32, #tpu.memory_space<vmem_shared>> -> memref<10240x16xf32, #tpu.memory_space<vmem_shared>>
        tpu.enqueue_indirect_dma source(%arg5 : memref<128x16xf32, #tpu.memory_space<vmem>>) target(%dma_start3A_53 : memref<10240x16xf32, #tpu.memory_space<vmem_shared>>) offsets(%dma_start3A_50 : memref<128xi32, #tpu.memory_space<vmem>>) semaphore(%run_scoped3A : memref<!tpu.dma_semaphore, #tpu.memory_space<semaphore_mem>>) {add = true}
        %dma_wait3A = arith.constant 0 : i32
        %dma_wait3A_54 = tpu.memref_slice %arg4[%scan3A_48, %dma_wait3A] : memref<80x128xi32, #tpu.memory_space<vmem>> -> memref<1x128xi32, #tpu.memory_space<vmem>>
        %dma_wait3A_55 = tpu.memref_squeeze %dma_wait3A_54 : memref<1x128xi32, #tpu.memory_space<vmem>> -> memref<128xi32, #tpu.memory_space<vmem>>
        %dma_wait3A_56 = arith.constant 0 : i32
        %dma_wait3A_57 = arith.constant 0 : i32
        %dma_wait3A_58 = tpu.memref_slice %arg6[%dma_wait3A_56, %dma_wait3A_57] : memref<10240x16xf32, #tpu.memory_space<vmem_shared>> -> memref<10240x16xf32, #tpu.memory_space<vmem_shared>>
        tpu.wait_indirect_dma semaphore(%run_scoped3A : memref<!tpu.dma_semaphore, #tpu.memory_space<semaphore_mem>>) src(%arg5 : memref<128x16xf32, #tpu.memory_space<vmem>>) dst(%dma_wait3A_58 : memref<10240x16xf32, #tpu.memory_space<vmem_shared>>)
        tpu.yield
      }) : () -> ()
    }
    %scan3A_42 = arith.constant 80 : i32
    %barrier3A_43 = arith.constant 0 : index
    tpu.barrier barrier_id(%barrier3A_43)
    %mul3A_44 = arith.constant 640 : i32
    %mul3A_45 = arith.muli %arg1, %mul3A_44 : i32
    %mul3A_46 = arith.constant 640 : i32
    %mul3A_47 = arith.muli %arg1, %mul3A_46 : i32
    "tpu.region"() ({
      %run_scoped3A = tpu.sem_alloc : memref<!tpu.dma_semaphore, #tpu.memory_space<semaphore_mem>>
      %dma_start3A = arith.constant 0 : i32
      %dma_start3A_48 = tpu.memref_slice %arg3[%arg0, %mul3A_47, %dma_start3A] : memref<2x10240x16xf32, #tpu.memory_space<hbm>> -> memref<1x640x16xf32, #tpu.memory_space<hbm>>
      %dma_start3A_49 = tpu.memref_squeeze %dma_start3A_48 : memref<1x640x16xf32, #tpu.memory_space<hbm>> -> memref<640x16xf32, #tpu.memory_space<hbm>>
      %dma_start3A_50 = arith.constant 0 : i32
      %dma_start3A_51 = tpu.memref_slice %arg6[%mul3A_45, %dma_start3A_50] : memref<10240x16xf32, #tpu.memory_space<vmem_shared>> -> memref<640x16xf32, #tpu.memory_space<vmem_shared>>
      tpu.enqueue_dma source(%dma_start3A_51 : memref<640x16xf32, #tpu.memory_space<vmem_shared>>) target(%dma_start3A_49 : memref<640x16xf32, #tpu.memory_space<hbm>>) target_semaphore(%run_scoped3A : memref<!tpu.dma_semaphore, #tpu.memory_space<semaphore_mem>>)
      %dma_wait3A = arith.constant 0 : i32
      %dma_wait3A_52 = tpu.memref_slice %arg3[%arg0, %mul3A_47, %dma_wait3A] : memref<2x10240x16xf32, #tpu.memory_space<hbm>> -> memref<1x640x16xf32, #tpu.memory_space<hbm>>
      %dma_wait3A_53 = tpu.memref_squeeze %dma_wait3A_52 : memref<1x640x16xf32, #tpu.memory_space<hbm>> -> memref<640x16xf32, #tpu.memory_space<hbm>>
      %dma_wait3A_54 = arith.constant 0 : i32
      %dma_wait3A_55 = tpu.memref_slice %arg6[%mul3A_45, %dma_wait3A_54] : memref<10240x16xf32, #tpu.memory_space<vmem_shared>> -> memref<640x16xf32, #tpu.memory_space<vmem_shared>>
      tpu.wait_dma2 semaphore(%run_scoped3A : memref<!tpu.dma_semaphore, #tpu.memory_space<semaphore_mem>>) src(%dma_wait3A_55 : memref<640x16xf32, #tpu.memory_space<vmem_shared>>) dst(%dma_wait3A_53 : memref<640x16xf32, #tpu.memory_space<hbm>>)
      tpu.yield
    }) : () -> ()
    return
  }
}

#map = affine_map<(d0, d1) -> (0, 0)>
#map1 = affine_map<(d0, d1) -> (0, 0, 0)>
module attributes {stable_mosaic.version = 14 : i64} {
  func.func @body(%arg0: i32, %arg1: i32, %arg2: memref<10240x128xf32, #tpu.memory_space<hbm>>, %arg3: memref<2560x2x128xi32, #tpu.memory_space<hbm>>, %arg4: memref<2x10240x128xf32, #tpu.memory_space<hbm>>, %arg5: memref<4x2x128xi32, #tpu.memory_space<vmem>>, %arg6: memref<128x128xf32, #tpu.memory_space<vmem>>, %arg7: memref<128x128xf32, #tpu.memory_space<vmem>>, %arg8: memref<10240x128xf32, #tpu.memory_space<vmem_shared>>, %arg9: memref<!tpu.dma_semaphore, #tpu.memory_space<semaphore_mem>>, %arg10: memref<!tpu.dma_semaphore, #tpu.memory_space<semaphore_mem>>, %arg11: memref<!tpu.dma_semaphore, #tpu.memory_space<semaphore_mem>>, %arg12: memref<!tpu.dma_semaphore, #tpu.memory_space<semaphore_mem>>, %arg13: memref<!tpu.dma_semaphore, #tpu.memory_space<semaphore_mem>>, %arg14: memref<!tpu.dma_semaphore, #tpu.memory_space<semaphore_mem>>) attributes {dimension_semantics = [#tpu.dimension_semantics<core_parallel>, #tpu.dimension_semantics<subcore_parallel>], iteration_bounds = array<i64: 2, 16>, scalar_prefetch = 0 : i64, scratch_operands = 10 : i64, tpu.core_type = #tpu.core_type<sc_vector_subcore>, window_params = [{transform_indices = #map}, {transform_indices = #map1}, {transform_indices = #map1}]} {
    %mul3A = arith.constant 16 : i32
    %mul3A_0 = arith.muli %arg0, %mul3A : i32
    %add3A = arith.addi %mul3A_0, %arg1 : i32
    %mul3A_1 = arith.constant 80 : i32
    %mul3A_2 = arith.muli %add3A, %mul3A_1 : i32
    %broadcast_in_dim3A = arith.constant 0.000000e+00 : f32
    %broadcast_in_dim3A_3 = vector.broadcast %broadcast_in_dim3A : f32 to vector<16xf32>
    %scan3A = arith.constant 0 : i32
    %scan3A_4 = arith.constant 0 : i32
    %scan3A_5 = arith.constant 1024 : i32
    %scan3A_6 = arith.addi %scan3A_4, %scan3A_5 : i32
    %scan3A_7 = arith.constant 1 : i32
    scf.for %scan3A_141 = %scan3A_4 to %scan3A_6 step %scan3A_7  : i32 {
      %jit3A = arith.constant 8 : i32
      %div3A = arith.divsi %scan3A_141, %jit3A : i32
      %sign3A = arith.constant 0 : i32
      %sign3A_142 = arith.cmpi sgt, %scan3A_141, %sign3A : i32
      %sign3A_143 = arith.extui %sign3A_142 : i1 to i32
      %sign3A_144 = arith.constant 0 : i32
      %sign3A_145 = arith.cmpi slt, %scan3A_141, %sign3A_144 : i32
      %sign3A_146 = arith.extui %sign3A_145 : i1 to i32
      %sign3A_147 = arith.subi %sign3A_143, %sign3A_146 : i32
      %sign3A_148 = arith.constant 0 : i32
      %sign3A_149 = arith.cmpi sgt, %jit3A, %sign3A_148 : i32
      %sign3A_150 = arith.extui %sign3A_149 : i1 to i32
      %sign3A_151 = arith.constant 0 : i32
      %sign3A_152 = arith.cmpi slt, %jit3A, %sign3A_151 : i32
      %sign3A_153 = arith.extui %sign3A_152 : i1 to i32
      %sign3A_154 = arith.subi %sign3A_150, %sign3A_153 : i32
      %ne3A = arith.cmpi ne, %sign3A_147, %sign3A_154 : i32
      %rem3A = arith.remsi %scan3A_141, %jit3A : i32
      %ne3A_155 = arith.constant 0 : i32
      %ne3A_156 = arith.cmpi ne, %rem3A, %ne3A_155 : i32
      %and3A = arith.andi %ne3A, %ne3A_156 : i1
      %sub3A = arith.constant 1 : i32
      %sub3A_157 = arith.subi %div3A, %sub3A : i32
      %select_n3A = arith.select %and3A, %sub3A_157, %div3A : i32
      %jit3A_158 = arith.constant 8 : i32
      %eq3A = arith.constant 0 : i32
      %eq3A_159 = arith.cmpi eq, %jit3A_158, %eq3A : i32
      %jit3A_160 = arith.constant 1 : i32
      %select_n3A_161 = arith.select %eq3A_159, %jit3A_160, %jit3A_158 : i32
      %rem3A_162 = arith.remsi %scan3A_141, %select_n3A_161 : i32
      %ne3A_163 = arith.constant 0 : i32
      %ne3A_164 = arith.cmpi ne, %rem3A_162, %ne3A_163 : i32
      %lt3A = arith.constant 0 : i32
      %lt3A_165 = arith.cmpi slt, %rem3A_162, %lt3A : i32
      %lt3A_166 = arith.constant 0 : i32
      %lt3A_167 = arith.cmpi slt, %select_n3A_161, %lt3A_166 : i32
      %ne3A_168 = arith.xori %lt3A_165, %lt3A_167 : i1
      %and3A_169 = arith.andi %ne3A_168, %ne3A_164 : i1
      %add3A_170 = arith.addi %rem3A_162, %select_n3A_161 : i32
      %select_n3A_171 = arith.select %and3A_169, %add3A_170, %rem3A_162 : i32
      %mul3A_172 = arith.constant 16 : i32
      %mul3A_173 = arith.muli %select_n3A_171, %mul3A_172 : i32
      %swap3A = arith.index_cast %select_n3A : i32 to index
      %swap3A_174 = arith.index_cast %mul3A_173 : i32 to index
      %swap3A_175 = tpu.vector_load %arg6[%swap3A, %swap3A_174] {strides = array<i32>} : memref<128x128xf32, #tpu.memory_space<vmem>>, vector<1x16xf32>,
      %swap3A_176 = vector.shape_cast %swap3A_175 : vector<1x16xf32> to vector<16xf32>
      %swap3A_177 = vector.shape_cast %broadcast_in_dim3A_3 : vector<16xf32> to vector<1x16xf32>
      tpu.vector_store %arg6[%swap3A, %swap3A_174], %swap3A_177 {strides = array<i32>} : memref<128x128xf32, #tpu.memory_space<vmem>>, vector<1x16xf32>,
    }
    %scan3A_8 = arith.constant 1024 : i32
    %mul3A_9 = arith.constant 640 : i32
    %mul3A_10 = arith.muli %arg1, %mul3A_9 : i32
    %add3A_11 = arith.constant 0 : i32
    %add3A_12 = arith.addi %mul3A_10, %add3A_11 : i32
    "tpu.region"() ({
      %run_scoped3A = tpu.sem_alloc : memref<!tpu.dma_semaphore, #tpu.memory_space<semaphore_mem>>
      %dma_start3A_141 = arith.constant 0 : i32
      %dma_start3A_142 = tpu.memref_slice %arg8[%add3A_12, %dma_start3A_141] : memref<10240x128xf32, #tpu.memory_space<vmem_shared>> -> memref<128x128xf32, #tpu.memory_space<vmem_shared>>
      %dma_start3A_143 = arith.constant 0 : i32
      %dma_start3A_144 = tpu.memref_slice %arg8[%add3A_12, %dma_start3A_143] : memref<10240x128xf32, #tpu.memory_space<vmem_shared>> -> memref<128x128xf32, #tpu.memory_space<vmem_shared>>
      tpu.enqueue_dma source(%arg6 : memref<128x128xf32, #tpu.memory_space<vmem>>) target(%dma_start3A_144 : memref<128x128xf32, #tpu.memory_space<vmem_shared>>) target_semaphore(%run_scoped3A : memref<!tpu.dma_semaphore, #tpu.memory_space<semaphore_mem>>)
      %dma_wait3A_145 = arith.constant 0 : i32
      %dma_wait3A_146 = tpu.memref_slice %arg8[%add3A_12, %dma_wait3A_145] : memref<10240x128xf32, #tpu.memory_space<vmem_shared>> -> memref<128x128xf32, #tpu.memory_space<vmem_shared>>
      %dma_wait3A_147 = arith.constant 0 : i32
      %dma_wait3A_148 = tpu.memref_slice %arg8[%add3A_12, %dma_wait3A_147] : memref<10240x128xf32, #tpu.memory_space<vmem_shared>> -> memref<128x128xf32, #tpu.memory_space<vmem_shared>>
      tpu.wait_dma2 semaphore(%run_scoped3A : memref<!tpu.dma_semaphore, #tpu.memory_space<semaphore_mem>>) src(%arg6 : memref<128x128xf32, #tpu.memory_space<vmem>>) dst(%dma_wait3A_148 : memref<128x128xf32, #tpu.memory_space<vmem_shared>>)
      tpu.yield
    }) : () -> ()
    %mul3A_13 = arith.constant 640 : i32
    %mul3A_14 = arith.muli %arg1, %mul3A_13 : i32
    %add3A_15 = arith.constant 128 : i32
    %add3A_16 = arith.addi %mul3A_14, %add3A_15 : i32
    "tpu.region"() ({
      %run_scoped3A = tpu.sem_alloc : memref<!tpu.dma_semaphore, #tpu.memory_space<semaphore_mem>>
      %dma_start3A_141 = arith.constant 0 : i32
      %dma_start3A_142 = tpu.memref_slice %arg8[%add3A_16, %dma_start3A_141] : memref<10240x128xf32, #tpu.memory_space<vmem_shared>> -> memref<128x128xf32, #tpu.memory_space<vmem_shared>>
      %dma_start3A_143 = arith.constant 0 : i32
      %dma_start3A_144 = tpu.memref_slice %arg8[%add3A_16, %dma_start3A_143] : memref<10240x128xf32, #tpu.memory_space<vmem_shared>> -> memref<128x128xf32, #tpu.memory_space<vmem_shared>>
      tpu.enqueue_dma source(%arg6 : memref<128x128xf32, #tpu.memory_space<vmem>>) target(%dma_start3A_144 : memref<128x128xf32, #tpu.memory_space<vmem_shared>>) target_semaphore(%run_scoped3A : memref<!tpu.dma_semaphore, #tpu.memory_space<semaphore_mem>>)
      %dma_wait3A_145 = arith.constant 0 : i32
      %dma_wait3A_146 = tpu.memref_slice %arg8[%add3A_16, %dma_wait3A_145] : memref<10240x128xf32, #tpu.memory_space<vmem_shared>> -> memref<128x128xf32, #tpu.memory_space<vmem_shared>>
      %dma_wait3A_147 = arith.constant 0 : i32
      %dma_wait3A_148 = tpu.memref_slice %arg8[%add3A_16, %dma_wait3A_147] : memref<10240x128xf32, #tpu.memory_space<vmem_shared>> -> memref<128x128xf32, #tpu.memory_space<vmem_shared>>
      tpu.wait_dma2 semaphore(%run_scoped3A : memref<!tpu.dma_semaphore, #tpu.memory_space<semaphore_mem>>) src(%arg6 : memref<128x128xf32, #tpu.memory_space<vmem>>) dst(%dma_wait3A_148 : memref<128x128xf32, #tpu.memory_space<vmem_shared>>)
      tpu.yield
    }) : () -> ()
    %mul3A_17 = arith.constant 640 : i32
    %mul3A_18 = arith.muli %arg1, %mul3A_17 : i32
    %add3A_19 = arith.constant 256 : i32
    %add3A_20 = arith.addi %mul3A_18, %add3A_19 : i32
    "tpu.region"() ({
      %run_scoped3A = tpu.sem_alloc : memref<!tpu.dma_semaphore, #tpu.memory_space<semaphore_mem>>
      %dma_start3A_141 = arith.constant 0 : i32
      %dma_start3A_142 = tpu.memref_slice %arg8[%add3A_20, %dma_start3A_141] : memref<10240x128xf32, #tpu.memory_space<vmem_shared>> -> memref<128x128xf32, #tpu.memory_space<vmem_shared>>
      %dma_start3A_143 = arith.constant 0 : i32
      %dma_start3A_144 = tpu.memref_slice %arg8[%add3A_20, %dma_start3A_143] : memref<10240x128xf32, #tpu.memory_space<vmem_shared>> -> memref<128x128xf32, #tpu.memory_space<vmem_shared>>
      tpu.enqueue_dma source(%arg6 : memref<128x128xf32, #tpu.memory_space<vmem>>) target(%dma_start3A_144 : memref<128x128xf32, #tpu.memory_space<vmem_shared>>) target_semaphore(%run_scoped3A : memref<!tpu.dma_semaphore, #tpu.memory_space<semaphore_mem>>)
      %dma_wait3A_145 = arith.constant 0 : i32
      %dma_wait3A_146 = tpu.memref_slice %arg8[%add3A_20, %dma_wait3A_145] : memref<10240x128xf32, #tpu.memory_space<vmem_shared>> -> memref<128x128xf32, #tpu.memory_space<vmem_shared>>
      %dma_wait3A_147 = arith.constant 0 : i32
      %dma_wait3A_148 = tpu.memref_slice %arg8[%add3A_20, %dma_wait3A_147] : memref<10240x128xf32, #tpu.memory_space<vmem_shared>> -> memref<128x128xf32, #tpu.memory_space<vmem_shared>>
      tpu.wait_dma2 semaphore(%run_scoped3A : memref<!tpu.dma_semaphore, #tpu.memory_space<semaphore_mem>>) src(%arg6 : memref<128x128xf32, #tpu.memory_space<vmem>>) dst(%dma_wait3A_148 : memref<128x128xf32, #tpu.memory_space<vmem_shared>>)
      tpu.yield
    }) : () -> ()
    %mul3A_21 = arith.constant 640 : i32
    %mul3A_22 = arith.muli %arg1, %mul3A_21 : i32
    %add3A_23 = arith.constant 384 : i32
    %add3A_24 = arith.addi %mul3A_22, %add3A_23 : i32
    "tpu.region"() ({
      %run_scoped3A = tpu.sem_alloc : memref<!tpu.dma_semaphore, #tpu.memory_space<semaphore_mem>>
      %dma_start3A_141 = arith.constant 0 : i32
      %dma_start3A_142 = tpu.memref_slice %arg8[%add3A_24, %dma_start3A_141] : memref<10240x128xf32, #tpu.memory_space<vmem_shared>> -> memref<128x128xf32, #tpu.memory_space<vmem_shared>>
      %dma_start3A_143 = arith.constant 0 : i32
      %dma_start3A_144 = tpu.memref_slice %arg8[%add3A_24, %dma_start3A_143] : memref<10240x128xf32, #tpu.memory_space<vmem_shared>> -> memref<128x128xf32, #tpu.memory_space<vmem_shared>>
      tpu.enqueue_dma source(%arg6 : memref<128x128xf32, #tpu.memory_space<vmem>>) target(%dma_start3A_144 : memref<128x128xf32, #tpu.memory_space<vmem_shared>>) target_semaphore(%run_scoped3A : memref<!tpu.dma_semaphore, #tpu.memory_space<semaphore_mem>>)
      %dma_wait3A_145 = arith.constant 0 : i32
      %dma_wait3A_146 = tpu.memref_slice %arg8[%add3A_24, %dma_wait3A_145] : memref<10240x128xf32, #tpu.memory_space<vmem_shared>> -> memref<128x128xf32, #tpu.memory_space<vmem_shared>>
      %dma_wait3A_147 = arith.constant 0 : i32
      %dma_wait3A_148 = tpu.memref_slice %arg8[%add3A_24, %dma_wait3A_147] : memref<10240x128xf32, #tpu.memory_space<vmem_shared>> -> memref<128x128xf32, #tpu.memory_space<vmem_shared>>
      tpu.wait_dma2 semaphore(%run_scoped3A : memref<!tpu.dma_semaphore, #tpu.memory_space<semaphore_mem>>) src(%arg6 : memref<128x128xf32, #tpu.memory_space<vmem>>) dst(%dma_wait3A_148 : memref<128x128xf32, #tpu.memory_space<vmem_shared>>)
      tpu.yield
    }) : () -> ()
    %mul3A_25 = arith.constant 640 : i32
    %mul3A_26 = arith.muli %arg1, %mul3A_25 : i32
    %add3A_27 = arith.constant 512 : i32
    %add3A_28 = arith.addi %mul3A_26, %add3A_27 : i32
    "tpu.region"() ({
      %run_scoped3A = tpu.sem_alloc : memref<!tpu.dma_semaphore, #tpu.memory_space<semaphore_mem>>
      %dma_start3A_141 = arith.constant 0 : i32
      %dma_start3A_142 = tpu.memref_slice %arg8[%add3A_28, %dma_start3A_141] : memref<10240x128xf32, #tpu.memory_space<vmem_shared>> -> memref<128x128xf32, #tpu.memory_space<vmem_shared>>
      %dma_start3A_143 = arith.constant 0 : i32
      %dma_start3A_144 = tpu.memref_slice %arg8[%add3A_28, %dma_start3A_143] : memref<10240x128xf32, #tpu.memory_space<vmem_shared>> -> memref<128x128xf32, #tpu.memory_space<vmem_shared>>
      tpu.enqueue_dma source(%arg6 : memref<128x128xf32, #tpu.memory_space<vmem>>) target(%dma_start3A_144 : memref<128x128xf32, #tpu.memory_space<vmem_shared>>) target_semaphore(%run_scoped3A : memref<!tpu.dma_semaphore, #tpu.memory_space<semaphore_mem>>)
      %dma_wait3A_145 = arith.constant 0 : i32
      %dma_wait3A_146 = tpu.memref_slice %arg8[%add3A_28, %dma_wait3A_145] : memref<10240x128xf32, #tpu.memory_space<vmem_shared>> -> memref<128x128xf32, #tpu.memory_space<vmem_shared>>
      %dma_wait3A_147 = arith.constant 0 : i32
      %dma_wait3A_148 = tpu.memref_slice %arg8[%add3A_28, %dma_wait3A_147] : memref<10240x128xf32, #tpu.memory_space<vmem_shared>> -> memref<128x128xf32, #tpu.memory_space<vmem_shared>>
      tpu.wait_dma2 semaphore(%run_scoped3A : memref<!tpu.dma_semaphore, #tpu.memory_space<semaphore_mem>>) src(%arg6 : memref<128x128xf32, #tpu.memory_space<vmem>>) dst(%dma_wait3A_148 : memref<128x128xf32, #tpu.memory_space<vmem_shared>>)
      tpu.yield
    }) : () -> ()
    %barrier3A = arith.constant 0 : index
    tpu.barrier barrier_id(%barrier3A)
    %add3A_29 = arith.constant 0 : i32
    %add3A_30 = arith.addi %mul3A_2, %add3A_29 : i32
    %dma_start3A = arith.constant 0 : i32
    %dma_start3A_31 = arith.constant 0 : i32
    %dma_start3A_32 = arith.constant 0 : i32
    %dma_start3A_33 = tpu.memref_slice %arg5[%dma_start3A, %dma_start3A_31, %dma_start3A_32] : memref<4x2x128xi32, #tpu.memory_space<vmem>> -> memref<1x2x128xi32, #tpu.memory_space<vmem>>
    %dma_start3A_34 = tpu.memref_squeeze %dma_start3A_33 : memref<1x2x128xi32, #tpu.memory_space<vmem>> -> memref<2x128xi32, #tpu.memory_space<vmem>>
    %dma_start3A_35 = arith.constant 0 : i32
    %dma_start3A_36 = arith.constant 0 : i32
    %dma_start3A_37 = tpu.memref_slice %arg3[%add3A_30, %dma_start3A_35, %dma_start3A_36] : memref<2560x2x128xi32, #tpu.memory_space<hbm>> -> memref<1x2x128xi32, #tpu.memory_space<hbm>>
    %dma_start3A_38 = tpu.memref_squeeze %dma_start3A_37 : memref<1x2x128xi32, #tpu.memory_space<hbm>> -> memref<2x128xi32, #tpu.memory_space<hbm>>
    %dma_start3A_39 = arith.constant 0 : i32
    %dma_start3A_40 = arith.constant 0 : i32
    %dma_start3A_41 = tpu.memref_slice %arg5[%dma_start3A, %dma_start3A_39, %dma_start3A_40] : memref<4x2x128xi32, #tpu.memory_space<vmem>> -> memref<1x2x128xi32, #tpu.memory_space<vmem>>
    %dma_start3A_42 = tpu.memref_squeeze %dma_start3A_41 : memref<1x2x128xi32, #tpu.memory_space<vmem>> -> memref<2x128xi32, #tpu.memory_space<vmem>>
    %dma_start3A_43 = arith.constant 0 : i32
    %dma_start3A_44 = arith.constant 0 : i32
    %dma_start3A_45 = tpu.memref_slice %arg3[%add3A_30, %dma_start3A_43, %dma_start3A_44] : memref<2560x2x128xi32, #tpu.memory_space<hbm>> -> memref<1x2x128xi32, #tpu.memory_space<hbm>>
    %dma_start3A_46 = tpu.memref_squeeze %dma_start3A_45 : memref<1x2x128xi32, #tpu.memory_space<hbm>> -> memref<2x128xi32, #tpu.memory_space<hbm>>
    tpu.enqueue_dma source(%dma_start3A_46 : memref<2x128xi32, #tpu.memory_space<hbm>>) target(%dma_start3A_42 : memref<2x128xi32, #tpu.memory_space<vmem>>) target_semaphore(%arg11 : memref<!tpu.dma_semaphore, #tpu.memory_space<semaphore_mem>>)
    %add3A_47 = arith.constant 1 : i32
    %add3A_48 = arith.addi %mul3A_2, %add3A_47 : i32
    %dma_start3A_49 = arith.constant 1 : i32
    %dma_start3A_50 = arith.constant 0 : i32
    %dma_start3A_51 = arith.constant 0 : i32
    %dma_start3A_52 = tpu.memref_slice %arg5[%dma_start3A_49, %dma_start3A_50, %dma_start3A_51] : memref<4x2x128xi32, #tpu.memory_space<vmem>> -> memref<1x2x128xi32, #tpu.memory_space<vmem>>
    %dma_start3A_53 = tpu.memref_squeeze %dma_start3A_52 : memref<1x2x128xi32, #tpu.memory_space<vmem>> -> memref<2x128xi32, #tpu.memory_space<vmem>>
    %dma_start3A_54 = arith.constant 0 : i32
    %dma_start3A_55 = arith.constant 0 : i32
    %dma_start3A_56 = tpu.memref_slice %arg3[%add3A_48, %dma_start3A_54, %dma_start3A_55] : memref<2560x2x128xi32, #tpu.memory_space<hbm>> -> memref<1x2x128xi32, #tpu.memory_space<hbm>>
    %dma_start3A_57 = tpu.memref_squeeze %dma_start3A_56 : memref<1x2x128xi32, #tpu.memory_space<hbm>> -> memref<2x128xi32, #tpu.memory_space<hbm>>
    %dma_start3A_58 = arith.constant 0 : i32
    %dma_start3A_59 = arith.constant 0 : i32
    %dma_start3A_60 = tpu.memref_slice %arg5[%dma_start3A_49, %dma_start3A_58, %dma_start3A_59] : memref<4x2x128xi32, #tpu.memory_space<vmem>> -> memref<1x2x128xi32, #tpu.memory_space<vmem>>
    %dma_start3A_61 = tpu.memref_squeeze %dma_start3A_60 : memref<1x2x128xi32, #tpu.memory_space<vmem>> -> memref<2x128xi32, #tpu.memory_space<vmem>>
    %dma_start3A_62 = arith.constant 0 : i32
    %dma_start3A_63 = arith.constant 0 : i32
    %dma_start3A_64 = tpu.memref_slice %arg3[%add3A_48, %dma_start3A_62, %dma_start3A_63] : memref<2560x2x128xi32, #tpu.memory_space<hbm>> -> memref<1x2x128xi32, #tpu.memory_space<hbm>>
    %dma_start3A_65 = tpu.memref_squeeze %dma_start3A_64 : memref<1x2x128xi32, #tpu.memory_space<hbm>> -> memref<2x128xi32, #tpu.memory_space<hbm>>
    tpu.enqueue_dma source(%dma_start3A_65 : memref<2x128xi32, #tpu.memory_space<hbm>>) target(%dma_start3A_61 : memref<2x128xi32, #tpu.memory_space<vmem>>) target_semaphore(%arg12 : memref<!tpu.dma_semaphore, #tpu.memory_space<semaphore_mem>>)
    %add3A_66 = arith.constant 2 : i32
    %add3A_67 = arith.addi %mul3A_2, %add3A_66 : i32
    %dma_start3A_68 = arith.constant 2 : i32
    %dma_start3A_69 = arith.constant 0 : i32
    %dma_start3A_70 = arith.constant 0 : i32
    %dma_start3A_71 = tpu.memref_slice %arg5[%dma_start3A_68, %dma_start3A_69, %dma_start3A_70] : memref<4x2x128xi32, #tpu.memory_space<vmem>> -> memref<1x2x128xi32, #tpu.memory_space<vmem>>
    %dma_start3A_72 = tpu.memref_squeeze %dma_start3A_71 : memref<1x2x128xi32, #tpu.memory_space<vmem>> -> memref<2x128xi32, #tpu.memory_space<vmem>>
    %dma_start3A_73 = arith.constant 0 : i32
    %dma_start3A_74 = arith.constant 0 : i32
    %dma_start3A_75 = tpu.memref_slice %arg3[%add3A_67, %dma_start3A_73, %dma_start3A_74] : memref<2560x2x128xi32, #tpu.memory_space<hbm>> -> memref<1x2x128xi32, #tpu.memory_space<hbm>>
    %dma_start3A_76 = tpu.memref_squeeze %dma_start3A_75 : memref<1x2x128xi32, #tpu.memory_space<hbm>> -> memref<2x128xi32, #tpu.memory_space<hbm>>
    %dma_start3A_77 = arith.constant 0 : i32
    %dma_start3A_78 = arith.constant 0 : i32
    %dma_start3A_79 = tpu.memref_slice %arg5[%dma_start3A_68, %dma_start3A_77, %dma_start3A_78] : memref<4x2x128xi32, #tpu.memory_space<vmem>> -> memref<1x2x128xi32, #tpu.memory_space<vmem>>
    %dma_start3A_80 = tpu.memref_squeeze %dma_start3A_79 : memref<1x2x128xi32, #tpu.memory_space<vmem>> -> memref<2x128xi32, #tpu.memory_space<vmem>>
    %dma_start3A_81 = arith.constant 0 : i32
    %dma_start3A_82 = arith.constant 0 : i32
    %dma_start3A_83 = tpu.memref_slice %arg3[%add3A_67, %dma_start3A_81, %dma_start3A_82] : memref<2560x2x128xi32, #tpu.memory_space<hbm>> -> memref<1x2x128xi32, #tpu.memory_space<hbm>>
    %dma_start3A_84 = tpu.memref_squeeze %dma_start3A_83 : memref<1x2x128xi32, #tpu.memory_space<hbm>> -> memref<2x128xi32, #tpu.memory_space<hbm>>
    tpu.enqueue_dma source(%dma_start3A_84 : memref<2x128xi32, #tpu.memory_space<hbm>>) target(%dma_start3A_80 : memref<2x128xi32, #tpu.memory_space<vmem>>) target_semaphore(%arg13 : memref<!tpu.dma_semaphore, #tpu.memory_space<semaphore_mem>>)
    %add3A_85 = arith.constant 3 : i32
    %add3A_86 = arith.addi %mul3A_2, %add3A_85 : i32
    %dma_start3A_87 = arith.constant 3 : i32
    %dma_start3A_88 = arith.constant 0 : i32
    %dma_start3A_89 = arith.constant 0 : i32
    %dma_start3A_90 = tpu.memref_slice %arg5[%dma_start3A_87, %dma_start3A_88, %dma_start3A_89] : memref<4x2x128xi32, #tpu.memory_space<vmem>> -> memref<1x2x128xi32, #tpu.memory_space<vmem>>
    %dma_start3A_91 = tpu.memref_squeeze %dma_start3A_90 : memref<1x2x128xi32, #tpu.memory_space<vmem>> -> memref<2x128xi32, #tpu.memory_space<vmem>>
    %dma_start3A_92 = arith.constant 0 : i32
    %dma_start3A_93 = arith.constant 0 : i32
    %dma_start3A_94 = tpu.memref_slice %arg3[%add3A_86, %dma_start3A_92, %dma_start3A_93] : memref<2560x2x128xi32, #tpu.memory_space<hbm>> -> memref<1x2x128xi32, #tpu.memory_space<hbm>>
    %dma_start3A_95 = tpu.memref_squeeze %dma_start3A_94 : memref<1x2x128xi32, #tpu.memory_space<hbm>> -> memref<2x128xi32, #tpu.memory_space<hbm>>
    %dma_start3A_96 = arith.constant 0 : i32
    %dma_start3A_97 = arith.constant 0 : i32
    %dma_start3A_98 = tpu.memref_slice %arg5[%dma_start3A_87, %dma_start3A_96, %dma_start3A_97] : memref<4x2x128xi32, #tpu.memory_space<vmem>> -> memref<1x2x128xi32, #tpu.memory_space<vmem>>
    %dma_start3A_99 = tpu.memref_squeeze %dma_start3A_98 : memref<1x2x128xi32, #tpu.memory_space<vmem>> -> memref<2x128xi32, #tpu.memory_space<vmem>>
    %dma_start3A_100 = arith.constant 0 : i32
    %dma_start3A_101 = arith.constant 0 : i32
    %dma_start3A_102 = tpu.memref_slice %arg3[%add3A_86, %dma_start3A_100, %dma_start3A_101] : memref<2560x2x128xi32, #tpu.memory_space<hbm>> -> memref<1x2x128xi32, #tpu.memory_space<hbm>>
    %dma_start3A_103 = tpu.memref_squeeze %dma_start3A_102 : memref<1x2x128xi32, #tpu.memory_space<hbm>> -> memref<2x128xi32, #tpu.memory_space<hbm>>
    tpu.enqueue_dma source(%dma_start3A_103 : memref<2x128xi32, #tpu.memory_space<hbm>>) target(%dma_start3A_99 : memref<2x128xi32, #tpu.memory_space<vmem>>) target_semaphore(%arg14 : memref<!tpu.dma_semaphore, #tpu.memory_space<semaphore_mem>>)
    %add3A_104 = arith.constant 0 : i32
    %add3A_105 = arith.addi %mul3A_2, %add3A_104 : i32
    %dma_wait3A = arith.constant 0 : i32
    %dma_wait3A_106 = arith.constant 0 : i32
    %dma_wait3A_107 = arith.constant 0 : i32
    %dma_wait3A_108 = tpu.memref_slice %arg5[%dma_wait3A, %dma_wait3A_106, %dma_wait3A_107] : memref<4x2x128xi32, #tpu.memory_space<vmem>> -> memref<1x2x128xi32, #tpu.memory_space<vmem>>
    %dma_wait3A_109 = tpu.memref_squeeze %dma_wait3A_108 : memref<1x2x128xi32, #tpu.memory_space<vmem>> -> memref<2x128xi32, #tpu.memory_space<vmem>>
    %dma_wait3A_110 = arith.constant 0 : i32
    %dma_wait3A_111 = arith.constant 0 : i32
    %dma_wait3A_112 = tpu.memref_slice %arg3[%add3A_105, %dma_wait3A_110, %dma_wait3A_111] : memref<2560x2x128xi32, #tpu.memory_space<hbm>> -> memref<1x2x128xi32, #tpu.memory_space<hbm>>
    %dma_wait3A_113 = tpu.memref_squeeze %dma_wait3A_112 : memref<1x2x128xi32, #tpu.memory_space<hbm>> -> memref<2x128xi32, #tpu.memory_space<hbm>>
    %dma_wait3A_114 = arith.constant 0 : i32
    %dma_wait3A_115 = arith.constant 0 : i32
    %dma_wait3A_116 = tpu.memref_slice %arg5[%dma_wait3A, %dma_wait3A_114, %dma_wait3A_115] : memref<4x2x128xi32, #tpu.memory_space<vmem>> -> memref<1x2x128xi32, #tpu.memory_space<vmem>>
    %dma_wait3A_117 = tpu.memref_squeeze %dma_wait3A_116 : memref<1x2x128xi32, #tpu.memory_space<vmem>> -> memref<2x128xi32, #tpu.memory_space<vmem>>
    %dma_wait3A_118 = arith.constant 0 : i32
    %dma_wait3A_119 = arith.constant 0 : i32
    %dma_wait3A_120 = tpu.memref_slice %arg3[%add3A_105, %dma_wait3A_118, %dma_wait3A_119] : memref<2560x2x128xi32, #tpu.memory_space<hbm>> -> memref<1x2x128xi32, #tpu.memory_space<hbm>>
    %dma_wait3A_121 = tpu.memref_squeeze %dma_wait3A_120 : memref<1x2x128xi32, #tpu.memory_space<hbm>> -> memref<2x128xi32, #tpu.memory_space<hbm>>
    tpu.wait_dma2 semaphore(%arg11 : memref<!tpu.dma_semaphore, #tpu.memory_space<semaphore_mem>>) src(%dma_wait3A_121 : memref<2x128xi32, #tpu.memory_space<hbm>>) dst(%dma_wait3A_117 : memref<2x128xi32, #tpu.memory_space<vmem>>)
    %dma_start3A_122 = arith.constant 0 : i32
    %dma_start3A_123 = arith.constant 0 : i32
    %dma_start3A_124 = arith.constant 0 : i32
    %dma_start3A_125 = tpu.memref_slice %arg5[%dma_start3A_122, %dma_start3A_123, %dma_start3A_124] : memref<4x2x128xi32, #tpu.memory_space<vmem>> -> memref<1x1x128xi32, #tpu.memory_space<vmem>>
    %dma_start3A_126 = tpu.memref_squeeze %dma_start3A_125 : memref<1x1x128xi32, #tpu.memory_space<vmem>> -> memref<128xi32, #tpu.memory_space<vmem>>
    %dma_start3A_127 = arith.constant 0 : i32
    %dma_start3A_128 = arith.constant 0 : i32
    %dma_start3A_129 = tpu.memref_slice %arg2[%dma_start3A_127, %dma_start3A_128] : memref<10240x128xf32, #tpu.memory_space<hbm>> -> memref<10240x128xf32, #tpu.memory_space<hbm>>
    tpu.enqueue_indirect_dma source(%dma_start3A_129 : memref<10240x128xf32, #tpu.memory_space<hbm>>) target(%arg6 : memref<128x128xf32, #tpu.memory_space<vmem>>) offsets(%dma_start3A_126 : memref<128xi32, #tpu.memory_space<vmem>>) semaphore(%arg9 : memref<!tpu.dma_semaphore, #tpu.memory_space<semaphore_mem>>)
    %scan3A_130 = arith.constant 0 : i32
    %scan3A_131 = arith.constant 0 : i32
    %scan3A_132 = arith.constant 20 : i32
    %scan3A_133 = arith.addi %scan3A_131, %scan3A_132 : i32
    %scan3A_134 = arith.constant 1 : i32
    scf.for %scan3A_141 = %scan3A_131 to %scan3A_133 step %scan3A_134  : i32 {
      %mul3A_142 = arith.constant 4 : i32
      %mul3A_143 = arith.muli %scan3A_141, %mul3A_142 : i32
      %add3A_144 = arith.constant 0 : i32
      %add3A_145 = arith.addi %mul3A_143, %add3A_144 : i32
      %add3A_146 = arith.constant 1 : i32
      %add3A_147 = arith.addi %add3A_145, %add3A_146 : i32
      %lt3A = arith.constant 80 : i32
      %lt3A_148 = arith.cmpi slt, %add3A_147, %lt3A : i32
      %convert_element_type3A = arith.extui %lt3A_148 : i1 to i32
      %cond3A = arith.constant 0 : i32
      %cond3A_149 = arith.cmpi ne, %convert_element_type3A, %cond3A : i32
      scf.if %cond3A_149 {
        %add3A_250 = arith.constant 1 : i32
        %add3A_251 = arith.addi %add3A_145, %add3A_250 : i32
        %add3A_252 = arith.addi %mul3A_2, %add3A_251 : i32
        %dma_wait3A_253 = arith.constant 1 : i32
        %dma_wait3A_254 = arith.constant 0 : i32
        %dma_wait3A_255 = arith.constant 0 : i32
        %dma_wait3A_256 = tpu.memref_slice %arg5[%dma_wait3A_253, %dma_wait3A_254, %dma_wait3A_255] : memref<4x2x128xi32, #tpu.memory_space<vmem>> -> memref<1x2x128xi32, #tpu.memory_space<vmem>>
        %dma_wait3A_257 = tpu.memref_squeeze %dma_wait3A_256 : memref<1x2x128xi32, #tpu.memory_space<vmem>> -> memref<2x128xi32, #tpu.memory_space<vmem>>
        %dma_wait3A_258 = arith.constant 0 : i32
        %dma_wait3A_259 = arith.constant 0 : i32
        %dma_wait3A_260 = tpu.memref_slice %arg3[%add3A_252, %dma_wait3A_258, %dma_wait3A_259] : memref<2560x2x128xi32, #tpu.memory_space<hbm>> -> memref<1x2x128xi32, #tpu.memory_space<hbm>>
        %dma_wait3A_261 = tpu.memref_squeeze %dma_wait3A_260 : memref<1x2x128xi32, #tpu.memory_space<hbm>> -> memref<2x128xi32, #tpu.memory_space<hbm>>
        %dma_wait3A_262 = arith.constant 0 : i32
        %dma_wait3A_263 = arith.constant 0 : i32
        %dma_wait3A_264 = tpu.memref_slice %arg5[%dma_wait3A_253, %dma_wait3A_262, %dma_wait3A_263] : memref<4x2x128xi32, #tpu.memory_space<vmem>> -> memref<1x2x128xi32, #tpu.memory_space<vmem>>
        %dma_wait3A_265 = tpu.memref_squeeze %dma_wait3A_264 : memref<1x2x128xi32, #tpu.memory_space<vmem>> -> memref<2x128xi32, #tpu.memory_space<vmem>>
        %dma_wait3A_266 = arith.constant 0 : i32
        %dma_wait3A_267 = arith.constant 0 : i32
        %dma_wait3A_268 = tpu.memref_slice %arg3[%add3A_252, %dma_wait3A_266, %dma_wait3A_267] : memref<2560x2x128xi32, #tpu.memory_space<hbm>> -> memref<1x2x128xi32, #tpu.memory_space<hbm>>
        %dma_wait3A_269 = tpu.memref_squeeze %dma_wait3A_268 : memref<1x2x128xi32, #tpu.memory_space<hbm>> -> memref<2x128xi32, #tpu.memory_space<hbm>>
        tpu.wait_dma2 semaphore(%arg12 : memref<!tpu.dma_semaphore, #tpu.memory_space<semaphore_mem>>) src(%dma_wait3A_269 : memref<2x128xi32, #tpu.memory_space<hbm>>) dst(%dma_wait3A_265 : memref<2x128xi32, #tpu.memory_space<vmem>>)
        %dma_start3A_270 = arith.constant 1 : i32
        %dma_start3A_271 = arith.constant 0 : i32
        %dma_start3A_272 = arith.constant 0 : i32
        %dma_start3A_273 = tpu.memref_slice %arg5[%dma_start3A_270, %dma_start3A_271, %dma_start3A_272] : memref<4x2x128xi32, #tpu.memory_space<vmem>> -> memref<1x1x128xi32, #tpu.memory_space<vmem>>
        %dma_start3A_274 = tpu.memref_squeeze %dma_start3A_273 : memref<1x1x128xi32, #tpu.memory_space<vmem>> -> memref<128xi32, #tpu.memory_space<vmem>>
        %dma_start3A_275 = arith.constant 0 : i32
        %dma_start3A_276 = arith.constant 0 : i32
        %dma_start3A_277 = tpu.memref_slice %arg2[%dma_start3A_275, %dma_start3A_276] : memref<10240x128xf32, #tpu.memory_space<hbm>> -> memref<10240x128xf32, #tpu.memory_space<hbm>>
        tpu.enqueue_indirect_dma source(%dma_start3A_277 : memref<10240x128xf32, #tpu.memory_space<hbm>>) target(%arg7 : memref<128x128xf32, #tpu.memory_space<vmem>>) offsets(%dma_start3A_274 : memref<128xi32, #tpu.memory_space<vmem>>) semaphore(%arg10 : memref<!tpu.dma_semaphore, #tpu.memory_space<semaphore_mem>>)
      } else {
      }
      %dma_wait3A_150 = arith.constant 0 : i32
      %dma_wait3A_151 = arith.constant 0 : i32
      %dma_wait3A_152 = arith.constant 0 : i32
      %dma_wait3A_153 = tpu.memref_slice %arg5[%dma_wait3A_150, %dma_wait3A_151, %dma_wait3A_152] : memref<4x2x128xi32, #tpu.memory_space<vmem>> -> memref<1x1x128xi32, #tpu.memory_space<vmem>>
      %dma_wait3A_154 = tpu.memref_squeeze %dma_wait3A_153 : memref<1x1x128xi32, #tpu.memory_space<vmem>> -> memref<128xi32, #tpu.memory_space<vmem>>
      %dma_wait3A_155 = arith.constant 0 : i32
      %dma_wait3A_156 = arith.constant 0 : i32
      %dma_wait3A_157 = tpu.memref_slice %arg2[%dma_wait3A_155, %dma_wait3A_156] : memref<10240x128xf32, #tpu.memory_space<hbm>> -> memref<10240x128xf32, #tpu.memory_space<hbm>>
      tpu.wait_indirect_dma semaphore(%arg9 : memref<!tpu.dma_semaphore, #tpu.memory_space<semaphore_mem>>) src(%dma_wait3A_157 : memref<10240x128xf32, #tpu.memory_space<hbm>>) dst(%arg6 : memref<128x128xf32, #tpu.memory_space<vmem>>)
      %run_scoped3A = arith.constant 0 : i32
      %run_scoped3A_158 = arith.constant 1 : i32
      "tpu.region"() ({
        %run_scoped3A_250 = tpu.sem_alloc : memref<!tpu.dma_semaphore, #tpu.memory_space<semaphore_mem>>
        %dma_start3A_251 = arith.constant 0 : i32
        %dma_start3A_252 = tpu.memref_slice %arg5[%run_scoped3A, %run_scoped3A_158, %dma_start3A_251] : memref<4x2x128xi32, #tpu.memory_space<vmem>> -> memref<1x1x128xi32, #tpu.memory_space<vmem>>
        %dma_start3A_253 = tpu.memref_squeeze %dma_start3A_252 : memref<1x1x128xi32, #tpu.memory_space<vmem>> -> memref<128xi32, #tpu.memory_space<vmem>>
        %dma_start3A_254 = arith.constant 0 : i32
        %dma_start3A_255 = arith.constant 0 : i32
        %dma_start3A_256 = tpu.memref_slice %arg8[%dma_start3A_254, %dma_start3A_255] : memref<10240x128xf32, #tpu.memory_space<vmem_shared>> -> memref<10240x128xf32, #tpu.memory_space<vmem_shared>>
        tpu.enqueue_indirect_dma source(%arg6 : memref<128x128xf32, #tpu.memory_space<vmem>>) target(%dma_start3A_256 : memref<10240x128xf32, #tpu.memory_space<vmem_shared>>) offsets(%dma_start3A_253 : memref<128xi32, #tpu.memory_space<vmem>>) semaphore(%run_scoped3A_250 : memref<!tpu.dma_semaphore, #tpu.memory_space<semaphore_mem>>) {add = true}
        %dma_wait3A_257 = arith.constant 0 : i32
        %dma_wait3A_258 = tpu.memref_slice %arg5[%run_scoped3A, %run_scoped3A_158, %dma_wait3A_257] : memref<4x2x128xi32, #tpu.memory_space<vmem>> -> memref<1x1x128xi32, #tpu.memory_space<vmem>>
        %dma_wait3A_259 = tpu.memref_squeeze %dma_wait3A_258 : memref<1x1x128xi32, #tpu.memory_space<vmem>> -> memref<128xi32, #tpu.memory_space<vmem>>
        %dma_wait3A_260 = arith.constant 0 : i32
        %dma_wait3A_261 = arith.constant 0 : i32
        %dma_wait3A_262 = tpu.memref_slice %arg8[%dma_wait3A_260, %dma_wait3A_261] : memref<10240x128xf32, #tpu.memory_space<vmem_shared>> -> memref<10240x128xf32, #tpu.memory_space<vmem_shared>>
        tpu.wait_indirect_dma semaphore(%run_scoped3A_250 : memref<!tpu.dma_semaphore, #tpu.memory_space<semaphore_mem>>) src(%arg6 : memref<128x128xf32, #tpu.memory_space<vmem>>) dst(%dma_wait3A_262 : memref<10240x128xf32, #tpu.memory_space<vmem_shared>>)
        tpu.yield
      }) : () -> ()
      %add3A_159 = arith.constant 4 : i32
      %add3A_160 = arith.addi %add3A_145, %add3A_159 : i32
      %lt3A_161 = arith.constant 80 : i32
      %lt3A_162 = arith.cmpi slt, %add3A_160, %lt3A_161 : i32
      %convert_element_type3A_163 = arith.extui %lt3A_162 : i1 to i32
      %cond3A_164 = arith.constant 0 : i32
      %cond3A_165 = arith.cmpi ne, %convert_element_type3A_163, %cond3A_164 : i32
      scf.if %cond3A_165 {
        %add3A_250 = arith.constant 4 : i32
        %add3A_251 = arith.addi %add3A_145, %add3A_250 : i32
        %add3A_252 = arith.addi %mul3A_2, %add3A_251 : i32
        %dma_start3A_253 = arith.constant 0 : i32
        %dma_start3A_254 = arith.constant 0 : i32
        %dma_start3A_255 = arith.constant 0 : i32
        %dma_start3A_256 = tpu.memref_slice %arg5[%dma_start3A_253, %dma_start3A_254, %dma_start3A_255] : memref<4x2x128xi32, #tpu.memory_space<vmem>> -> memref<1x2x128xi32, #tpu.memory_space<vmem>>
        %dma_start3A_257 = tpu.memref_squeeze %dma_start3A_256 : memref<1x2x128xi32, #tpu.memory_space<vmem>> -> memref<2x128xi32, #tpu.memory_space<vmem>>
        %dma_start3A_258 = arith.constant 0 : i32
        %dma_start3A_259 = arith.constant 0 : i32
        %dma_start3A_260 = tpu.memref_slice %arg3[%add3A_252, %dma_start3A_258, %dma_start3A_259] : memref<2560x2x128xi32, #tpu.memory_space<hbm>> -> memref<1x2x128xi32, #tpu.memory_space<hbm>>
        %dma_start3A_261 = tpu.memref_squeeze %dma_start3A_260 : memref<1x2x128xi32, #tpu.memory_space<hbm>> -> memref<2x128xi32, #tpu.memory_space<hbm>>
        %dma_start3A_262 = arith.constant 0 : i32
        %dma_start3A_263 = arith.constant 0 : i32
        %dma_start3A_264 = tpu.memref_slice %arg5[%dma_start3A_253, %dma_start3A_262, %dma_start3A_263] : memref<4x2x128xi32, #tpu.memory_space<vmem>> -> memref<1x2x128xi32, #tpu.memory_space<vmem>>
        %dma_start3A_265 = tpu.memref_squeeze %dma_start3A_264 : memref<1x2x128xi32, #tpu.memory_space<vmem>> -> memref<2x128xi32, #tpu.memory_space<vmem>>
        %dma_start3A_266 = arith.constant 0 : i32
        %dma_start3A_267 = arith.constant 0 : i32
        %dma_start3A_268 = tpu.memref_slice %arg3[%add3A_252, %dma_start3A_266, %dma_start3A_267] : memref<2560x2x128xi32, #tpu.memory_space<hbm>> -> memref<1x2x128xi32, #tpu.memory_space<hbm>>
        %dma_start3A_269 = tpu.memref_squeeze %dma_start3A_268 : memref<1x2x128xi32, #tpu.memory_space<hbm>> -> memref<2x128xi32, #tpu.memory_space<hbm>>
        tpu.enqueue_dma source(%dma_start3A_269 : memref<2x128xi32, #tpu.memory_space<hbm>>) target(%dma_start3A_265 : memref<2x128xi32, #tpu.memory_space<vmem>>) target_semaphore(%arg11 : memref<!tpu.dma_semaphore, #tpu.memory_space<semaphore_mem>>)
      } else {
      }
      %mul3A_166 = arith.constant 4 : i32
      %mul3A_167 = arith.muli %scan3A_141, %mul3A_166 : i32
      %add3A_168 = arith.constant 1 : i32
      %add3A_169 = arith.addi %mul3A_167, %add3A_168 : i32
      %add3A_170 = arith.constant 1 : i32
      %add3A_171 = arith.addi %add3A_169, %add3A_170 : i32
      %lt3A_172 = arith.constant 80 : i32
      %lt3A_173 = arith.cmpi slt, %add3A_171, %lt3A_172 : i32
      %convert_element_type3A_174 = arith.extui %lt3A_173 : i1 to i32
      %cond3A_175 = arith.constant 0 : i32
      %cond3A_176 = arith.cmpi ne, %convert_element_type3A_174, %cond3A_175 : i32
      scf.if %cond3A_176 {
        %add3A_250 = arith.constant 1 : i32
        %add3A_251 = arith.addi %add3A_169, %add3A_250 : i32
        %add3A_252 = arith.addi %mul3A_2, %add3A_251 : i32
        %dma_wait3A_253 = arith.constant 2 : i32
        %dma_wait3A_254 = arith.constant 0 : i32
        %dma_wait3A_255 = arith.constant 0 : i32
        %dma_wait3A_256 = tpu.memref_slice %arg5[%dma_wait3A_253, %dma_wait3A_254, %dma_wait3A_255] : memref<4x2x128xi32, #tpu.memory_space<vmem>> -> memref<1x2x128xi32, #tpu.memory_space<vmem>>
        %dma_wait3A_257 = tpu.memref_squeeze %dma_wait3A_256 : memref<1x2x128xi32, #tpu.memory_space<vmem>> -> memref<2x128xi32, #tpu.memory_space<vmem>>
        %dma_wait3A_258 = arith.constant 0 : i32
        %dma_wait3A_259 = arith.constant 0 : i32
        %dma_wait3A_260 = tpu.memref_slice %arg3[%add3A_252, %dma_wait3A_258, %dma_wait3A_259] : memref<2560x2x128xi32, #tpu.memory_space<hbm>> -> memref<1x2x128xi32, #tpu.memory_space<hbm>>
        %dma_wait3A_261 = tpu.memref_squeeze %dma_wait3A_260 : memref<1x2x128xi32, #tpu.memory_space<hbm>> -> memref<2x128xi32, #tpu.memory_space<hbm>>
        %dma_wait3A_262 = arith.constant 0 : i32
        %dma_wait3A_263 = arith.constant 0 : i32
        %dma_wait3A_264 = tpu.memref_slice %arg5[%dma_wait3A_253, %dma_wait3A_262, %dma_wait3A_263] : memref<4x2x128xi32, #tpu.memory_space<vmem>> -> memref<1x2x128xi32, #tpu.memory_space<vmem>>
        %dma_wait3A_265 = tpu.memref_squeeze %dma_wait3A_264 : memref<1x2x128xi32, #tpu.memory_space<vmem>> -> memref<2x128xi32, #tpu.memory_space<vmem>>
        %dma_wait3A_266 = arith.constant 0 : i32
        %dma_wait3A_267 = arith.constant 0 : i32
        %dma_wait3A_268 = tpu.memref_slice %arg3[%add3A_252, %dma_wait3A_266, %dma_wait3A_267] : memref<2560x2x128xi32, #tpu.memory_space<hbm>> -> memref<1x2x128xi32, #tpu.memory_space<hbm>>
        %dma_wait3A_269 = tpu.memref_squeeze %dma_wait3A_268 : memref<1x2x128xi32, #tpu.memory_space<hbm>> -> memref<2x128xi32, #tpu.memory_space<hbm>>
        tpu.wait_dma2 semaphore(%arg13 : memref<!tpu.dma_semaphore, #tpu.memory_space<semaphore_mem>>) src(%dma_wait3A_269 : memref<2x128xi32, #tpu.memory_space<hbm>>) dst(%dma_wait3A_265 : memref<2x128xi32, #tpu.memory_space<vmem>>)
        %dma_start3A_270 = arith.constant 2 : i32
        %dma_start3A_271 = arith.constant 0 : i32
        %dma_start3A_272 = arith.constant 0 : i32
        %dma_start3A_273 = tpu.memref_slice %arg5[%dma_start3A_270, %dma_start3A_271, %dma_start3A_272] : memref<4x2x128xi32, #tpu.memory_space<vmem>> -> memref<1x1x128xi32, #tpu.memory_space<vmem>>
        %dma_start3A_274 = tpu.memref_squeeze %dma_start3A_273 : memref<1x1x128xi32, #tpu.memory_space<vmem>> -> memref<128xi32, #tpu.memory_space<vmem>>
        %dma_start3A_275 = arith.constant 0 : i32
        %dma_start3A_276 = arith.constant 0 : i32
        %dma_start3A_277 = tpu.memref_slice %arg2[%dma_start3A_275, %dma_start3A_276] : memref<10240x128xf32, #tpu.memory_space<hbm>> -> memref<10240x128xf32, #tpu.memory_space<hbm>>
        tpu.enqueue_indirect_dma source(%dma_start3A_277 : memref<10240x128xf32, #tpu.memory_space<hbm>>) target(%arg6 : memref<128x128xf32, #tpu.memory_space<vmem>>) offsets(%dma_start3A_274 : memref<128xi32, #tpu.memory_space<vmem>>) semaphore(%arg9 : memref<!tpu.dma_semaphore, #tpu.memory_space<semaphore_mem>>)
      } else {
      }
      %dma_wait3A_177 = arith.constant 1 : i32
      %dma_wait3A_178 = arith.constant 0 : i32
      %dma_wait3A_179 = arith.constant 0 : i32
      %dma_wait3A_180 = tpu.memref_slice %arg5[%dma_wait3A_177, %dma_wait3A_178, %dma_wait3A_179] : memref<4x2x128xi32, #tpu.memory_space<vmem>> -> memref<1x1x128xi32, #tpu.memory_space<vmem>>
      %dma_wait3A_181 = tpu.memref_squeeze %dma_wait3A_180 : memref<1x1x128xi32, #tpu.memory_space<vmem>> -> memref<128xi32, #tpu.memory_space<vmem>>
      %dma_wait3A_182 = arith.constant 0 : i32
      %dma_wait3A_183 = arith.constant 0 : i32
      %dma_wait3A_184 = tpu.memref_slice %arg2[%dma_wait3A_182, %dma_wait3A_183] : memref<10240x128xf32, #tpu.memory_space<hbm>> -> memref<10240x128xf32, #tpu.memory_space<hbm>>
      tpu.wait_indirect_dma semaphore(%arg10 : memref<!tpu.dma_semaphore, #tpu.memory_space<semaphore_mem>>) src(%dma_wait3A_184 : memref<10240x128xf32, #tpu.memory_space<hbm>>) dst(%arg7 : memref<128x128xf32, #tpu.memory_space<vmem>>)
      %run_scoped3A_185 = arith.constant 1 : i32
      %run_scoped3A_186 = arith.constant 1 : i32
      "tpu.region"() ({
        %run_scoped3A_250 = tpu.sem_alloc : memref<!tpu.dma_semaphore, #tpu.memory_space<semaphore_mem>>
        %dma_start3A_251 = arith.constant 0 : i32
        %dma_start3A_252 = tpu.memref_slice %arg5[%run_scoped3A_185, %run_scoped3A_186, %dma_start3A_251] : memref<4x2x128xi32, #tpu.memory_space<vmem>> -> memref<1x1x128xi32, #tpu.memory_space<vmem>>
        %dma_start3A_253 = tpu.memref_squeeze %dma_start3A_252 : memref<1x1x128xi32, #tpu.memory_space<vmem>> -> memref<128xi32, #tpu.memory_space<vmem>>
        %dma_start3A_254 = arith.constant 0 : i32
        %dma_start3A_255 = arith.constant 0 : i32
        %dma_start3A_256 = tpu.memref_slice %arg8[%dma_start3A_254, %dma_start3A_255] : memref<10240x128xf32, #tpu.memory_space<vmem_shared>> -> memref<10240x128xf32, #tpu.memory_space<vmem_shared>>
        tpu.enqueue_indirect_dma source(%arg7 : memref<128x128xf32, #tpu.memory_space<vmem>>) target(%dma_start3A_256 : memref<10240x128xf32, #tpu.memory_space<vmem_shared>>) offsets(%dma_start3A_253 : memref<128xi32, #tpu.memory_space<vmem>>) semaphore(%run_scoped3A_250 : memref<!tpu.dma_semaphore, #tpu.memory_space<semaphore_mem>>) {add = true}
        %dma_wait3A_257 = arith.constant 0 : i32
        %dma_wait3A_258 = tpu.memref_slice %arg5[%run_scoped3A_185, %run_scoped3A_186, %dma_wait3A_257] : memref<4x2x128xi32, #tpu.memory_space<vmem>> -> memref<1x1x128xi32, #tpu.memory_space<vmem>>
        %dma_wait3A_259 = tpu.memref_squeeze %dma_wait3A_258 : memref<1x1x128xi32, #tpu.memory_space<vmem>> -> memref<128xi32, #tpu.memory_space<vmem>>
        %dma_wait3A_260 = arith.constant 0 : i32
        %dma_wait3A_261 = arith.constant 0 : i32
        %dma_wait3A_262 = tpu.memref_slice %arg8[%dma_wait3A_260, %dma_wait3A_261] : memref<10240x128xf32, #tpu.memory_space<vmem_shared>> -> memref<10240x128xf32, #tpu.memory_space<vmem_shared>>
        tpu.wait_indirect_dma semaphore(%run_scoped3A_250 : memref<!tpu.dma_semaphore, #tpu.memory_space<semaphore_mem>>) src(%arg7 : memref<128x128xf32, #tpu.memory_space<vmem>>) dst(%dma_wait3A_262 : memref<10240x128xf32, #tpu.memory_space<vmem_shared>>)
        tpu.yield
      }) : () -> ()
      %add3A_187 = arith.constant 4 : i32
      %add3A_188 = arith.addi %add3A_169, %add3A_187 : i32
      %lt3A_189 = arith.constant 80 : i32
      %lt3A_190 = arith.cmpi slt, %add3A_188, %lt3A_189 : i32
      %convert_element_type3A_191 = arith.extui %lt3A_190 : i1 to i32
      %cond3A_192 = arith.constant 0 : i32
      %cond3A_193 = arith.cmpi ne, %convert_element_type3A_191, %cond3A_192 : i32
      scf.if %cond3A_193 {
        %add3A_250 = arith.constant 4 : i32
        %add3A_251 = arith.addi %add3A_169, %add3A_250 : i32
        %add3A_252 = arith.addi %mul3A_2, %add3A_251 : i32
        %dma_start3A_253 = arith.constant 1 : i32
        %dma_start3A_254 = arith.constant 0 : i32
        %dma_start3A_255 = arith.constant 0 : i32
        %dma_start3A_256 = tpu.memref_slice %arg5[%dma_start3A_253, %dma_start3A_254, %dma_start3A_255] : memref<4x2x128xi32, #tpu.memory_space<vmem>> -> memref<1x2x128xi32, #tpu.memory_space<vmem>>
        %dma_start3A_257 = tpu.memref_squeeze %dma_start3A_256 : memref<1x2x128xi32, #tpu.memory_space<vmem>> -> memref<2x128xi32, #tpu.memory_space<vmem>>
        %dma_start3A_258 = arith.constant 0 : i32
        %dma_start3A_259 = arith.constant 0 : i32
        %dma_start3A_260 = tpu.memref_slice %arg3[%add3A_252, %dma_start3A_258, %dma_start3A_259] : memref<2560x2x128xi32, #tpu.memory_space<hbm>> -> memref<1x2x128xi32, #tpu.memory_space<hbm>>
        %dma_start3A_261 = tpu.memref_squeeze %dma_start3A_260 : memref<1x2x128xi32, #tpu.memory_space<hbm>> -> memref<2x128xi32, #tpu.memory_space<hbm>>
        %dma_start3A_262 = arith.constant 0 : i32
        %dma_start3A_263 = arith.constant 0 : i32
        %dma_start3A_264 = tpu.memref_slice %arg5[%dma_start3A_253, %dma_start3A_262, %dma_start3A_263] : memref<4x2x128xi32, #tpu.memory_space<vmem>> -> memref<1x2x128xi32, #tpu.memory_space<vmem>>
        %dma_start3A_265 = tpu.memref_squeeze %dma_start3A_264 : memref<1x2x128xi32, #tpu.memory_space<vmem>> -> memref<2x128xi32, #tpu.memory_space<vmem>>
        %dma_start3A_266 = arith.constant 0 : i32
        %dma_start3A_267 = arith.constant 0 : i32
        %dma_start3A_268 = tpu.memref_slice %arg3[%add3A_252, %dma_start3A_266, %dma_start3A_267] : memref<2560x2x128xi32, #tpu.memory_space<hbm>> -> memref<1x2x128xi32, #tpu.memory_space<hbm>>
        %dma_start3A_269 = tpu.memref_squeeze %dma_start3A_268 : memref<1x2x128xi32, #tpu.memory_space<hbm>> -> memref<2x128xi32, #tpu.memory_space<hbm>>
        tpu.enqueue_dma source(%dma_start3A_269 : memref<2x128xi32, #tpu.memory_space<hbm>>) target(%dma_start3A_265 : memref<2x128xi32, #tpu.memory_space<vmem>>) target_semaphore(%arg12 : memref<!tpu.dma_semaphore, #tpu.memory_space<semaphore_mem>>)
      } else {
      }
      %mul3A_194 = arith.constant 4 : i32
      %mul3A_195 = arith.muli %scan3A_141, %mul3A_194 : i32
      %add3A_196 = arith.constant 2 : i32
      %add3A_197 = arith.addi %mul3A_195, %add3A_196 : i32
      %add3A_198 = arith.constant 1 : i32
      %add3A_199 = arith.addi %add3A_197, %add3A_198 : i32
      %lt3A_200 = arith.constant 80 : i32
      %lt3A_201 = arith.cmpi slt, %add3A_199, %lt3A_200 : i32
      %convert_element_type3A_202 = arith.extui %lt3A_201 : i1 to i32
      %cond3A_203 = arith.constant 0 : i32
      %cond3A_204 = arith.cmpi ne, %convert_element_type3A_202, %cond3A_203 : i32
      scf.if %cond3A_204 {
        %add3A_250 = arith.constant 1 : i32
        %add3A_251 = arith.addi %add3A_197, %add3A_250 : i32
        %add3A_252 = arith.addi %mul3A_2, %add3A_251 : i32
        %dma_wait3A_253 = arith.constant 3 : i32
        %dma_wait3A_254 = arith.constant 0 : i32
        %dma_wait3A_255 = arith.constant 0 : i32
        %dma_wait3A_256 = tpu.memref_slice %arg5[%dma_wait3A_253, %dma_wait3A_254, %dma_wait3A_255] : memref<4x2x128xi32, #tpu.memory_space<vmem>> -> memref<1x2x128xi32, #tpu.memory_space<vmem>>
        %dma_wait3A_257 = tpu.memref_squeeze %dma_wait3A_256 : memref<1x2x128xi32, #tpu.memory_space<vmem>> -> memref<2x128xi32, #tpu.memory_space<vmem>>
        %dma_wait3A_258 = arith.constant 0 : i32
        %dma_wait3A_259 = arith.constant 0 : i32
        %dma_wait3A_260 = tpu.memref_slice %arg3[%add3A_252, %dma_wait3A_258, %dma_wait3A_259] : memref<2560x2x128xi32, #tpu.memory_space<hbm>> -> memref<1x2x128xi32, #tpu.memory_space<hbm>>
        %dma_wait3A_261 = tpu.memref_squeeze %dma_wait3A_260 : memref<1x2x128xi32, #tpu.memory_space<hbm>> -> memref<2x128xi32, #tpu.memory_space<hbm>>
        %dma_wait3A_262 = arith.constant 0 : i32
        %dma_wait3A_263 = arith.constant 0 : i32
        %dma_wait3A_264 = tpu.memref_slice %arg5[%dma_wait3A_253, %dma_wait3A_262, %dma_wait3A_263] : memref<4x2x128xi32, #tpu.memory_space<vmem>> -> memref<1x2x128xi32, #tpu.memory_space<vmem>>
        %dma_wait3A_265 = tpu.memref_squeeze %dma_wait3A_264 : memref<1x2x128xi32, #tpu.memory_space<vmem>> -> memref<2x128xi32, #tpu.memory_space<vmem>>
        %dma_wait3A_266 = arith.constant 0 : i32
        %dma_wait3A_267 = arith.constant 0 : i32
        %dma_wait3A_268 = tpu.memref_slice %arg3[%add3A_252, %dma_wait3A_266, %dma_wait3A_267] : memref<2560x2x128xi32, #tpu.memory_space<hbm>> -> memref<1x2x128xi32, #tpu.memory_space<hbm>>
        %dma_wait3A_269 = tpu.memref_squeeze %dma_wait3A_268 : memref<1x2x128xi32, #tpu.memory_space<hbm>> -> memref<2x128xi32, #tpu.memory_space<hbm>>
        tpu.wait_dma2 semaphore(%arg14 : memref<!tpu.dma_semaphore, #tpu.memory_space<semaphore_mem>>) src(%dma_wait3A_269 : memref<2x128xi32, #tpu.memory_space<hbm>>) dst(%dma_wait3A_265 : memref<2x128xi32, #tpu.memory_space<vmem>>)
        %dma_start3A_270 = arith.constant 3 : i32
        %dma_start3A_271 = arith.constant 0 : i32
        %dma_start3A_272 = arith.constant 0 : i32
        %dma_start3A_273 = tpu.memref_slice %arg5[%dma_start3A_270, %dma_start3A_271, %dma_start3A_272] : memref<4x2x128xi32, #tpu.memory_space<vmem>> -> memref<1x1x128xi32, #tpu.memory_space<vmem>>
        %dma_start3A_274 = tpu.memref_squeeze %dma_start3A_273 : memref<1x1x128xi32, #tpu.memory_space<vmem>> -> memref<128xi32, #tpu.memory_space<vmem>>
        %dma_start3A_275 = arith.constant 0 : i32
        %dma_start3A_276 = arith.constant 0 : i32
        %dma_start3A_277 = tpu.memref_slice %arg2[%dma_start3A_275, %dma_start3A_276] : memref<10240x128xf32, #tpu.memory_space<hbm>> -> memref<10240x128xf32, #tpu.memory_space<hbm>>
        tpu.enqueue_indirect_dma source(%dma_start3A_277 : memref<10240x128xf32, #tpu.memory_space<hbm>>) target(%arg7 : memref<128x128xf32, #tpu.memory_space<vmem>>) offsets(%dma_start3A_274 : memref<128xi32, #tpu.memory_space<vmem>>) semaphore(%arg10 : memref<!tpu.dma_semaphore, #tpu.memory_space<semaphore_mem>>)
      } else {
      }
      %dma_wait3A_205 = arith.constant 2 : i32
      %dma_wait3A_206 = arith.constant 0 : i32
      %dma_wait3A_207 = arith.constant 0 : i32
      %dma_wait3A_208 = tpu.memref_slice %arg5[%dma_wait3A_205, %dma_wait3A_206, %dma_wait3A_207] : memref<4x2x128xi32, #tpu.memory_space<vmem>> -> memref<1x1x128xi32, #tpu.memory_space<vmem>>
      %dma_wait3A_209 = tpu.memref_squeeze %dma_wait3A_208 : memref<1x1x128xi32, #tpu.memory_space<vmem>> -> memref<128xi32, #tpu.memory_space<vmem>>
      %dma_wait3A_210 = arith.constant 0 : i32
      %dma_wait3A_211 = arith.constant 0 : i32
      %dma_wait3A_212 = tpu.memref_slice %arg2[%dma_wait3A_210, %dma_wait3A_211] : memref<10240x128xf32, #tpu.memory_space<hbm>> -> memref<10240x128xf32, #tpu.memory_space<hbm>>
      tpu.wait_indirect_dma semaphore(%arg9 : memref<!tpu.dma_semaphore, #tpu.memory_space<semaphore_mem>>) src(%dma_wait3A_212 : memref<10240x128xf32, #tpu.memory_space<hbm>>) dst(%arg6 : memref<128x128xf32, #tpu.memory_space<vmem>>)
      %run_scoped3A_213 = arith.constant 2 : i32
      %run_scoped3A_214 = arith.constant 1 : i32
      "tpu.region"() ({
        %run_scoped3A_250 = tpu.sem_alloc : memref<!tpu.dma_semaphore, #tpu.memory_space<semaphore_mem>>
        %dma_start3A_251 = arith.constant 0 : i32
        %dma_start3A_252 = tpu.memref_slice %arg5[%run_scoped3A_213, %run_scoped3A_214, %dma_start3A_251] : memref<4x2x128xi32, #tpu.memory_space<vmem>> -> memref<1x1x128xi32, #tpu.memory_space<vmem>>
        %dma_start3A_253 = tpu.memref_squeeze %dma_start3A_252 : memref<1x1x128xi32, #tpu.memory_space<vmem>> -> memref<128xi32, #tpu.memory_space<vmem>>
        %dma_start3A_254 = arith.constant 0 : i32
        %dma_start3A_255 = arith.constant 0 : i32
        %dma_start3A_256 = tpu.memref_slice %arg8[%dma_start3A_254, %dma_start3A_255] : memref<10240x128xf32, #tpu.memory_space<vmem_shared>> -> memref<10240x128xf32, #tpu.memory_space<vmem_shared>>
        tpu.enqueue_indirect_dma source(%arg6 : memref<128x128xf32, #tpu.memory_space<vmem>>) target(%dma_start3A_256 : memref<10240x128xf32, #tpu.memory_space<vmem_shared>>) offsets(%dma_start3A_253 : memref<128xi32, #tpu.memory_space<vmem>>) semaphore(%run_scoped3A_250 : memref<!tpu.dma_semaphore, #tpu.memory_space<semaphore_mem>>) {add = true}
        %dma_wait3A_257 = arith.constant 0 : i32
        %dma_wait3A_258 = tpu.memref_slice %arg5[%run_scoped3A_213, %run_scoped3A_214, %dma_wait3A_257] : memref<4x2x128xi32, #tpu.memory_space<vmem>> -> memref<1x1x128xi32, #tpu.memory_space<vmem>>
        %dma_wait3A_259 = tpu.memref_squeeze %dma_wait3A_258 : memref<1x1x128xi32, #tpu.memory_space<vmem>> -> memref<128xi32, #tpu.memory_space<vmem>>
        %dma_wait3A_260 = arith.constant 0 : i32
        %dma_wait3A_261 = arith.constant 0 : i32
        %dma_wait3A_262 = tpu.memref_slice %arg8[%dma_wait3A_260, %dma_wait3A_261] : memref<10240x128xf32, #tpu.memory_space<vmem_shared>> -> memref<10240x128xf32, #tpu.memory_space<vmem_shared>>
        tpu.wait_indirect_dma semaphore(%run_scoped3A_250 : memref<!tpu.dma_semaphore, #tpu.memory_space<semaphore_mem>>) src(%arg6 : memref<128x128xf32, #tpu.memory_space<vmem>>) dst(%dma_wait3A_262 : memref<10240x128xf32, #tpu.memory_space<vmem_shared>>)
        tpu.yield
      }) : () -> ()
      %add3A_215 = arith.constant 4 : i32
      %add3A_216 = arith.addi %add3A_197, %add3A_215 : i32
      %lt3A_217 = arith.constant 80 : i32
      %lt3A_218 = arith.cmpi slt, %add3A_216, %lt3A_217 : i32
      %convert_element_type3A_219 = arith.extui %lt3A_218 : i1 to i32
      %cond3A_220 = arith.constant 0 : i32
      %cond3A_221 = arith.cmpi ne, %convert_element_type3A_219, %cond3A_220 : i32
      scf.if %cond3A_221 {
        %add3A_250 = arith.constant 4 : i32
        %add3A_251 = arith.addi %add3A_197, %add3A_250 : i32
        %add3A_252 = arith.addi %mul3A_2, %add3A_251 : i32
        %dma_start3A_253 = arith.constant 2 : i32
        %dma_start3A_254 = arith.constant 0 : i32
        %dma_start3A_255 = arith.constant 0 : i32
        %dma_start3A_256 = tpu.memref_slice %arg5[%dma_start3A_253, %dma_start3A_254, %dma_start3A_255] : memref<4x2x128xi32, #tpu.memory_space<vmem>> -> memref<1x2x128xi32, #tpu.memory_space<vmem>>
        %dma_start3A_257 = tpu.memref_squeeze %dma_start3A_256 : memref<1x2x128xi32, #tpu.memory_space<vmem>> -> memref<2x128xi32, #tpu.memory_space<vmem>>
        %dma_start3A_258 = arith.constant 0 : i32
        %dma_start3A_259 = arith.constant 0 : i32
        %dma_start3A_260 = tpu.memref_slice %arg3[%add3A_252, %dma_start3A_258, %dma_start3A_259] : memref<2560x2x128xi32, #tpu.memory_space<hbm>> -> memref<1x2x128xi32, #tpu.memory_space<hbm>>
        %dma_start3A_261 = tpu.memref_squeeze %dma_start3A_260 : memref<1x2x128xi32, #tpu.memory_space<hbm>> -> memref<2x128xi32, #tpu.memory_space<hbm>>
        %dma_start3A_262 = arith.constant 0 : i32
        %dma_start3A_263 = arith.constant 0 : i32
        %dma_start3A_264 = tpu.memref_slice %arg5[%dma_start3A_253, %dma_start3A_262, %dma_start3A_263] : memref<4x2x128xi32, #tpu.memory_space<vmem>> -> memref<1x2x128xi32, #tpu.memory_space<vmem>>
        %dma_start3A_265 = tpu.memref_squeeze %dma_start3A_264 : memref<1x2x128xi32, #tpu.memory_space<vmem>> -> memref<2x128xi32, #tpu.memory_space<vmem>>
        %dma_start3A_266 = arith.constant 0 : i32
        %dma_start3A_267 = arith.constant 0 : i32
        %dma_start3A_268 = tpu.memref_slice %arg3[%add3A_252, %dma_start3A_266, %dma_start3A_267] : memref<2560x2x128xi32, #tpu.memory_space<hbm>> -> memref<1x2x128xi32, #tpu.memory_space<hbm>>
        %dma_start3A_269 = tpu.memref_squeeze %dma_start3A_268 : memref<1x2x128xi32, #tpu.memory_space<hbm>> -> memref<2x128xi32, #tpu.memory_space<hbm>>
        tpu.enqueue_dma source(%dma_start3A_269 : memref<2x128xi32, #tpu.memory_space<hbm>>) target(%dma_start3A_265 : memref<2x128xi32, #tpu.memory_space<vmem>>) target_semaphore(%arg13 : memref<!tpu.dma_semaphore, #tpu.memory_space<semaphore_mem>>)
      } else {
      }
      %mul3A_222 = arith.constant 4 : i32
      %mul3A_223 = arith.muli %scan3A_141, %mul3A_222 : i32
      %add3A_224 = arith.constant 3 : i32
      %add3A_225 = arith.addi %mul3A_223, %add3A_224 : i32
      %add3A_226 = arith.constant 1 : i32
      %add3A_227 = arith.addi %add3A_225, %add3A_226 : i32
      %lt3A_228 = arith.constant 80 : i32
      %lt3A_229 = arith.cmpi slt, %add3A_227, %lt3A_228 : i32
      %convert_element_type3A_230 = arith.extui %lt3A_229 : i1 to i32
      %cond3A_231 = arith.constant 0 : i32
      %cond3A_232 = arith.cmpi ne, %convert_element_type3A_230, %cond3A_231 : i32
      scf.if %cond3A_232 {
        %add3A_250 = arith.constant 1 : i32
        %add3A_251 = arith.addi %add3A_225, %add3A_250 : i32
        %add3A_252 = arith.addi %mul3A_2, %add3A_251 : i32
        %dma_wait3A_253 = arith.constant 0 : i32
        %dma_wait3A_254 = arith.constant 0 : i32
        %dma_wait3A_255 = arith.constant 0 : i32
        %dma_wait3A_256 = tpu.memref_slice %arg5[%dma_wait3A_253, %dma_wait3A_254, %dma_wait3A_255] : memref<4x2x128xi32, #tpu.memory_space<vmem>> -> memref<1x2x128xi32, #tpu.memory_space<vmem>>
        %dma_wait3A_257 = tpu.memref_squeeze %dma_wait3A_256 : memref<1x2x128xi32, #tpu.memory_space<vmem>> -> memref<2x128xi32, #tpu.memory_space<vmem>>
        %dma_wait3A_258 = arith.constant 0 : i32
        %dma_wait3A_259 = arith.constant 0 : i32
        %dma_wait3A_260 = tpu.memref_slice %arg3[%add3A_252, %dma_wait3A_258, %dma_wait3A_259] : memref<2560x2x128xi32, #tpu.memory_space<hbm>> -> memref<1x2x128xi32, #tpu.memory_space<hbm>>
        %dma_wait3A_261 = tpu.memref_squeeze %dma_wait3A_260 : memref<1x2x128xi32, #tpu.memory_space<hbm>> -> memref<2x128xi32, #tpu.memory_space<hbm>>
        %dma_wait3A_262 = arith.constant 0 : i32
        %dma_wait3A_263 = arith.constant 0 : i32
        %dma_wait3A_264 = tpu.memref_slice %arg5[%dma_wait3A_253, %dma_wait3A_262, %dma_wait3A_263] : memref<4x2x128xi32, #tpu.memory_space<vmem>> -> memref<1x2x128xi32, #tpu.memory_space<vmem>>
        %dma_wait3A_265 = tpu.memref_squeeze %dma_wait3A_264 : memref<1x2x128xi32, #tpu.memory_space<vmem>> -> memref<2x128xi32, #tpu.memory_space<vmem>>
        %dma_wait3A_266 = arith.constant 0 : i32
        %dma_wait3A_267 = arith.constant 0 : i32
        %dma_wait3A_268 = tpu.memref_slice %arg3[%add3A_252, %dma_wait3A_266, %dma_wait3A_267] : memref<2560x2x128xi32, #tpu.memory_space<hbm>> -> memref<1x2x128xi32, #tpu.memory_space<hbm>>
        %dma_wait3A_269 = tpu.memref_squeeze %dma_wait3A_268 : memref<1x2x128xi32, #tpu.memory_space<hbm>> -> memref<2x128xi32, #tpu.memory_space<hbm>>
        tpu.wait_dma2 semaphore(%arg11 : memref<!tpu.dma_semaphore, #tpu.memory_space<semaphore_mem>>) src(%dma_wait3A_269 : memref<2x128xi32, #tpu.memory_space<hbm>>) dst(%dma_wait3A_265 : memref<2x128xi32, #tpu.memory_space<vmem>>)
        %dma_start3A_270 = arith.constant 0 : i32
        %dma_start3A_271 = arith.constant 0 : i32
        %dma_start3A_272 = arith.constant 0 : i32
        %dma_start3A_273 = tpu.memref_slice %arg5[%dma_start3A_270, %dma_start3A_271, %dma_start3A_272] : memref<4x2x128xi32, #tpu.memory_space<vmem>> -> memref<1x1x128xi32, #tpu.memory_space<vmem>>
        %dma_start3A_274 = tpu.memref_squeeze %dma_start3A_273 : memref<1x1x128xi32, #tpu.memory_space<vmem>> -> memref<128xi32, #tpu.memory_space<vmem>>
        %dma_start3A_275 = arith.constant 0 : i32
        %dma_start3A_276 = arith.constant 0 : i32
        %dma_start3A_277 = tpu.memref_slice %arg2[%dma_start3A_275, %dma_start3A_276] : memref<10240x128xf32, #tpu.memory_space<hbm>> -> memref<10240x128xf32, #tpu.memory_space<hbm>>
        tpu.enqueue_indirect_dma source(%dma_start3A_277 : memref<10240x128xf32, #tpu.memory_space<hbm>>) target(%arg6 : memref<128x128xf32, #tpu.memory_space<vmem>>) offsets(%dma_start3A_274 : memref<128xi32, #tpu.memory_space<vmem>>) semaphore(%arg9 : memref<!tpu.dma_semaphore, #tpu.memory_space<semaphore_mem>>)
      } else {
      }
      %dma_wait3A_233 = arith.constant 3 : i32
      %dma_wait3A_234 = arith.constant 0 : i32
      %dma_wait3A_235 = arith.constant 0 : i32
      %dma_wait3A_236 = tpu.memref_slice %arg5[%dma_wait3A_233, %dma_wait3A_234, %dma_wait3A_235] : memref<4x2x128xi32, #tpu.memory_space<vmem>> -> memref<1x1x128xi32, #tpu.memory_space<vmem>>
      %dma_wait3A_237 = tpu.memref_squeeze %dma_wait3A_236 : memref<1x1x128xi32, #tpu.memory_space<vmem>> -> memref<128xi32, #tpu.memory_space<vmem>>
      %dma_wait3A_238 = arith.constant 0 : i32
      %dma_wait3A_239 = arith.constant 0 : i32
      %dma_wait3A_240 = tpu.memref_slice %arg2[%dma_wait3A_238, %dma_wait3A_239] : memref<10240x128xf32, #tpu.memory_space<hbm>> -> memref<10240x128xf32, #tpu.memory_space<hbm>>
      tpu.wait_indirect_dma semaphore(%arg10 : memref<!tpu.dma_semaphore, #tpu.memory_space<semaphore_mem>>) src(%dma_wait3A_240 : memref<10240x128xf32, #tpu.memory_space<hbm>>) dst(%arg7 : memref<128x128xf32, #tpu.memory_space<vmem>>)
      %run_scoped3A_241 = arith.constant 3 : i32
      %run_scoped3A_242 = arith.constant 1 : i32
      "tpu.region"() ({
        %run_scoped3A_250 = tpu.sem_alloc : memref<!tpu.dma_semaphore, #tpu.memory_space<semaphore_mem>>
        %dma_start3A_251 = arith.constant 0 : i32
        %dma_start3A_252 = tpu.memref_slice %arg5[%run_scoped3A_241, %run_scoped3A_242, %dma_start3A_251] : memref<4x2x128xi32, #tpu.memory_space<vmem>> -> memref<1x1x128xi32, #tpu.memory_space<vmem>>
        %dma_start3A_253 = tpu.memref_squeeze %dma_start3A_252 : memref<1x1x128xi32, #tpu.memory_space<vmem>> -> memref<128xi32, #tpu.memory_space<vmem>>
        %dma_start3A_254 = arith.constant 0 : i32
        %dma_start3A_255 = arith.constant 0 : i32
        %dma_start3A_256 = tpu.memref_slice %arg8[%dma_start3A_254, %dma_start3A_255] : memref<10240x128xf32, #tpu.memory_space<vmem_shared>> -> memref<10240x128xf32, #tpu.memory_space<vmem_shared>>
        tpu.enqueue_indirect_dma source(%arg7 : memref<128x128xf32, #tpu.memory_space<vmem>>) target(%dma_start3A_256 : memref<10240x128xf32, #tpu.memory_space<vmem_shared>>) offsets(%dma_start3A_253 : memref<128xi32, #tpu.memory_space<vmem>>) semaphore(%run_scoped3A_250 : memref<!tpu.dma_semaphore, #tpu.memory_space<semaphore_mem>>) {add = true}
        %dma_wait3A_257 = arith.constant 0 : i32
        %dma_wait3A_258 = tpu.memref_slice %arg5[%run_scoped3A_241, %run_scoped3A_242, %dma_wait3A_257] : memref<4x2x128xi32, #tpu.memory_space<vmem>> -> memref<1x1x128xi32, #tpu.memory_space<vmem>>
        %dma_wait3A_259 = tpu.memref_squeeze %dma_wait3A_258 : memref<1x1x128xi32, #tpu.memory_space<vmem>> -> memref<128xi32, #tpu.memory_space<vmem>>
        %dma_wait3A_260 = arith.constant 0 : i32
        %dma_wait3A_261 = arith.constant 0 : i32
        %dma_wait3A_262 = tpu.memref_slice %arg8[%dma_wait3A_260, %dma_wait3A_261] : memref<10240x128xf32, #tpu.memory_space<vmem_shared>> -> memref<10240x128xf32, #tpu.memory_space<vmem_shared>>
        tpu.wait_indirect_dma semaphore(%run_scoped3A_250 : memref<!tpu.dma_semaphore, #tpu.memory_space<semaphore_mem>>) src(%arg7 : memref<128x128xf32, #tpu.memory_space<vmem>>) dst(%dma_wait3A_262 : memref<10240x128xf32, #tpu.memory_space<vmem_shared>>)
        tpu.yield
      }) : () -> ()
      %add3A_243 = arith.constant 4 : i32
      %add3A_244 = arith.addi %add3A_225, %add3A_243 : i32
      %lt3A_245 = arith.constant 80 : i32
      %lt3A_246 = arith.cmpi slt, %add3A_244, %lt3A_245 : i32
      %convert_element_type3A_247 = arith.extui %lt3A_246 : i1 to i32
      %cond3A_248 = arith.constant 0 : i32
      %cond3A_249 = arith.cmpi ne, %convert_element_type3A_247, %cond3A_248 : i32
      scf.if %cond3A_249 {
        %add3A_250 = arith.constant 4 : i32
        %add3A_251 = arith.addi %add3A_225, %add3A_250 : i32
        %add3A_252 = arith.addi %mul3A_2, %add3A_251 : i32
        %dma_start3A_253 = arith.constant 3 : i32
        %dma_start3A_254 = arith.constant 0 : i32
        %dma_start3A_255 = arith.constant 0 : i32
        %dma_start3A_256 = tpu.memref_slice %arg5[%dma_start3A_253, %dma_start3A_254, %dma_start3A_255] : memref<4x2x128xi32, #tpu.memory_space<vmem>> -> memref<1x2x128xi32, #tpu.memory_space<vmem>>
        %dma_start3A_257 = tpu.memref_squeeze %dma_start3A_256 : memref<1x2x128xi32, #tpu.memory_space<vmem>> -> memref<2x128xi32, #tpu.memory_space<vmem>>
        %dma_start3A_258 = arith.constant 0 : i32
        %dma_start3A_259 = arith.constant 0 : i32
        %dma_start3A_260 = tpu.memref_slice %arg3[%add3A_252, %dma_start3A_258, %dma_start3A_259] : memref<2560x2x128xi32, #tpu.memory_space<hbm>> -> memref<1x2x128xi32, #tpu.memory_space<hbm>>
        %dma_start3A_261 = tpu.memref_squeeze %dma_start3A_260 : memref<1x2x128xi32, #tpu.memory_space<hbm>> -> memref<2x128xi32, #tpu.memory_space<hbm>>
        %dma_start3A_262 = arith.constant 0 : i32
        %dma_start3A_263 = arith.constant 0 : i32
        %dma_start3A_264 = tpu.memref_slice %arg5[%dma_start3A_253, %dma_start3A_262, %dma_start3A_263] : memref<4x2x128xi32, #tpu.memory_space<vmem>> -> memref<1x2x128xi32, #tpu.memory_space<vmem>>
        %dma_start3A_265 = tpu.memref_squeeze %dma_start3A_264 : memref<1x2x128xi32, #tpu.memory_space<vmem>> -> memref<2x128xi32, #tpu.memory_space<vmem>>
        %dma_start3A_266 = arith.constant 0 : i32
        %dma_start3A_267 = arith.constant 0 : i32
        %dma_start3A_268 = tpu.memref_slice %arg3[%add3A_252, %dma_start3A_266, %dma_start3A_267] : memref<2560x2x128xi32, #tpu.memory_space<hbm>> -> memref<1x2x128xi32, #tpu.memory_space<hbm>>
        %dma_start3A_269 = tpu.memref_squeeze %dma_start3A_268 : memref<1x2x128xi32, #tpu.memory_space<hbm>> -> memref<2x128xi32, #tpu.memory_space<hbm>>
        tpu.enqueue_dma source(%dma_start3A_269 : memref<2x128xi32, #tpu.memory_space<hbm>>) target(%dma_start3A_265 : memref<2x128xi32, #tpu.memory_space<vmem>>) target_semaphore(%arg14 : memref<!tpu.dma_semaphore, #tpu.memory_space<semaphore_mem>>)
      } else {
      }
    }
    %scan3A_135 = arith.constant 20 : i32
    %barrier3A_136 = arith.constant 0 : index
    tpu.barrier barrier_id(%barrier3A_136)
    %mul3A_137 = arith.constant 640 : i32
    %mul3A_138 = arith.muli %arg1, %mul3A_137 : i32
    %mul3A_139 = arith.constant 640 : i32
    %mul3A_140 = arith.muli %arg1, %mul3A_139 : i32
    "tpu.region"() ({
      %run_scoped3A = tpu.sem_alloc : memref<!tpu.dma_semaphore, #tpu.memory_space<semaphore_mem>>
      %dma_start3A_141 = arith.constant 0 : i32
      %dma_start3A_142 = tpu.memref_slice %arg4[%arg0, %mul3A_140, %dma_start3A_141] : memref<2x10240x128xf32, #tpu.memory_space<hbm>> -> memref<1x640x128xf32, #tpu.memory_space<hbm>>
      %dma_start3A_143 = tpu.memref_squeeze %dma_start3A_142 : memref<1x640x128xf32, #tpu.memory_space<hbm>> -> memref<640x128xf32, #tpu.memory_space<hbm>>
      %dma_start3A_144 = arith.constant 0 : i32
      %dma_start3A_145 = tpu.memref_slice %arg8[%mul3A_138, %dma_start3A_144] : memref<10240x128xf32, #tpu.memory_space<vmem_shared>> -> memref<640x128xf32, #tpu.memory_space<vmem_shared>>
      tpu.enqueue_dma source(%dma_start3A_145 : memref<640x128xf32, #tpu.memory_space<vmem_shared>>) target(%dma_start3A_143 : memref<640x128xf32, #tpu.memory_space<hbm>>) target_semaphore(%run_scoped3A : memref<!tpu.dma_semaphore, #tpu.memory_space<semaphore_mem>>)
      %dma_wait3A_146 = arith.constant 0 : i32
      %dma_wait3A_147 = tpu.memref_slice %arg4[%arg0, %mul3A_140, %dma_wait3A_146] : memref<2x10240x128xf32, #tpu.memory_space<hbm>> -> memref<1x640x128xf32, #tpu.memory_space<hbm>>
      %dma_wait3A_148 = tpu.memref_squeeze %dma_wait3A_147 : memref<1x640x128xf32, #tpu.memory_space<hbm>> -> memref<640x128xf32, #tpu.memory_space<hbm>>
      %dma_wait3A_149 = arith.constant 0 : i32
      %dma_wait3A_150 = tpu.memref_slice %arg8[%mul3A_138, %dma_wait3A_149] : memref<10240x128xf32, #tpu.memory_space<vmem_shared>> -> memref<640x128xf32, #tpu.memory_space<vmem_shared>>
      tpu.wait_dma2 semaphore(%run_scoped3A : memref<!tpu.dma_semaphore, #tpu.memory_space<semaphore_mem>>) src(%dma_wait3A_150 : memref<640x128xf32, #tpu.memory_space<vmem_shared>>) dst(%dma_wait3A_148 : memref<640x128xf32, #tpu.memory_space<hbm>>)
      tpu.yield
    }) : () -> ()
    return
  }
}

#map = affine_map<(d0, d1) -> (0, 0)>
#map1 = affine_map<(d0, d1) -> (0, 0, 0)>
module attributes {stable_mosaic.version = 14 : i64} {
  func.func @body(%arg0: i32, %arg1: i32, %arg2: memref<10240x48xf32, #tpu.memory_space<hbm>>, %arg3: memref<2560x2x128xi32, #tpu.memory_space<hbm>>, %arg4: memref<2x10240x48xf32, #tpu.memory_space<hbm>>, %arg5: memref<4x2x128xi32, #tpu.memory_space<vmem>>, %arg6: memref<128x48xf32, #tpu.memory_space<vmem>>, %arg7: memref<128x48xf32, #tpu.memory_space<vmem>>, %arg8: memref<10240x48xf32, #tpu.memory_space<vmem_shared>>, %arg9: memref<!tpu.dma_semaphore, #tpu.memory_space<semaphore_mem>>, %arg10: memref<!tpu.dma_semaphore, #tpu.memory_space<semaphore_mem>>, %arg11: memref<!tpu.dma_semaphore, #tpu.memory_space<semaphore_mem>>, %arg12: memref<!tpu.dma_semaphore, #tpu.memory_space<semaphore_mem>>, %arg13: memref<!tpu.dma_semaphore, #tpu.memory_space<semaphore_mem>>, %arg14: memref<!tpu.dma_semaphore, #tpu.memory_space<semaphore_mem>>) attributes {dimension_semantics = [#tpu.dimension_semantics<core_parallel>, #tpu.dimension_semantics<subcore_parallel>], iteration_bounds = array<i64: 2, 16>, scalar_prefetch = 0 : i64, scratch_operands = 10 : i64, tpu.core_type = #tpu.core_type<sc_vector_subcore>, window_params = [{transform_indices = #map}, {transform_indices = #map1}, {transform_indices = #map1}]} {
    %mul3A = arith.constant 16 : i32
    %mul3A_0 = arith.muli %arg0, %mul3A : i32
    %add3A = arith.addi %mul3A_0, %arg1 : i32
    %mul3A_1 = arith.constant 80 : i32
    %mul3A_2 = arith.muli %add3A, %mul3A_1 : i32
    %broadcast_in_dim3A = arith.constant 0.000000e+00 : f32
    %broadcast_in_dim3A_3 = vector.broadcast %broadcast_in_dim3A : f32 to vector<16xf32>
    %scan3A = arith.constant 0 : i32
    %scan3A_4 = arith.constant 0 : i32
    %scan3A_5 = arith.constant 384 : i32
    %scan3A_6 = arith.addi %scan3A_4, %scan3A_5 : i32
    %scan3A_7 = arith.constant 1 : i32
    scf.for %scan3A_141 = %scan3A_4 to %scan3A_6 step %scan3A_7  : i32 {
      %jit3A = arith.constant 3 : i32
      %div3A = arith.divsi %scan3A_141, %jit3A : i32
      %sign3A = arith.constant 0 : i32
      %sign3A_142 = arith.cmpi sgt, %scan3A_141, %sign3A : i32
      %sign3A_143 = arith.extui %sign3A_142 : i1 to i32
      %sign3A_144 = arith.constant 0 : i32
      %sign3A_145 = arith.cmpi slt, %scan3A_141, %sign3A_144 : i32
      %sign3A_146 = arith.extui %sign3A_145 : i1 to i32
      %sign3A_147 = arith.subi %sign3A_143, %sign3A_146 : i32
      %sign3A_148 = arith.constant 0 : i32
      %sign3A_149 = arith.cmpi sgt, %jit3A, %sign3A_148 : i32
      %sign3A_150 = arith.extui %sign3A_149 : i1 to i32
      %sign3A_151 = arith.constant 0 : i32
      %sign3A_152 = arith.cmpi slt, %jit3A, %sign3A_151 : i32
      %sign3A_153 = arith.extui %sign3A_152 : i1 to i32
      %sign3A_154 = arith.subi %sign3A_150, %sign3A_153 : i32
      %ne3A = arith.cmpi ne, %sign3A_147, %sign3A_154 : i32
      %rem3A = arith.remsi %scan3A_141, %jit3A : i32
      %ne3A_155 = arith.constant 0 : i32
      %ne3A_156 = arith.cmpi ne, %rem3A, %ne3A_155 : i32
      %and3A = arith.andi %ne3A, %ne3A_156 : i1
      %sub3A = arith.constant 1 : i32
      %sub3A_157 = arith.subi %div3A, %sub3A : i32
      %select_n3A = arith.select %and3A, %sub3A_157, %div3A : i32
      %jit3A_158 = arith.constant 3 : i32
      %eq3A = arith.constant 0 : i32
      %eq3A_159 = arith.cmpi eq, %jit3A_158, %eq3A : i32
      %jit3A_160 = arith.constant 1 : i32
      %select_n3A_161 = arith.select %eq3A_159, %jit3A_160, %jit3A_158 : i32
      %rem3A_162 = arith.remsi %scan3A_141, %select_n3A_161 : i32
      %ne3A_163 = arith.constant 0 : i32
      %ne3A_164 = arith.cmpi ne, %rem3A_162, %ne3A_163 : i32
      %lt3A = arith.constant 0 : i32
      %lt3A_165 = arith.cmpi slt, %rem3A_162, %lt3A : i32
      %lt3A_166 = arith.constant 0 : i32
      %lt3A_167 = arith.cmpi slt, %select_n3A_161, %lt3A_166 : i32
      %ne3A_168 = arith.xori %lt3A_165, %lt3A_167 : i1
      %and3A_169 = arith.andi %ne3A_168, %ne3A_164 : i1
      %add3A_170 = arith.addi %rem3A_162, %select_n3A_161 : i32
      %select_n3A_171 = arith.select %and3A_169, %add3A_170, %rem3A_162 : i32
      %mul3A_172 = arith.constant 16 : i32
      %mul3A_173 = arith.muli %select_n3A_171, %mul3A_172 : i32
      %swap3A = arith.index_cast %select_n3A : i32 to index
      %swap3A_174 = arith.index_cast %mul3A_173 : i32 to index
      %swap3A_175 = tpu.vector_load %arg6[%swap3A, %swap3A_174] {strides = array<i32>} : memref<128x48xf32, #tpu.memory_space<vmem>>, vector<1x16xf32>,
      %swap3A_176 = vector.shape_cast %swap3A_175 : vector<1x16xf32> to vector<16xf32>
      %swap3A_177 = vector.shape_cast %broadcast_in_dim3A_3 : vector<16xf32> to vector<1x16xf32>
      tpu.vector_store %arg6[%swap3A, %swap3A_174], %swap3A_177 {strides = array<i32>} : memref<128x48xf32, #tpu.memory_space<vmem>>, vector<1x16xf32>,
    }
    %scan3A_8 = arith.constant 384 : i32
    %mul3A_9 = arith.constant 640 : i32
    %mul3A_10 = arith.muli %arg1, %mul3A_9 : i32
    %add3A_11 = arith.constant 0 : i32
    %add3A_12 = arith.addi %mul3A_10, %add3A_11 : i32
    "tpu.region"() ({
      %run_scoped3A = tpu.sem_alloc : memref<!tpu.dma_semaphore, #tpu.memory_space<semaphore_mem>>
      %dma_start3A_141 = arith.constant 0 : i32
      %dma_start3A_142 = tpu.memref_slice %arg8[%add3A_12, %dma_start3A_141] : memref<10240x48xf32, #tpu.memory_space<vmem_shared>> -> memref<128x48xf32, #tpu.memory_space<vmem_shared>>
      %dma_start3A_143 = arith.constant 0 : i32
      %dma_start3A_144 = tpu.memref_slice %arg8[%add3A_12, %dma_start3A_143] : memref<10240x48xf32, #tpu.memory_space<vmem_shared>> -> memref<128x48xf32, #tpu.memory_space<vmem_shared>>
      tpu.enqueue_dma source(%arg6 : memref<128x48xf32, #tpu.memory_space<vmem>>) target(%dma_start3A_144 : memref<128x48xf32, #tpu.memory_space<vmem_shared>>) target_semaphore(%run_scoped3A : memref<!tpu.dma_semaphore, #tpu.memory_space<semaphore_mem>>)
      %dma_wait3A_145 = arith.constant 0 : i32
      %dma_wait3A_146 = tpu.memref_slice %arg8[%add3A_12, %dma_wait3A_145] : memref<10240x48xf32, #tpu.memory_space<vmem_shared>> -> memref<128x48xf32, #tpu.memory_space<vmem_shared>>
      %dma_wait3A_147 = arith.constant 0 : i32
      %dma_wait3A_148 = tpu.memref_slice %arg8[%add3A_12, %dma_wait3A_147] : memref<10240x48xf32, #tpu.memory_space<vmem_shared>> -> memref<128x48xf32, #tpu.memory_space<vmem_shared>>
      tpu.wait_dma2 semaphore(%run_scoped3A : memref<!tpu.dma_semaphore, #tpu.memory_space<semaphore_mem>>) src(%arg6 : memref<128x48xf32, #tpu.memory_space<vmem>>) dst(%dma_wait3A_148 : memref<128x48xf32, #tpu.memory_space<vmem_shared>>)
      tpu.yield
    }) : () -> ()
    %mul3A_13 = arith.constant 640 : i32
    %mul3A_14 = arith.muli %arg1, %mul3A_13 : i32
    %add3A_15 = arith.constant 128 : i32
    %add3A_16 = arith.addi %mul3A_14, %add3A_15 : i32
    "tpu.region"() ({
      %run_scoped3A = tpu.sem_alloc : memref<!tpu.dma_semaphore, #tpu.memory_space<semaphore_mem>>
      %dma_start3A_141 = arith.constant 0 : i32
      %dma_start3A_142 = tpu.memref_slice %arg8[%add3A_16, %dma_start3A_141] : memref<10240x48xf32, #tpu.memory_space<vmem_shared>> -> memref<128x48xf32, #tpu.memory_space<vmem_shared>>
      %dma_start3A_143 = arith.constant 0 : i32
      %dma_start3A_144 = tpu.memref_slice %arg8[%add3A_16, %dma_start3A_143] : memref<10240x48xf32, #tpu.memory_space<vmem_shared>> -> memref<128x48xf32, #tpu.memory_space<vmem_shared>>
      tpu.enqueue_dma source(%arg6 : memref<128x48xf32, #tpu.memory_space<vmem>>) target(%dma_start3A_144 : memref<128x48xf32, #tpu.memory_space<vmem_shared>>) target_semaphore(%run_scoped3A : memref<!tpu.dma_semaphore, #tpu.memory_space<semaphore_mem>>)
      %dma_wait3A_145 = arith.constant 0 : i32
      %dma_wait3A_146 = tpu.memref_slice %arg8[%add3A_16, %dma_wait3A_145] : memref<10240x48xf32, #tpu.memory_space<vmem_shared>> -> memref<128x48xf32, #tpu.memory_space<vmem_shared>>
      %dma_wait3A_147 = arith.constant 0 : i32
      %dma_wait3A_148 = tpu.memref_slice %arg8[%add3A_16, %dma_wait3A_147] : memref<10240x48xf32, #tpu.memory_space<vmem_shared>> -> memref<128x48xf32, #tpu.memory_space<vmem_shared>>
      tpu.wait_dma2 semaphore(%run_scoped3A : memref<!tpu.dma_semaphore, #tpu.memory_space<semaphore_mem>>) src(%arg6 : memref<128x48xf32, #tpu.memory_space<vmem>>) dst(%dma_wait3A_148 : memref<128x48xf32, #tpu.memory_space<vmem_shared>>)
      tpu.yield
    }) : () -> ()
    %mul3A_17 = arith.constant 640 : i32
    %mul3A_18 = arith.muli %arg1, %mul3A_17 : i32
    %add3A_19 = arith.constant 256 : i32
    %add3A_20 = arith.addi %mul3A_18, %add3A_19 : i32
    "tpu.region"() ({
      %run_scoped3A = tpu.sem_alloc : memref<!tpu.dma_semaphore, #tpu.memory_space<semaphore_mem>>
      %dma_start3A_141 = arith.constant 0 : i32
      %dma_start3A_142 = tpu.memref_slice %arg8[%add3A_20, %dma_start3A_141] : memref<10240x48xf32, #tpu.memory_space<vmem_shared>> -> memref<128x48xf32, #tpu.memory_space<vmem_shared>>
      %dma_start3A_143 = arith.constant 0 : i32
      %dma_start3A_144 = tpu.memref_slice %arg8[%add3A_20, %dma_start3A_143] : memref<10240x48xf32, #tpu.memory_space<vmem_shared>> -> memref<128x48xf32, #tpu.memory_space<vmem_shared>>
      tpu.enqueue_dma source(%arg6 : memref<128x48xf32, #tpu.memory_space<vmem>>) target(%dma_start3A_144 : memref<128x48xf32, #tpu.memory_space<vmem_shared>>) target_semaphore(%run_scoped3A : memref<!tpu.dma_semaphore, #tpu.memory_space<semaphore_mem>>)
      %dma_wait3A_145 = arith.constant 0 : i32
      %dma_wait3A_146 = tpu.memref_slice %arg8[%add3A_20, %dma_wait3A_145] : memref<10240x48xf32, #tpu.memory_space<vmem_shared>> -> memref<128x48xf32, #tpu.memory_space<vmem_shared>>
      %dma_wait3A_147 = arith.constant 0 : i32
      %dma_wait3A_148 = tpu.memref_slice %arg8[%add3A_20, %dma_wait3A_147] : memref<10240x48xf32, #tpu.memory_space<vmem_shared>> -> memref<128x48xf32, #tpu.memory_space<vmem_shared>>
      tpu.wait_dma2 semaphore(%run_scoped3A : memref<!tpu.dma_semaphore, #tpu.memory_space<semaphore_mem>>) src(%arg6 : memref<128x48xf32, #tpu.memory_space<vmem>>) dst(%dma_wait3A_148 : memref<128x48xf32, #tpu.memory_space<vmem_shared>>)
      tpu.yield
    }) : () -> ()
    %mul3A_21 = arith.constant 640 : i32
    %mul3A_22 = arith.muli %arg1, %mul3A_21 : i32
    %add3A_23 = arith.constant 384 : i32
    %add3A_24 = arith.addi %mul3A_22, %add3A_23 : i32
    "tpu.region"() ({
      %run_scoped3A = tpu.sem_alloc : memref<!tpu.dma_semaphore, #tpu.memory_space<semaphore_mem>>
      %dma_start3A_141 = arith.constant 0 : i32
      %dma_start3A_142 = tpu.memref_slice %arg8[%add3A_24, %dma_start3A_141] : memref<10240x48xf32, #tpu.memory_space<vmem_shared>> -> memref<128x48xf32, #tpu.memory_space<vmem_shared>>
      %dma_start3A_143 = arith.constant 0 : i32
      %dma_start3A_144 = tpu.memref_slice %arg8[%add3A_24, %dma_start3A_143] : memref<10240x48xf32, #tpu.memory_space<vmem_shared>> -> memref<128x48xf32, #tpu.memory_space<vmem_shared>>
      tpu.enqueue_dma source(%arg6 : memref<128x48xf32, #tpu.memory_space<vmem>>) target(%dma_start3A_144 : memref<128x48xf32, #tpu.memory_space<vmem_shared>>) target_semaphore(%run_scoped3A : memref<!tpu.dma_semaphore, #tpu.memory_space<semaphore_mem>>)
      %dma_wait3A_145 = arith.constant 0 : i32
      %dma_wait3A_146 = tpu.memref_slice %arg8[%add3A_24, %dma_wait3A_145] : memref<10240x48xf32, #tpu.memory_space<vmem_shared>> -> memref<128x48xf32, #tpu.memory_space<vmem_shared>>
      %dma_wait3A_147 = arith.constant 0 : i32
      %dma_wait3A_148 = tpu.memref_slice %arg8[%add3A_24, %dma_wait3A_147] : memref<10240x48xf32, #tpu.memory_space<vmem_shared>> -> memref<128x48xf32, #tpu.memory_space<vmem_shared>>
      tpu.wait_dma2 semaphore(%run_scoped3A : memref<!tpu.dma_semaphore, #tpu.memory_space<semaphore_mem>>) src(%arg6 : memref<128x48xf32, #tpu.memory_space<vmem>>) dst(%dma_wait3A_148 : memref<128x48xf32, #tpu.memory_space<vmem_shared>>)
      tpu.yield
    }) : () -> ()
    %mul3A_25 = arith.constant 640 : i32
    %mul3A_26 = arith.muli %arg1, %mul3A_25 : i32
    %add3A_27 = arith.constant 512 : i32
    %add3A_28 = arith.addi %mul3A_26, %add3A_27 : i32
    "tpu.region"() ({
      %run_scoped3A = tpu.sem_alloc : memref<!tpu.dma_semaphore, #tpu.memory_space<semaphore_mem>>
      %dma_start3A_141 = arith.constant 0 : i32
      %dma_start3A_142 = tpu.memref_slice %arg8[%add3A_28, %dma_start3A_141] : memref<10240x48xf32, #tpu.memory_space<vmem_shared>> -> memref<128x48xf32, #tpu.memory_space<vmem_shared>>
      %dma_start3A_143 = arith.constant 0 : i32
      %dma_start3A_144 = tpu.memref_slice %arg8[%add3A_28, %dma_start3A_143] : memref<10240x48xf32, #tpu.memory_space<vmem_shared>> -> memref<128x48xf32, #tpu.memory_space<vmem_shared>>
      tpu.enqueue_dma source(%arg6 : memref<128x48xf32, #tpu.memory_space<vmem>>) target(%dma_start3A_144 : memref<128x48xf32, #tpu.memory_space<vmem_shared>>) target_semaphore(%run_scoped3A : memref<!tpu.dma_semaphore, #tpu.memory_space<semaphore_mem>>)
      %dma_wait3A_145 = arith.constant 0 : i32
      %dma_wait3A_146 = tpu.memref_slice %arg8[%add3A_28, %dma_wait3A_145] : memref<10240x48xf32, #tpu.memory_space<vmem_shared>> -> memref<128x48xf32, #tpu.memory_space<vmem_shared>>
      %dma_wait3A_147 = arith.constant 0 : i32
      %dma_wait3A_148 = tpu.memref_slice %arg8[%add3A_28, %dma_wait3A_147] : memref<10240x48xf32, #tpu.memory_space<vmem_shared>> -> memref<128x48xf32, #tpu.memory_space<vmem_shared>>
      tpu.wait_dma2 semaphore(%run_scoped3A : memref<!tpu.dma_semaphore, #tpu.memory_space<semaphore_mem>>) src(%arg6 : memref<128x48xf32, #tpu.memory_space<vmem>>) dst(%dma_wait3A_148 : memref<128x48xf32, #tpu.memory_space<vmem_shared>>)
      tpu.yield
    }) : () -> ()
    %barrier3A = arith.constant 0 : index
    tpu.barrier barrier_id(%barrier3A)
    %add3A_29 = arith.constant 0 : i32
    %add3A_30 = arith.addi %mul3A_2, %add3A_29 : i32
    %dma_start3A = arith.constant 0 : i32
    %dma_start3A_31 = arith.constant 0 : i32
    %dma_start3A_32 = arith.constant 0 : i32
    %dma_start3A_33 = tpu.memref_slice %arg5[%dma_start3A, %dma_start3A_31, %dma_start3A_32] : memref<4x2x128xi32, #tpu.memory_space<vmem>> -> memref<1x2x128xi32, #tpu.memory_space<vmem>>
    %dma_start3A_34 = tpu.memref_squeeze %dma_start3A_33 : memref<1x2x128xi32, #tpu.memory_space<vmem>> -> memref<2x128xi32, #tpu.memory_space<vmem>>
    %dma_start3A_35 = arith.constant 0 : i32
    %dma_start3A_36 = arith.constant 0 : i32
    %dma_start3A_37 = tpu.memref_slice %arg3[%add3A_30, %dma_start3A_35, %dma_start3A_36] : memref<2560x2x128xi32, #tpu.memory_space<hbm>> -> memref<1x2x128xi32, #tpu.memory_space<hbm>>
    %dma_start3A_38 = tpu.memref_squeeze %dma_start3A_37 : memref<1x2x128xi32, #tpu.memory_space<hbm>> -> memref<2x128xi32, #tpu.memory_space<hbm>>
    %dma_start3A_39 = arith.constant 0 : i32
    %dma_start3A_40 = arith.constant 0 : i32
    %dma_start3A_41 = tpu.memref_slice %arg5[%dma_start3A, %dma_start3A_39, %dma_start3A_40] : memref<4x2x128xi32, #tpu.memory_space<vmem>> -> memref<1x2x128xi32, #tpu.memory_space<vmem>>
    %dma_start3A_42 = tpu.memref_squeeze %dma_start3A_41 : memref<1x2x128xi32, #tpu.memory_space<vmem>> -> memref<2x128xi32, #tpu.memory_space<vmem>>
    %dma_start3A_43 = arith.constant 0 : i32
    %dma_start3A_44 = arith.constant 0 : i32
    %dma_start3A_45 = tpu.memref_slice %arg3[%add3A_30, %dma_start3A_43, %dma_start3A_44] : memref<2560x2x128xi32, #tpu.memory_space<hbm>> -> memref<1x2x128xi32, #tpu.memory_space<hbm>>
    %dma_start3A_46 = tpu.memref_squeeze %dma_start3A_45 : memref<1x2x128xi32, #tpu.memory_space<hbm>> -> memref<2x128xi32, #tpu.memory_space<hbm>>
    tpu.enqueue_dma source(%dma_start3A_46 : memref<2x128xi32, #tpu.memory_space<hbm>>) target(%dma_start3A_42 : memref<2x128xi32, #tpu.memory_space<vmem>>) target_semaphore(%arg11 : memref<!tpu.dma_semaphore, #tpu.memory_space<semaphore_mem>>)
    %add3A_47 = arith.constant 1 : i32
    %add3A_48 = arith.addi %mul3A_2, %add3A_47 : i32
    %dma_start3A_49 = arith.constant 1 : i32
    %dma_start3A_50 = arith.constant 0 : i32
    %dma_start3A_51 = arith.constant 0 : i32
    %dma_start3A_52 = tpu.memref_slice %arg5[%dma_start3A_49, %dma_start3A_50, %dma_start3A_51] : memref<4x2x128xi32, #tpu.memory_space<vmem>> -> memref<1x2x128xi32, #tpu.memory_space<vmem>>
    %dma_start3A_53 = tpu.memref_squeeze %dma_start3A_52 : memref<1x2x128xi32, #tpu.memory_space<vmem>> -> memref<2x128xi32, #tpu.memory_space<vmem>>
    %dma_start3A_54 = arith.constant 0 : i32
    %dma_start3A_55 = arith.constant 0 : i32
    %dma_start3A_56 = tpu.memref_slice %arg3[%add3A_48, %dma_start3A_54, %dma_start3A_55] : memref<2560x2x128xi32, #tpu.memory_space<hbm>> -> memref<1x2x128xi32, #tpu.memory_space<hbm>>
    %dma_start3A_57 = tpu.memref_squeeze %dma_start3A_56 : memref<1x2x128xi32, #tpu.memory_space<hbm>> -> memref<2x128xi32, #tpu.memory_space<hbm>>
    %dma_start3A_58 = arith.constant 0 : i32
    %dma_start3A_59 = arith.constant 0 : i32
    %dma_start3A_60 = tpu.memref_slice %arg5[%dma_start3A_49, %dma_start3A_58, %dma_start3A_59] : memref<4x2x128xi32, #tpu.memory_space<vmem>> -> memref<1x2x128xi32, #tpu.memory_space<vmem>>
    %dma_start3A_61 = tpu.memref_squeeze %dma_start3A_60 : memref<1x2x128xi32, #tpu.memory_space<vmem>> -> memref<2x128xi32, #tpu.memory_space<vmem>>
    %dma_start3A_62 = arith.constant 0 : i32
    %dma_start3A_63 = arith.constant 0 : i32
    %dma_start3A_64 = tpu.memref_slice %arg3[%add3A_48, %dma_start3A_62, %dma_start3A_63] : memref<2560x2x128xi32, #tpu.memory_space<hbm>> -> memref<1x2x128xi32, #tpu.memory_space<hbm>>
    %dma_start3A_65 = tpu.memref_squeeze %dma_start3A_64 : memref<1x2x128xi32, #tpu.memory_space<hbm>> -> memref<2x128xi32, #tpu.memory_space<hbm>>
    tpu.enqueue_dma source(%dma_start3A_65 : memref<2x128xi32, #tpu.memory_space<hbm>>) target(%dma_start3A_61 : memref<2x128xi32, #tpu.memory_space<vmem>>) target_semaphore(%arg12 : memref<!tpu.dma_semaphore, #tpu.memory_space<semaphore_mem>>)
    %add3A_66 = arith.constant 2 : i32
    %add3A_67 = arith.addi %mul3A_2, %add3A_66 : i32
    %dma_start3A_68 = arith.constant 2 : i32
    %dma_start3A_69 = arith.constant 0 : i32
    %dma_start3A_70 = arith.constant 0 : i32
    %dma_start3A_71 = tpu.memref_slice %arg5[%dma_start3A_68, %dma_start3A_69, %dma_start3A_70] : memref<4x2x128xi32, #tpu.memory_space<vmem>> -> memref<1x2x128xi32, #tpu.memory_space<vmem>>
    %dma_start3A_72 = tpu.memref_squeeze %dma_start3A_71 : memref<1x2x128xi32, #tpu.memory_space<vmem>> -> memref<2x128xi32, #tpu.memory_space<vmem>>
    %dma_start3A_73 = arith.constant 0 : i32
    %dma_start3A_74 = arith.constant 0 : i32
    %dma_start3A_75 = tpu.memref_slice %arg3[%add3A_67, %dma_start3A_73, %dma_start3A_74] : memref<2560x2x128xi32, #tpu.memory_space<hbm>> -> memref<1x2x128xi32, #tpu.memory_space<hbm>>
    %dma_start3A_76 = tpu.memref_squeeze %dma_start3A_75 : memref<1x2x128xi32, #tpu.memory_space<hbm>> -> memref<2x128xi32, #tpu.memory_space<hbm>>
    %dma_start3A_77 = arith.constant 0 : i32
    %dma_start3A_78 = arith.constant 0 : i32
    %dma_start3A_79 = tpu.memref_slice %arg5[%dma_start3A_68, %dma_start3A_77, %dma_start3A_78] : memref<4x2x128xi32, #tpu.memory_space<vmem>> -> memref<1x2x128xi32, #tpu.memory_space<vmem>>
    %dma_start3A_80 = tpu.memref_squeeze %dma_start3A_79 : memref<1x2x128xi32, #tpu.memory_space<vmem>> -> memref<2x128xi32, #tpu.memory_space<vmem>>
    %dma_start3A_81 = arith.constant 0 : i32
    %dma_start3A_82 = arith.constant 0 : i32
    %dma_start3A_83 = tpu.memref_slice %arg3[%add3A_67, %dma_start3A_81, %dma_start3A_82] : memref<2560x2x128xi32, #tpu.memory_space<hbm>> -> memref<1x2x128xi32, #tpu.memory_space<hbm>>
    %dma_start3A_84 = tpu.memref_squeeze %dma_start3A_83 : memref<1x2x128xi32, #tpu.memory_space<hbm>> -> memref<2x128xi32, #tpu.memory_space<hbm>>
    tpu.enqueue_dma source(%dma_start3A_84 : memref<2x128xi32, #tpu.memory_space<hbm>>) target(%dma_start3A_80 : memref<2x128xi32, #tpu.memory_space<vmem>>) target_semaphore(%arg13 : memref<!tpu.dma_semaphore, #tpu.memory_space<semaphore_mem>>)
    %add3A_85 = arith.constant 3 : i32
    %add3A_86 = arith.addi %mul3A_2, %add3A_85 : i32
    %dma_start3A_87 = arith.constant 3 : i32
    %dma_start3A_88 = arith.constant 0 : i32
    %dma_start3A_89 = arith.constant 0 : i32
    %dma_start3A_90 = tpu.memref_slice %arg5[%dma_start3A_87, %dma_start3A_88, %dma_start3A_89] : memref<4x2x128xi32, #tpu.memory_space<vmem>> -> memref<1x2x128xi32, #tpu.memory_space<vmem>>
    %dma_start3A_91 = tpu.memref_squeeze %dma_start3A_90 : memref<1x2x128xi32, #tpu.memory_space<vmem>> -> memref<2x128xi32, #tpu.memory_space<vmem>>
    %dma_start3A_92 = arith.constant 0 : i32
    %dma_start3A_93 = arith.constant 0 : i32
    %dma_start3A_94 = tpu.memref_slice %arg3[%add3A_86, %dma_start3A_92, %dma_start3A_93] : memref<2560x2x128xi32, #tpu.memory_space<hbm>> -> memref<1x2x128xi32, #tpu.memory_space<hbm>>
    %dma_start3A_95 = tpu.memref_squeeze %dma_start3A_94 : memref<1x2x128xi32, #tpu.memory_space<hbm>> -> memref<2x128xi32, #tpu.memory_space<hbm>>
    %dma_start3A_96 = arith.constant 0 : i32
    %dma_start3A_97 = arith.constant 0 : i32
    %dma_start3A_98 = tpu.memref_slice %arg5[%dma_start3A_87, %dma_start3A_96, %dma_start3A_97] : memref<4x2x128xi32, #tpu.memory_space<vmem>> -> memref<1x2x128xi32, #tpu.memory_space<vmem>>
    %dma_start3A_99 = tpu.memref_squeeze %dma_start3A_98 : memref<1x2x128xi32, #tpu.memory_space<vmem>> -> memref<2x128xi32, #tpu.memory_space<vmem>>
    %dma_start3A_100 = arith.constant 0 : i32
    %dma_start3A_101 = arith.constant 0 : i32
    %dma_start3A_102 = tpu.memref_slice %arg3[%add3A_86, %dma_start3A_100, %dma_start3A_101] : memref<2560x2x128xi32, #tpu.memory_space<hbm>> -> memref<1x2x128xi32, #tpu.memory_space<hbm>>
    %dma_start3A_103 = tpu.memref_squeeze %dma_start3A_102 : memref<1x2x128xi32, #tpu.memory_space<hbm>> -> memref<2x128xi32, #tpu.memory_space<hbm>>
    tpu.enqueue_dma source(%dma_start3A_103 : memref<2x128xi32, #tpu.memory_space<hbm>>) target(%dma_start3A_99 : memref<2x128xi32, #tpu.memory_space<vmem>>) target_semaphore(%arg14 : memref<!tpu.dma_semaphore, #tpu.memory_space<semaphore_mem>>)
    %add3A_104 = arith.constant 0 : i32
    %add3A_105 = arith.addi %mul3A_2, %add3A_104 : i32
    %dma_wait3A = arith.constant 0 : i32
    %dma_wait3A_106 = arith.constant 0 : i32
    %dma_wait3A_107 = arith.constant 0 : i32
    %dma_wait3A_108 = tpu.memref_slice %arg5[%dma_wait3A, %dma_wait3A_106, %dma_wait3A_107] : memref<4x2x128xi32, #tpu.memory_space<vmem>> -> memref<1x2x128xi32, #tpu.memory_space<vmem>>
    %dma_wait3A_109 = tpu.memref_squeeze %dma_wait3A_108 : memref<1x2x128xi32, #tpu.memory_space<vmem>> -> memref<2x128xi32, #tpu.memory_space<vmem>>
    %dma_wait3A_110 = arith.constant 0 : i32
    %dma_wait3A_111 = arith.constant 0 : i32
    %dma_wait3A_112 = tpu.memref_slice %arg3[%add3A_105, %dma_wait3A_110, %dma_wait3A_111] : memref<2560x2x128xi32, #tpu.memory_space<hbm>> -> memref<1x2x128xi32, #tpu.memory_space<hbm>>
    %dma_wait3A_113 = tpu.memref_squeeze %dma_wait3A_112 : memref<1x2x128xi32, #tpu.memory_space<hbm>> -> memref<2x128xi32, #tpu.memory_space<hbm>>
    %dma_wait3A_114 = arith.constant 0 : i32
    %dma_wait3A_115 = arith.constant 0 : i32
    %dma_wait3A_116 = tpu.memref_slice %arg5[%dma_wait3A, %dma_wait3A_114, %dma_wait3A_115] : memref<4x2x128xi32, #tpu.memory_space<vmem>> -> memref<1x2x128xi32, #tpu.memory_space<vmem>>
    %dma_wait3A_117 = tpu.memref_squeeze %dma_wait3A_116 : memref<1x2x128xi32, #tpu.memory_space<vmem>> -> memref<2x128xi32, #tpu.memory_space<vmem>>
    %dma_wait3A_118 = arith.constant 0 : i32
    %dma_wait3A_119 = arith.constant 0 : i32
    %dma_wait3A_120 = tpu.memref_slice %arg3[%add3A_105, %dma_wait3A_118, %dma_wait3A_119] : memref<2560x2x128xi32, #tpu.memory_space<hbm>> -> memref<1x2x128xi32, #tpu.memory_space<hbm>>
    %dma_wait3A_121 = tpu.memref_squeeze %dma_wait3A_120 : memref<1x2x128xi32, #tpu.memory_space<hbm>> -> memref<2x128xi32, #tpu.memory_space<hbm>>
    tpu.wait_dma2 semaphore(%arg11 : memref<!tpu.dma_semaphore, #tpu.memory_space<semaphore_mem>>) src(%dma_wait3A_121 : memref<2x128xi32, #tpu.memory_space<hbm>>) dst(%dma_wait3A_117 : memref<2x128xi32, #tpu.memory_space<vmem>>)
    %dma_start3A_122 = arith.constant 0 : i32
    %dma_start3A_123 = arith.constant 0 : i32
    %dma_start3A_124 = arith.constant 0 : i32
    %dma_start3A_125 = tpu.memref_slice %arg5[%dma_start3A_122, %dma_start3A_123, %dma_start3A_124] : memref<4x2x128xi32, #tpu.memory_space<vmem>> -> memref<1x1x128xi32, #tpu.memory_space<vmem>>
    %dma_start3A_126 = tpu.memref_squeeze %dma_start3A_125 : memref<1x1x128xi32, #tpu.memory_space<vmem>> -> memref<128xi32, #tpu.memory_space<vmem>>
    %dma_start3A_127 = arith.constant 0 : i32
    %dma_start3A_128 = arith.constant 0 : i32
    %dma_start3A_129 = tpu.memref_slice %arg2[%dma_start3A_127, %dma_start3A_128] : memref<10240x48xf32, #tpu.memory_space<hbm>> -> memref<10240x48xf32, #tpu.memory_space<hbm>>
    tpu.enqueue_indirect_dma source(%dma_start3A_129 : memref<10240x48xf32, #tpu.memory_space<hbm>>) target(%arg6 : memref<128x48xf32, #tpu.memory_space<vmem>>) offsets(%dma_start3A_126 : memref<128xi32, #tpu.memory_space<vmem>>) semaphore(%arg9 : memref<!tpu.dma_semaphore, #tpu.memory_space<semaphore_mem>>)
    %scan3A_130 = arith.constant 0 : i32
    %scan3A_131 = arith.constant 0 : i32
    %scan3A_132 = arith.constant 20 : i32
    %scan3A_133 = arith.addi %scan3A_131, %scan3A_132 : i32
    %scan3A_134 = arith.constant 1 : i32
    scf.for %scan3A_141 = %scan3A_131 to %scan3A_133 step %scan3A_134  : i32 {
      %mul3A_142 = arith.constant 4 : i32
      %mul3A_143 = arith.muli %scan3A_141, %mul3A_142 : i32
      %add3A_144 = arith.constant 0 : i32
      %add3A_145 = arith.addi %mul3A_143, %add3A_144 : i32
      %add3A_146 = arith.constant 1 : i32
      %add3A_147 = arith.addi %add3A_145, %add3A_146 : i32
      %lt3A = arith.constant 80 : i32
      %lt3A_148 = arith.cmpi slt, %add3A_147, %lt3A : i32
      %convert_element_type3A = arith.extui %lt3A_148 : i1 to i32
      %cond3A = arith.constant 0 : i32
      %cond3A_149 = arith.cmpi ne, %convert_element_type3A, %cond3A : i32
      scf.if %cond3A_149 {
        %add3A_250 = arith.constant 1 : i32
        %add3A_251 = arith.addi %add3A_145, %add3A_250 : i32
        %add3A_252 = arith.addi %mul3A_2, %add3A_251 : i32
        %dma_wait3A_253 = arith.constant 1 : i32
        %dma_wait3A_254 = arith.constant 0 : i32
        %dma_wait3A_255 = arith.constant 0 : i32
        %dma_wait3A_256 = tpu.memref_slice %arg5[%dma_wait3A_253, %dma_wait3A_254, %dma_wait3A_255] : memref<4x2x128xi32, #tpu.memory_space<vmem>> -> memref<1x2x128xi32, #tpu.memory_space<vmem>>
        %dma_wait3A_257 = tpu.memref_squeeze %dma_wait3A_256 : memref<1x2x128xi32, #tpu.memory_space<vmem>> -> memref<2x128xi32, #tpu.memory_space<vmem>>
        %dma_wait3A_258 = arith.constant 0 : i32
        %dma_wait3A_259 = arith.constant 0 : i32
        %dma_wait3A_260 = tpu.memref_slice %arg3[%add3A_252, %dma_wait3A_258, %dma_wait3A_259] : memref<2560x2x128xi32, #tpu.memory_space<hbm>> -> memref<1x2x128xi32, #tpu.memory_space<hbm>>
        %dma_wait3A_261 = tpu.memref_squeeze %dma_wait3A_260 : memref<1x2x128xi32, #tpu.memory_space<hbm>> -> memref<2x128xi32, #tpu.memory_space<hbm>>
        %dma_wait3A_262 = arith.constant 0 : i32
        %dma_wait3A_263 = arith.constant 0 : i32
        %dma_wait3A_264 = tpu.memref_slice %arg5[%dma_wait3A_253, %dma_wait3A_262, %dma_wait3A_263] : memref<4x2x128xi32, #tpu.memory_space<vmem>> -> memref<1x2x128xi32, #tpu.memory_space<vmem>>
        %dma_wait3A_265 = tpu.memref_squeeze %dma_wait3A_264 : memref<1x2x128xi32, #tpu.memory_space<vmem>> -> memref<2x128xi32, #tpu.memory_space<vmem>>
        %dma_wait3A_266 = arith.constant 0 : i32
        %dma_wait3A_267 = arith.constant 0 : i32
        %dma_wait3A_268 = tpu.memref_slice %arg3[%add3A_252, %dma_wait3A_266, %dma_wait3A_267] : memref<2560x2x128xi32, #tpu.memory_space<hbm>> -> memref<1x2x128xi32, #tpu.memory_space<hbm>>
        %dma_wait3A_269 = tpu.memref_squeeze %dma_wait3A_268 : memref<1x2x128xi32, #tpu.memory_space<hbm>> -> memref<2x128xi32, #tpu.memory_space<hbm>>
        tpu.wait_dma2 semaphore(%arg12 : memref<!tpu.dma_semaphore, #tpu.memory_space<semaphore_mem>>) src(%dma_wait3A_269 : memref<2x128xi32, #tpu.memory_space<hbm>>) dst(%dma_wait3A_265 : memref<2x128xi32, #tpu.memory_space<vmem>>)
        %dma_start3A_270 = arith.constant 1 : i32
        %dma_start3A_271 = arith.constant 0 : i32
        %dma_start3A_272 = arith.constant 0 : i32
        %dma_start3A_273 = tpu.memref_slice %arg5[%dma_start3A_270, %dma_start3A_271, %dma_start3A_272] : memref<4x2x128xi32, #tpu.memory_space<vmem>> -> memref<1x1x128xi32, #tpu.memory_space<vmem>>
        %dma_start3A_274 = tpu.memref_squeeze %dma_start3A_273 : memref<1x1x128xi32, #tpu.memory_space<vmem>> -> memref<128xi32, #tpu.memory_space<vmem>>
        %dma_start3A_275 = arith.constant 0 : i32
        %dma_start3A_276 = arith.constant 0 : i32
        %dma_start3A_277 = tpu.memref_slice %arg2[%dma_start3A_275, %dma_start3A_276] : memref<10240x48xf32, #tpu.memory_space<hbm>> -> memref<10240x48xf32, #tpu.memory_space<hbm>>
        tpu.enqueue_indirect_dma source(%dma_start3A_277 : memref<10240x48xf32, #tpu.memory_space<hbm>>) target(%arg7 : memref<128x48xf32, #tpu.memory_space<vmem>>) offsets(%dma_start3A_274 : memref<128xi32, #tpu.memory_space<vmem>>) semaphore(%arg10 : memref<!tpu.dma_semaphore, #tpu.memory_space<semaphore_mem>>)
      } else {
      }
      %dma_wait3A_150 = arith.constant 0 : i32
      %dma_wait3A_151 = arith.constant 0 : i32
      %dma_wait3A_152 = arith.constant 0 : i32
      %dma_wait3A_153 = tpu.memref_slice %arg5[%dma_wait3A_150, %dma_wait3A_151, %dma_wait3A_152] : memref<4x2x128xi32, #tpu.memory_space<vmem>> -> memref<1x1x128xi32, #tpu.memory_space<vmem>>
      %dma_wait3A_154 = tpu.memref_squeeze %dma_wait3A_153 : memref<1x1x128xi32, #tpu.memory_space<vmem>> -> memref<128xi32, #tpu.memory_space<vmem>>
      %dma_wait3A_155 = arith.constant 0 : i32
      %dma_wait3A_156 = arith.constant 0 : i32
      %dma_wait3A_157 = tpu.memref_slice %arg2[%dma_wait3A_155, %dma_wait3A_156] : memref<10240x48xf32, #tpu.memory_space<hbm>> -> memref<10240x48xf32, #tpu.memory_space<hbm>>
      tpu.wait_indirect_dma semaphore(%arg9 : memref<!tpu.dma_semaphore, #tpu.memory_space<semaphore_mem>>) src(%dma_wait3A_157 : memref<10240x48xf32, #tpu.memory_space<hbm>>) dst(%arg6 : memref<128x48xf32, #tpu.memory_space<vmem>>)
      %run_scoped3A = arith.constant 0 : i32
      %run_scoped3A_158 = arith.constant 1 : i32
      "tpu.region"() ({
        %run_scoped3A_250 = tpu.sem_alloc : memref<!tpu.dma_semaphore, #tpu.memory_space<semaphore_mem>>
        %dma_start3A_251 = arith.constant 0 : i32
        %dma_start3A_252 = tpu.memref_slice %arg5[%run_scoped3A, %run_scoped3A_158, %dma_start3A_251] : memref<4x2x128xi32, #tpu.memory_space<vmem>> -> memref<1x1x128xi32, #tpu.memory_space<vmem>>
        %dma_start3A_253 = tpu.memref_squeeze %dma_start3A_252 : memref<1x1x128xi32, #tpu.memory_space<vmem>> -> memref<128xi32, #tpu.memory_space<vmem>>
        %dma_start3A_254 = arith.constant 0 : i32
        %dma_start3A_255 = arith.constant 0 : i32
        %dma_start3A_256 = tpu.memref_slice %arg8[%dma_start3A_254, %dma_start3A_255] : memref<10240x48xf32, #tpu.memory_space<vmem_shared>> -> memref<10240x48xf32, #tpu.memory_space<vmem_shared>>
        tpu.enqueue_indirect_dma source(%arg6 : memref<128x48xf32, #tpu.memory_space<vmem>>) target(%dma_start3A_256 : memref<10240x48xf32, #tpu.memory_space<vmem_shared>>) offsets(%dma_start3A_253 : memref<128xi32, #tpu.memory_space<vmem>>) semaphore(%run_scoped3A_250 : memref<!tpu.dma_semaphore, #tpu.memory_space<semaphore_mem>>) {add = true}
        %dma_wait3A_257 = arith.constant 0 : i32
        %dma_wait3A_258 = tpu.memref_slice %arg5[%run_scoped3A, %run_scoped3A_158, %dma_wait3A_257] : memref<4x2x128xi32, #tpu.memory_space<vmem>> -> memref<1x1x128xi32, #tpu.memory_space<vmem>>
        %dma_wait3A_259 = tpu.memref_squeeze %dma_wait3A_258 : memref<1x1x128xi32, #tpu.memory_space<vmem>> -> memref<128xi32, #tpu.memory_space<vmem>>
        %dma_wait3A_260 = arith.constant 0 : i32
        %dma_wait3A_261 = arith.constant 0 : i32
        %dma_wait3A_262 = tpu.memref_slice %arg8[%dma_wait3A_260, %dma_wait3A_261] : memref<10240x48xf32, #tpu.memory_space<vmem_shared>> -> memref<10240x48xf32, #tpu.memory_space<vmem_shared>>
        tpu.wait_indirect_dma semaphore(%run_scoped3A_250 : memref<!tpu.dma_semaphore, #tpu.memory_space<semaphore_mem>>) src(%arg6 : memref<128x48xf32, #tpu.memory_space<vmem>>) dst(%dma_wait3A_262 : memref<10240x48xf32, #tpu.memory_space<vmem_shared>>)
        tpu.yield
      }) : () -> ()
      %add3A_159 = arith.constant 4 : i32
      %add3A_160 = arith.addi %add3A_145, %add3A_159 : i32
      %lt3A_161 = arith.constant 80 : i32
      %lt3A_162 = arith.cmpi slt, %add3A_160, %lt3A_161 : i32
      %convert_element_type3A_163 = arith.extui %lt3A_162 : i1 to i32
      %cond3A_164 = arith.constant 0 : i32
      %cond3A_165 = arith.cmpi ne, %convert_element_type3A_163, %cond3A_164 : i32
      scf.if %cond3A_165 {
        %add3A_250 = arith.constant 4 : i32
        %add3A_251 = arith.addi %add3A_145, %add3A_250 : i32
        %add3A_252 = arith.addi %mul3A_2, %add3A_251 : i32
        %dma_start3A_253 = arith.constant 0 : i32
        %dma_start3A_254 = arith.constant 0 : i32
        %dma_start3A_255 = arith.constant 0 : i32
        %dma_start3A_256 = tpu.memref_slice %arg5[%dma_start3A_253, %dma_start3A_254, %dma_start3A_255] : memref<4x2x128xi32, #tpu.memory_space<vmem>> -> memref<1x2x128xi32, #tpu.memory_space<vmem>>
        %dma_start3A_257 = tpu.memref_squeeze %dma_start3A_256 : memref<1x2x128xi32, #tpu.memory_space<vmem>> -> memref<2x128xi32, #tpu.memory_space<vmem>>
        %dma_start3A_258 = arith.constant 0 : i32
        %dma_start3A_259 = arith.constant 0 : i32
        %dma_start3A_260 = tpu.memref_slice %arg3[%add3A_252, %dma_start3A_258, %dma_start3A_259] : memref<2560x2x128xi32, #tpu.memory_space<hbm>> -> memref<1x2x128xi32, #tpu.memory_space<hbm>>
        %dma_start3A_261 = tpu.memref_squeeze %dma_start3A_260 : memref<1x2x128xi32, #tpu.memory_space<hbm>> -> memref<2x128xi32, #tpu.memory_space<hbm>>
        %dma_start3A_262 = arith.constant 0 : i32
        %dma_start3A_263 = arith.constant 0 : i32
        %dma_start3A_264 = tpu.memref_slice %arg5[%dma_start3A_253, %dma_start3A_262, %dma_start3A_263] : memref<4x2x128xi32, #tpu.memory_space<vmem>> -> memref<1x2x128xi32, #tpu.memory_space<vmem>>
        %dma_start3A_265 = tpu.memref_squeeze %dma_start3A_264 : memref<1x2x128xi32, #tpu.memory_space<vmem>> -> memref<2x128xi32, #tpu.memory_space<vmem>>
        %dma_start3A_266 = arith.constant 0 : i32
        %dma_start3A_267 = arith.constant 0 : i32
        %dma_start3A_268 = tpu.memref_slice %arg3[%add3A_252, %dma_start3A_266, %dma_start3A_267] : memref<2560x2x128xi32, #tpu.memory_space<hbm>> -> memref<1x2x128xi32, #tpu.memory_space<hbm>>
        %dma_start3A_269 = tpu.memref_squeeze %dma_start3A_268 : memref<1x2x128xi32, #tpu.memory_space<hbm>> -> memref<2x128xi32, #tpu.memory_space<hbm>>
        tpu.enqueue_dma source(%dma_start3A_269 : memref<2x128xi32, #tpu.memory_space<hbm>>) target(%dma_start3A_265 : memref<2x128xi32, #tpu.memory_space<vmem>>) target_semaphore(%arg11 : memref<!tpu.dma_semaphore, #tpu.memory_space<semaphore_mem>>)
      } else {
      }
      %mul3A_166 = arith.constant 4 : i32
      %mul3A_167 = arith.muli %scan3A_141, %mul3A_166 : i32
      %add3A_168 = arith.constant 1 : i32
      %add3A_169 = arith.addi %mul3A_167, %add3A_168 : i32
      %add3A_170 = arith.constant 1 : i32
      %add3A_171 = arith.addi %add3A_169, %add3A_170 : i32
      %lt3A_172 = arith.constant 80 : i32
      %lt3A_173 = arith.cmpi slt, %add3A_171, %lt3A_172 : i32
      %convert_element_type3A_174 = arith.extui %lt3A_173 : i1 to i32
      %cond3A_175 = arith.constant 0 : i32
      %cond3A_176 = arith.cmpi ne, %convert_element_type3A_174, %cond3A_175 : i32
      scf.if %cond3A_176 {
        %add3A_250 = arith.constant 1 : i32
        %add3A_251 = arith.addi %add3A_169, %add3A_250 : i32
        %add3A_252 = arith.addi %mul3A_2, %add3A_251 : i32
        %dma_wait3A_253 = arith.constant 2 : i32
        %dma_wait3A_254 = arith.constant 0 : i32
        %dma_wait3A_255 = arith.constant 0 : i32
        %dma_wait3A_256 = tpu.memref_slice %arg5[%dma_wait3A_253, %dma_wait3A_254, %dma_wait3A_255] : memref<4x2x128xi32, #tpu.memory_space<vmem>> -> memref<1x2x128xi32, #tpu.memory_space<vmem>>
        %dma_wait3A_257 = tpu.memref_squeeze %dma_wait3A_256 : memref<1x2x128xi32, #tpu.memory_space<vmem>> -> memref<2x128xi32, #tpu.memory_space<vmem>>
        %dma_wait3A_258 = arith.constant 0 : i32
        %dma_wait3A_259 = arith.constant 0 : i32
        %dma_wait3A_260 = tpu.memref_slice %arg3[%add3A_252, %dma_wait3A_258, %dma_wait3A_259] : memref<2560x2x128xi32, #tpu.memory_space<hbm>> -> memref<1x2x128xi32, #tpu.memory_space<hbm>>
        %dma_wait3A_261 = tpu.memref_squeeze %dma_wait3A_260 : memref<1x2x128xi32, #tpu.memory_space<hbm>> -> memref<2x128xi32, #tpu.memory_space<hbm>>
        %dma_wait3A_262 = arith.constant 0 : i32
        %dma_wait3A_263 = arith.constant 0 : i32
        %dma_wait3A_264 = tpu.memref_slice %arg5[%dma_wait3A_253, %dma_wait3A_262, %dma_wait3A_263] : memref<4x2x128xi32, #tpu.memory_space<vmem>> -> memref<1x2x128xi32, #tpu.memory_space<vmem>>
        %dma_wait3A_265 = tpu.memref_squeeze %dma_wait3A_264 : memref<1x2x128xi32, #tpu.memory_space<vmem>> -> memref<2x128xi32, #tpu.memory_space<vmem>>
        %dma_wait3A_266 = arith.constant 0 : i32
        %dma_wait3A_267 = arith.constant 0 : i32
        %dma_wait3A_268 = tpu.memref_slice %arg3[%add3A_252, %dma_wait3A_266, %dma_wait3A_267] : memref<2560x2x128xi32, #tpu.memory_space<hbm>> -> memref<1x2x128xi32, #tpu.memory_space<hbm>>
        %dma_wait3A_269 = tpu.memref_squeeze %dma_wait3A_268 : memref<1x2x128xi32, #tpu.memory_space<hbm>> -> memref<2x128xi32, #tpu.memory_space<hbm>>
        tpu.wait_dma2 semaphore(%arg13 : memref<!tpu.dma_semaphore, #tpu.memory_space<semaphore_mem>>) src(%dma_wait3A_269 : memref<2x128xi32, #tpu.memory_space<hbm>>) dst(%dma_wait3A_265 : memref<2x128xi32, #tpu.memory_space<vmem>>)
        %dma_start3A_270 = arith.constant 2 : i32
        %dma_start3A_271 = arith.constant 0 : i32
        %dma_start3A_272 = arith.constant 0 : i32
        %dma_start3A_273 = tpu.memref_slice %arg5[%dma_start3A_270, %dma_start3A_271, %dma_start3A_272] : memref<4x2x128xi32, #tpu.memory_space<vmem>> -> memref<1x1x128xi32, #tpu.memory_space<vmem>>
        %dma_start3A_274 = tpu.memref_squeeze %dma_start3A_273 : memref<1x1x128xi32, #tpu.memory_space<vmem>> -> memref<128xi32, #tpu.memory_space<vmem>>
        %dma_start3A_275 = arith.constant 0 : i32
        %dma_start3A_276 = arith.constant 0 : i32
        %dma_start3A_277 = tpu.memref_slice %arg2[%dma_start3A_275, %dma_start3A_276] : memref<10240x48xf32, #tpu.memory_space<hbm>> -> memref<10240x48xf32, #tpu.memory_space<hbm>>
        tpu.enqueue_indirect_dma source(%dma_start3A_277 : memref<10240x48xf32, #tpu.memory_space<hbm>>) target(%arg6 : memref<128x48xf32, #tpu.memory_space<vmem>>) offsets(%dma_start3A_274 : memref<128xi32, #tpu.memory_space<vmem>>) semaphore(%arg9 : memref<!tpu.dma_semaphore, #tpu.memory_space<semaphore_mem>>)
      } else {
      }
      %dma_wait3A_177 = arith.constant 1 : i32
      %dma_wait3A_178 = arith.constant 0 : i32
      %dma_wait3A_179 = arith.constant 0 : i32
      %dma_wait3A_180 = tpu.memref_slice %arg5[%dma_wait3A_177, %dma_wait3A_178, %dma_wait3A_179] : memref<4x2x128xi32, #tpu.memory_space<vmem>> -> memref<1x1x128xi32, #tpu.memory_space<vmem>>
      %dma_wait3A_181 = tpu.memref_squeeze %dma_wait3A_180 : memref<1x1x128xi32, #tpu.memory_space<vmem>> -> memref<128xi32, #tpu.memory_space<vmem>>
      %dma_wait3A_182 = arith.constant 0 : i32
      %dma_wait3A_183 = arith.constant 0 : i32
      %dma_wait3A_184 = tpu.memref_slice %arg2[%dma_wait3A_182, %dma_wait3A_183] : memref<10240x48xf32, #tpu.memory_space<hbm>> -> memref<10240x48xf32, #tpu.memory_space<hbm>>
      tpu.wait_indirect_dma semaphore(%arg10 : memref<!tpu.dma_semaphore, #tpu.memory_space<semaphore_mem>>) src(%dma_wait3A_184 : memref<10240x48xf32, #tpu.memory_space<hbm>>) dst(%arg7 : memref<128x48xf32, #tpu.memory_space<vmem>>)
      %run_scoped3A_185 = arith.constant 1 : i32
      %run_scoped3A_186 = arith.constant 1 : i32
      "tpu.region"() ({
        %run_scoped3A_250 = tpu.sem_alloc : memref<!tpu.dma_semaphore, #tpu.memory_space<semaphore_mem>>
        %dma_start3A_251 = arith.constant 0 : i32
        %dma_start3A_252 = tpu.memref_slice %arg5[%run_scoped3A_185, %run_scoped3A_186, %dma_start3A_251] : memref<4x2x128xi32, #tpu.memory_space<vmem>> -> memref<1x1x128xi32, #tpu.memory_space<vmem>>
        %dma_start3A_253 = tpu.memref_squeeze %dma_start3A_252 : memref<1x1x128xi32, #tpu.memory_space<vmem>> -> memref<128xi32, #tpu.memory_space<vmem>>
        %dma_start3A_254 = arith.constant 0 : i32
        %dma_start3A_255 = arith.constant 0 : i32
        %dma_start3A_256 = tpu.memref_slice %arg8[%dma_start3A_254, %dma_start3A_255] : memref<10240x48xf32, #tpu.memory_space<vmem_shared>> -> memref<10240x48xf32, #tpu.memory_space<vmem_shared>>
        tpu.enqueue_indirect_dma source(%arg7 : memref<128x48xf32, #tpu.memory_space<vmem>>) target(%dma_start3A_256 : memref<10240x48xf32, #tpu.memory_space<vmem_shared>>) offsets(%dma_start3A_253 : memref<128xi32, #tpu.memory_space<vmem>>) semaphore(%run_scoped3A_250 : memref<!tpu.dma_semaphore, #tpu.memory_space<semaphore_mem>>) {add = true}
        %dma_wait3A_257 = arith.constant 0 : i32
        %dma_wait3A_258 = tpu.memref_slice %arg5[%run_scoped3A_185, %run_scoped3A_186, %dma_wait3A_257] : memref<4x2x128xi32, #tpu.memory_space<vmem>> -> memref<1x1x128xi32, #tpu.memory_space<vmem>>
        %dma_wait3A_259 = tpu.memref_squeeze %dma_wait3A_258 : memref<1x1x128xi32, #tpu.memory_space<vmem>> -> memref<128xi32, #tpu.memory_space<vmem>>
        %dma_wait3A_260 = arith.constant 0 : i32
        %dma_wait3A_261 = arith.constant 0 : i32
        %dma_wait3A_262 = tpu.memref_slice %arg8[%dma_wait3A_260, %dma_wait3A_261] : memref<10240x48xf32, #tpu.memory_space<vmem_shared>> -> memref<10240x48xf32, #tpu.memory_space<vmem_shared>>
        tpu.wait_indirect_dma semaphore(%run_scoped3A_250 : memref<!tpu.dma_semaphore, #tpu.memory_space<semaphore_mem>>) src(%arg7 : memref<128x48xf32, #tpu.memory_space<vmem>>) dst(%dma_wait3A_262 : memref<10240x48xf32, #tpu.memory_space<vmem_shared>>)
        tpu.yield
      }) : () -> ()
      %add3A_187 = arith.constant 4 : i32
      %add3A_188 = arith.addi %add3A_169, %add3A_187 : i32
      %lt3A_189 = arith.constant 80 : i32
      %lt3A_190 = arith.cmpi slt, %add3A_188, %lt3A_189 : i32
      %convert_element_type3A_191 = arith.extui %lt3A_190 : i1 to i32
      %cond3A_192 = arith.constant 0 : i32
      %cond3A_193 = arith.cmpi ne, %convert_element_type3A_191, %cond3A_192 : i32
      scf.if %cond3A_193 {
        %add3A_250 = arith.constant 4 : i32
        %add3A_251 = arith.addi %add3A_169, %add3A_250 : i32
        %add3A_252 = arith.addi %mul3A_2, %add3A_251 : i32
        %dma_start3A_253 = arith.constant 1 : i32
        %dma_start3A_254 = arith.constant 0 : i32
        %dma_start3A_255 = arith.constant 0 : i32
        %dma_start3A_256 = tpu.memref_slice %arg5[%dma_start3A_253, %dma_start3A_254, %dma_start3A_255] : memref<4x2x128xi32, #tpu.memory_space<vmem>> -> memref<1x2x128xi32, #tpu.memory_space<vmem>>
        %dma_start3A_257 = tpu.memref_squeeze %dma_start3A_256 : memref<1x2x128xi32, #tpu.memory_space<vmem>> -> memref<2x128xi32, #tpu.memory_space<vmem>>
        %dma_start3A_258 = arith.constant 0 : i32
        %dma_start3A_259 = arith.constant 0 : i32
        %dma_start3A_260 = tpu.memref_slice %arg3[%add3A_252, %dma_start3A_258, %dma_start3A_259] : memref<2560x2x128xi32, #tpu.memory_space<hbm>> -> memref<1x2x128xi32, #tpu.memory_space<hbm>>
        %dma_start3A_261 = tpu.memref_squeeze %dma_start3A_260 : memref<1x2x128xi32, #tpu.memory_space<hbm>> -> memref<2x128xi32, #tpu.memory_space<hbm>>
        %dma_start3A_262 = arith.constant 0 : i32
        %dma_start3A_263 = arith.constant 0 : i32
        %dma_start3A_264 = tpu.memref_slice %arg5[%dma_start3A_253, %dma_start3A_262, %dma_start3A_263] : memref<4x2x128xi32, #tpu.memory_space<vmem>> -> memref<1x2x128xi32, #tpu.memory_space<vmem>>
        %dma_start3A_265 = tpu.memref_squeeze %dma_start3A_264 : memref<1x2x128xi32, #tpu.memory_space<vmem>> -> memref<2x128xi32, #tpu.memory_space<vmem>>
        %dma_start3A_266 = arith.constant 0 : i32
        %dma_start3A_267 = arith.constant 0 : i32
        %dma_start3A_268 = tpu.memref_slice %arg3[%add3A_252, %dma_start3A_266, %dma_start3A_267] : memref<2560x2x128xi32, #tpu.memory_space<hbm>> -> memref<1x2x128xi32, #tpu.memory_space<hbm>>
        %dma_start3A_269 = tpu.memref_squeeze %dma_start3A_268 : memref<1x2x128xi32, #tpu.memory_space<hbm>> -> memref<2x128xi32, #tpu.memory_space<hbm>>
        tpu.enqueue_dma source(%dma_start3A_269 : memref<2x128xi32, #tpu.memory_space<hbm>>) target(%dma_start3A_265 : memref<2x128xi32, #tpu.memory_space<vmem>>) target_semaphore(%arg12 : memref<!tpu.dma_semaphore, #tpu.memory_space<semaphore_mem>>)
      } else {
      }
      %mul3A_194 = arith.constant 4 : i32
      %mul3A_195 = arith.muli %scan3A_141, %mul3A_194 : i32
      %add3A_196 = arith.constant 2 : i32
      %add3A_197 = arith.addi %mul3A_195, %add3A_196 : i32
      %add3A_198 = arith.constant 1 : i32
      %add3A_199 = arith.addi %add3A_197, %add3A_198 : i32
      %lt3A_200 = arith.constant 80 : i32
      %lt3A_201 = arith.cmpi slt, %add3A_199, %lt3A_200 : i32
      %convert_element_type3A_202 = arith.extui %lt3A_201 : i1 to i32
      %cond3A_203 = arith.constant 0 : i32
      %cond3A_204 = arith.cmpi ne, %convert_element_type3A_202, %cond3A_203 : i32
      scf.if %cond3A_204 {
        %add3A_250 = arith.constant 1 : i32
        %add3A_251 = arith.addi %add3A_197, %add3A_250 : i32
        %add3A_252 = arith.addi %mul3A_2, %add3A_251 : i32
        %dma_wait3A_253 = arith.constant 3 : i32
        %dma_wait3A_254 = arith.constant 0 : i32
        %dma_wait3A_255 = arith.constant 0 : i32
        %dma_wait3A_256 = tpu.memref_slice %arg5[%dma_wait3A_253, %dma_wait3A_254, %dma_wait3A_255] : memref<4x2x128xi32, #tpu.memory_space<vmem>> -> memref<1x2x128xi32, #tpu.memory_space<vmem>>
        %dma_wait3A_257 = tpu.memref_squeeze %dma_wait3A_256 : memref<1x2x128xi32, #tpu.memory_space<vmem>> -> memref<2x128xi32, #tpu.memory_space<vmem>>
        %dma_wait3A_258 = arith.constant 0 : i32
        %dma_wait3A_259 = arith.constant 0 : i32
        %dma_wait3A_260 = tpu.memref_slice %arg3[%add3A_252, %dma_wait3A_258, %dma_wait3A_259] : memref<2560x2x128xi32, #tpu.memory_space<hbm>> -> memref<1x2x128xi32, #tpu.memory_space<hbm>>
        %dma_wait3A_261 = tpu.memref_squeeze %dma_wait3A_260 : memref<1x2x128xi32, #tpu.memory_space<hbm>> -> memref<2x128xi32, #tpu.memory_space<hbm>>
        %dma_wait3A_262 = arith.constant 0 : i32
        %dma_wait3A_263 = arith.constant 0 : i32
        %dma_wait3A_264 = tpu.memref_slice %arg5[%dma_wait3A_253, %dma_wait3A_262, %dma_wait3A_263] : memref<4x2x128xi32, #tpu.memory_space<vmem>> -> memref<1x2x128xi32, #tpu.memory_space<vmem>>
        %dma_wait3A_265 = tpu.memref_squeeze %dma_wait3A_264 : memref<1x2x128xi32, #tpu.memory_space<vmem>> -> memref<2x128xi32, #tpu.memory_space<vmem>>
        %dma_wait3A_266 = arith.constant 0 : i32
        %dma_wait3A_267 = arith.constant 0 : i32
        %dma_wait3A_268 = tpu.memref_slice %arg3[%add3A_252, %dma_wait3A_266, %dma_wait3A_267] : memref<2560x2x128xi32, #tpu.memory_space<hbm>> -> memref<1x2x128xi32, #tpu.memory_space<hbm>>
        %dma_wait3A_269 = tpu.memref_squeeze %dma_wait3A_268 : memref<1x2x128xi32, #tpu.memory_space<hbm>> -> memref<2x128xi32, #tpu.memory_space<hbm>>
        tpu.wait_dma2 semaphore(%arg14 : memref<!tpu.dma_semaphore, #tpu.memory_space<semaphore_mem>>) src(%dma_wait3A_269 : memref<2x128xi32, #tpu.memory_space<hbm>>) dst(%dma_wait3A_265 : memref<2x128xi32, #tpu.memory_space<vmem>>)
        %dma_start3A_270 = arith.constant 3 : i32
        %dma_start3A_271 = arith.constant 0 : i32
        %dma_start3A_272 = arith.constant 0 : i32
        %dma_start3A_273 = tpu.memref_slice %arg5[%dma_start3A_270, %dma_start3A_271, %dma_start3A_272] : memref<4x2x128xi32, #tpu.memory_space<vmem>> -> memref<1x1x128xi32, #tpu.memory_space<vmem>>
        %dma_start3A_274 = tpu.memref_squeeze %dma_start3A_273 : memref<1x1x128xi32, #tpu.memory_space<vmem>> -> memref<128xi32, #tpu.memory_space<vmem>>
        %dma_start3A_275 = arith.constant 0 : i32
        %dma_start3A_276 = arith.constant 0 : i32
        %dma_start3A_277 = tpu.memref_slice %arg2[%dma_start3A_275, %dma_start3A_276] : memref<10240x48xf32, #tpu.memory_space<hbm>> -> memref<10240x48xf32, #tpu.memory_space<hbm>>
        tpu.enqueue_indirect_dma source(%dma_start3A_277 : memref<10240x48xf32, #tpu.memory_space<hbm>>) target(%arg7 : memref<128x48xf32, #tpu.memory_space<vmem>>) offsets(%dma_start3A_274 : memref<128xi32, #tpu.memory_space<vmem>>) semaphore(%arg10 : memref<!tpu.dma_semaphore, #tpu.memory_space<semaphore_mem>>)
      } else {
      }
      %dma_wait3A_205 = arith.constant 2 : i32
      %dma_wait3A_206 = arith.constant 0 : i32
      %dma_wait3A_207 = arith.constant 0 : i32
      %dma_wait3A_208 = tpu.memref_slice %arg5[%dma_wait3A_205, %dma_wait3A_206, %dma_wait3A_207] : memref<4x2x128xi32, #tpu.memory_space<vmem>> -> memref<1x1x128xi32, #tpu.memory_space<vmem>>
      %dma_wait3A_209 = tpu.memref_squeeze %dma_wait3A_208 : memref<1x1x128xi32, #tpu.memory_space<vmem>> -> memref<128xi32, #tpu.memory_space<vmem>>
      %dma_wait3A_210 = arith.constant 0 : i32
      %dma_wait3A_211 = arith.constant 0 : i32
      %dma_wait3A_212 = tpu.memref_slice %arg2[%dma_wait3A_210, %dma_wait3A_211] : memref<10240x48xf32, #tpu.memory_space<hbm>> -> memref<10240x48xf32, #tpu.memory_space<hbm>>
      tpu.wait_indirect_dma semaphore(%arg9 : memref<!tpu.dma_semaphore, #tpu.memory_space<semaphore_mem>>) src(%dma_wait3A_212 : memref<10240x48xf32, #tpu.memory_space<hbm>>) dst(%arg6 : memref<128x48xf32, #tpu.memory_space<vmem>>)
      %run_scoped3A_213 = arith.constant 2 : i32
      %run_scoped3A_214 = arith.constant 1 : i32
      "tpu.region"() ({
        %run_scoped3A_250 = tpu.sem_alloc : memref<!tpu.dma_semaphore, #tpu.memory_space<semaphore_mem>>
        %dma_start3A_251 = arith.constant 0 : i32
        %dma_start3A_252 = tpu.memref_slice %arg5[%run_scoped3A_213, %run_scoped3A_214, %dma_start3A_251] : memref<4x2x128xi32, #tpu.memory_space<vmem>> -> memref<1x1x128xi32, #tpu.memory_space<vmem>>
        %dma_start3A_253 = tpu.memref_squeeze %dma_start3A_252 : memref<1x1x128xi32, #tpu.memory_space<vmem>> -> memref<128xi32, #tpu.memory_space<vmem>>
        %dma_start3A_254 = arith.constant 0 : i32
        %dma_start3A_255 = arith.constant 0 : i32
        %dma_start3A_256 = tpu.memref_slice %arg8[%dma_start3A_254, %dma_start3A_255] : memref<10240x48xf32, #tpu.memory_space<vmem_shared>> -> memref<10240x48xf32, #tpu.memory_space<vmem_shared>>
        tpu.enqueue_indirect_dma source(%arg6 : memref<128x48xf32, #tpu.memory_space<vmem>>) target(%dma_start3A_256 : memref<10240x48xf32, #tpu.memory_space<vmem_shared>>) offsets(%dma_start3A_253 : memref<128xi32, #tpu.memory_space<vmem>>) semaphore(%run_scoped3A_250 : memref<!tpu.dma_semaphore, #tpu.memory_space<semaphore_mem>>) {add = true}
        %dma_wait3A_257 = arith.constant 0 : i32
        %dma_wait3A_258 = tpu.memref_slice %arg5[%run_scoped3A_213, %run_scoped3A_214, %dma_wait3A_257] : memref<4x2x128xi32, #tpu.memory_space<vmem>> -> memref<1x1x128xi32, #tpu.memory_space<vmem>>
        %dma_wait3A_259 = tpu.memref_squeeze %dma_wait3A_258 : memref<1x1x128xi32, #tpu.memory_space<vmem>> -> memref<128xi32, #tpu.memory_space<vmem>>
        %dma_wait3A_260 = arith.constant 0 : i32
        %dma_wait3A_261 = arith.constant 0 : i32
        %dma_wait3A_262 = tpu.memref_slice %arg8[%dma_wait3A_260, %dma_wait3A_261] : memref<10240x48xf32, #tpu.memory_space<vmem_shared>> -> memref<10240x48xf32, #tpu.memory_space<vmem_shared>>
        tpu.wait_indirect_dma semaphore(%run_scoped3A_250 : memref<!tpu.dma_semaphore, #tpu.memory_space<semaphore_mem>>) src(%arg6 : memref<128x48xf32, #tpu.memory_space<vmem>>) dst(%dma_wait3A_262 : memref<10240x48xf32, #tpu.memory_space<vmem_shared>>)
        tpu.yield
      }) : () -> ()
      %add3A_215 = arith.constant 4 : i32
      %add3A_216 = arith.addi %add3A_197, %add3A_215 : i32
      %lt3A_217 = arith.constant 80 : i32
      %lt3A_218 = arith.cmpi slt, %add3A_216, %lt3A_217 : i32
      %convert_element_type3A_219 = arith.extui %lt3A_218 : i1 to i32
      %cond3A_220 = arith.constant 0 : i32
      %cond3A_221 = arith.cmpi ne, %convert_element_type3A_219, %cond3A_220 : i32
      scf.if %cond3A_221 {
        %add3A_250 = arith.constant 4 : i32
        %add3A_251 = arith.addi %add3A_197, %add3A_250 : i32
        %add3A_252 = arith.addi %mul3A_2, %add3A_251 : i32
        %dma_start3A_253 = arith.constant 2 : i32
        %dma_start3A_254 = arith.constant 0 : i32
        %dma_start3A_255 = arith.constant 0 : i32
        %dma_start3A_256 = tpu.memref_slice %arg5[%dma_start3A_253, %dma_start3A_254, %dma_start3A_255] : memref<4x2x128xi32, #tpu.memory_space<vmem>> -> memref<1x2x128xi32, #tpu.memory_space<vmem>>
        %dma_start3A_257 = tpu.memref_squeeze %dma_start3A_256 : memref<1x2x128xi32, #tpu.memory_space<vmem>> -> memref<2x128xi32, #tpu.memory_space<vmem>>
        %dma_start3A_258 = arith.constant 0 : i32
        %dma_start3A_259 = arith.constant 0 : i32
        %dma_start3A_260 = tpu.memref_slice %arg3[%add3A_252, %dma_start3A_258, %dma_start3A_259] : memref<2560x2x128xi32, #tpu.memory_space<hbm>> -> memref<1x2x128xi32, #tpu.memory_space<hbm>>
        %dma_start3A_261 = tpu.memref_squeeze %dma_start3A_260 : memref<1x2x128xi32, #tpu.memory_space<hbm>> -> memref<2x128xi32, #tpu.memory_space<hbm>>
        %dma_start3A_262 = arith.constant 0 : i32
        %dma_start3A_263 = arith.constant 0 : i32
        %dma_start3A_264 = tpu.memref_slice %arg5[%dma_start3A_253, %dma_start3A_262, %dma_start3A_263] : memref<4x2x128xi32, #tpu.memory_space<vmem>> -> memref<1x2x128xi32, #tpu.memory_space<vmem>>
        %dma_start3A_265 = tpu.memref_squeeze %dma_start3A_264 : memref<1x2x128xi32, #tpu.memory_space<vmem>> -> memref<2x128xi32, #tpu.memory_space<vmem>>
        %dma_start3A_266 = arith.constant 0 : i32
        %dma_start3A_267 = arith.constant 0 : i32
        %dma_start3A_268 = tpu.memref_slice %arg3[%add3A_252, %dma_start3A_266, %dma_start3A_267] : memref<2560x2x128xi32, #tpu.memory_space<hbm>> -> memref<1x2x128xi32, #tpu.memory_space<hbm>>
        %dma_start3A_269 = tpu.memref_squeeze %dma_start3A_268 : memref<1x2x128xi32, #tpu.memory_space<hbm>> -> memref<2x128xi32, #tpu.memory_space<hbm>>
        tpu.enqueue_dma source(%dma_start3A_269 : memref<2x128xi32, #tpu.memory_space<hbm>>) target(%dma_start3A_265 : memref<2x128xi32, #tpu.memory_space<vmem>>) target_semaphore(%arg13 : memref<!tpu.dma_semaphore, #tpu.memory_space<semaphore_mem>>)
      } else {
      }
      %mul3A_222 = arith.constant 4 : i32
      %mul3A_223 = arith.muli %scan3A_141, %mul3A_222 : i32
      %add3A_224 = arith.constant 3 : i32
      %add3A_225 = arith.addi %mul3A_223, %add3A_224 : i32
      %add3A_226 = arith.constant 1 : i32
      %add3A_227 = arith.addi %add3A_225, %add3A_226 : i32
      %lt3A_228 = arith.constant 80 : i32
      %lt3A_229 = arith.cmpi slt, %add3A_227, %lt3A_228 : i32
      %convert_element_type3A_230 = arith.extui %lt3A_229 : i1 to i32
      %cond3A_231 = arith.constant 0 : i32
      %cond3A_232 = arith.cmpi ne, %convert_element_type3A_230, %cond3A_231 : i32
      scf.if %cond3A_232 {
        %add3A_250 = arith.constant 1 : i32
        %add3A_251 = arith.addi %add3A_225, %add3A_250 : i32
        %add3A_252 = arith.addi %mul3A_2, %add3A_251 : i32
        %dma_wait3A_253 = arith.constant 0 : i32
        %dma_wait3A_254 = arith.constant 0 : i32
        %dma_wait3A_255 = arith.constant 0 : i32
        %dma_wait3A_256 = tpu.memref_slice %arg5[%dma_wait3A_253, %dma_wait3A_254, %dma_wait3A_255] : memref<4x2x128xi32, #tpu.memory_space<vmem>> -> memref<1x2x128xi32, #tpu.memory_space<vmem>>
        %dma_wait3A_257 = tpu.memref_squeeze %dma_wait3A_256 : memref<1x2x128xi32, #tpu.memory_space<vmem>> -> memref<2x128xi32, #tpu.memory_space<vmem>>
        %dma_wait3A_258 = arith.constant 0 : i32
        %dma_wait3A_259 = arith.constant 0 : i32
        %dma_wait3A_260 = tpu.memref_slice %arg3[%add3A_252, %dma_wait3A_258, %dma_wait3A_259] : memref<2560x2x128xi32, #tpu.memory_space<hbm>> -> memref<1x2x128xi32, #tpu.memory_space<hbm>>
        %dma_wait3A_261 = tpu.memref_squeeze %dma_wait3A_260 : memref<1x2x128xi32, #tpu.memory_space<hbm>> -> memref<2x128xi32, #tpu.memory_space<hbm>>
        %dma_wait3A_262 = arith.constant 0 : i32
        %dma_wait3A_263 = arith.constant 0 : i32
        %dma_wait3A_264 = tpu.memref_slice %arg5[%dma_wait3A_253, %dma_wait3A_262, %dma_wait3A_263] : memref<4x2x128xi32, #tpu.memory_space<vmem>> -> memref<1x2x128xi32, #tpu.memory_space<vmem>>
        %dma_wait3A_265 = tpu.memref_squeeze %dma_wait3A_264 : memref<1x2x128xi32, #tpu.memory_space<vmem>> -> memref<2x128xi32, #tpu.memory_space<vmem>>
        %dma_wait3A_266 = arith.constant 0 : i32
        %dma_wait3A_267 = arith.constant 0 : i32
        %dma_wait3A_268 = tpu.memref_slice %arg3[%add3A_252, %dma_wait3A_266, %dma_wait3A_267] : memref<2560x2x128xi32, #tpu.memory_space<hbm>> -> memref<1x2x128xi32, #tpu.memory_space<hbm>>
        %dma_wait3A_269 = tpu.memref_squeeze %dma_wait3A_268 : memref<1x2x128xi32, #tpu.memory_space<hbm>> -> memref<2x128xi32, #tpu.memory_space<hbm>>
        tpu.wait_dma2 semaphore(%arg11 : memref<!tpu.dma_semaphore, #tpu.memory_space<semaphore_mem>>) src(%dma_wait3A_269 : memref<2x128xi32, #tpu.memory_space<hbm>>) dst(%dma_wait3A_265 : memref<2x128xi32, #tpu.memory_space<vmem>>)
        %dma_start3A_270 = arith.constant 0 : i32
        %dma_start3A_271 = arith.constant 0 : i32
        %dma_start3A_272 = arith.constant 0 : i32
        %dma_start3A_273 = tpu.memref_slice %arg5[%dma_start3A_270, %dma_start3A_271, %dma_start3A_272] : memref<4x2x128xi32, #tpu.memory_space<vmem>> -> memref<1x1x128xi32, #tpu.memory_space<vmem>>
        %dma_start3A_274 = tpu.memref_squeeze %dma_start3A_273 : memref<1x1x128xi32, #tpu.memory_space<vmem>> -> memref<128xi32, #tpu.memory_space<vmem>>
        %dma_start3A_275 = arith.constant 0 : i32
        %dma_start3A_276 = arith.constant 0 : i32
        %dma_start3A_277 = tpu.memref_slice %arg2[%dma_start3A_275, %dma_start3A_276] : memref<10240x48xf32, #tpu.memory_space<hbm>> -> memref<10240x48xf32, #tpu.memory_space<hbm>>
        tpu.enqueue_indirect_dma source(%dma_start3A_277 : memref<10240x48xf32, #tpu.memory_space<hbm>>) target(%arg6 : memref<128x48xf32, #tpu.memory_space<vmem>>) offsets(%dma_start3A_274 : memref<128xi32, #tpu.memory_space<vmem>>) semaphore(%arg9 : memref<!tpu.dma_semaphore, #tpu.memory_space<semaphore_mem>>)
      } else {
      }
      %dma_wait3A_233 = arith.constant 3 : i32
      %dma_wait3A_234 = arith.constant 0 : i32
      %dma_wait3A_235 = arith.constant 0 : i32
      %dma_wait3A_236 = tpu.memref_slice %arg5[%dma_wait3A_233, %dma_wait3A_234, %dma_wait3A_235] : memref<4x2x128xi32, #tpu.memory_space<vmem>> -> memref<1x1x128xi32, #tpu.memory_space<vmem>>
      %dma_wait3A_237 = tpu.memref_squeeze %dma_wait3A_236 : memref<1x1x128xi32, #tpu.memory_space<vmem>> -> memref<128xi32, #tpu.memory_space<vmem>>
      %dma_wait3A_238 = arith.constant 0 : i32
      %dma_wait3A_239 = arith.constant 0 : i32
      %dma_wait3A_240 = tpu.memref_slice %arg2[%dma_wait3A_238, %dma_wait3A_239] : memref<10240x48xf32, #tpu.memory_space<hbm>> -> memref<10240x48xf32, #tpu.memory_space<hbm>>
      tpu.wait_indirect_dma semaphore(%arg10 : memref<!tpu.dma_semaphore, #tpu.memory_space<semaphore_mem>>) src(%dma_wait3A_240 : memref<10240x48xf32, #tpu.memory_space<hbm>>) dst(%arg7 : memref<128x48xf32, #tpu.memory_space<vmem>>)
      %run_scoped3A_241 = arith.constant 3 : i32
      %run_scoped3A_242 = arith.constant 1 : i32
      "tpu.region"() ({
        %run_scoped3A_250 = tpu.sem_alloc : memref<!tpu.dma_semaphore, #tpu.memory_space<semaphore_mem>>
        %dma_start3A_251 = arith.constant 0 : i32
        %dma_start3A_252 = tpu.memref_slice %arg5[%run_scoped3A_241, %run_scoped3A_242, %dma_start3A_251] : memref<4x2x128xi32, #tpu.memory_space<vmem>> -> memref<1x1x128xi32, #tpu.memory_space<vmem>>
        %dma_start3A_253 = tpu.memref_squeeze %dma_start3A_252 : memref<1x1x128xi32, #tpu.memory_space<vmem>> -> memref<128xi32, #tpu.memory_space<vmem>>
        %dma_start3A_254 = arith.constant 0 : i32
        %dma_start3A_255 = arith.constant 0 : i32
        %dma_start3A_256 = tpu.memref_slice %arg8[%dma_start3A_254, %dma_start3A_255] : memref<10240x48xf32, #tpu.memory_space<vmem_shared>> -> memref<10240x48xf32, #tpu.memory_space<vmem_shared>>
        tpu.enqueue_indirect_dma source(%arg7 : memref<128x48xf32, #tpu.memory_space<vmem>>) target(%dma_start3A_256 : memref<10240x48xf32, #tpu.memory_space<vmem_shared>>) offsets(%dma_start3A_253 : memref<128xi32, #tpu.memory_space<vmem>>) semaphore(%run_scoped3A_250 : memref<!tpu.dma_semaphore, #tpu.memory_space<semaphore_mem>>) {add = true}
        %dma_wait3A_257 = arith.constant 0 : i32
        %dma_wait3A_258 = tpu.memref_slice %arg5[%run_scoped3A_241, %run_scoped3A_242, %dma_wait3A_257] : memref<4x2x128xi32, #tpu.memory_space<vmem>> -> memref<1x1x128xi32, #tpu.memory_space<vmem>>
        %dma_wait3A_259 = tpu.memref_squeeze %dma_wait3A_258 : memref<1x1x128xi32, #tpu.memory_space<vmem>> -> memref<128xi32, #tpu.memory_space<vmem>>
        %dma_wait3A_260 = arith.constant 0 : i32
        %dma_wait3A_261 = arith.constant 0 : i32
        %dma_wait3A_262 = tpu.memref_slice %arg8[%dma_wait3A_260, %dma_wait3A_261] : memref<10240x48xf32, #tpu.memory_space<vmem_shared>> -> memref<10240x48xf32, #tpu.memory_space<vmem_shared>>
        tpu.wait_indirect_dma semaphore(%run_scoped3A_250 : memref<!tpu.dma_semaphore, #tpu.memory_space<semaphore_mem>>) src(%arg7 : memref<128x48xf32, #tpu.memory_space<vmem>>) dst(%dma_wait3A_262 : memref<10240x48xf32, #tpu.memory_space<vmem_shared>>)
        tpu.yield
      }) : () -> ()
      %add3A_243 = arith.constant 4 : i32
      %add3A_244 = arith.addi %add3A_225, %add3A_243 : i32
      %lt3A_245 = arith.constant 80 : i32
      %lt3A_246 = arith.cmpi slt, %add3A_244, %lt3A_245 : i32
      %convert_element_type3A_247 = arith.extui %lt3A_246 : i1 to i32
      %cond3A_248 = arith.constant 0 : i32
      %cond3A_249 = arith.cmpi ne, %convert_element_type3A_247, %cond3A_248 : i32
      scf.if %cond3A_249 {
        %add3A_250 = arith.constant 4 : i32
        %add3A_251 = arith.addi %add3A_225, %add3A_250 : i32
        %add3A_252 = arith.addi %mul3A_2, %add3A_251 : i32
        %dma_start3A_253 = arith.constant 3 : i32
        %dma_start3A_254 = arith.constant 0 : i32
        %dma_start3A_255 = arith.constant 0 : i32
        %dma_start3A_256 = tpu.memref_slice %arg5[%dma_start3A_253, %dma_start3A_254, %dma_start3A_255] : memref<4x2x128xi32, #tpu.memory_space<vmem>> -> memref<1x2x128xi32, #tpu.memory_space<vmem>>
        %dma_start3A_257 = tpu.memref_squeeze %dma_start3A_256 : memref<1x2x128xi32, #tpu.memory_space<vmem>> -> memref<2x128xi32, #tpu.memory_space<vmem>>
        %dma_start3A_258 = arith.constant 0 : i32
        %dma_start3A_259 = arith.constant 0 : i32
        %dma_start3A_260 = tpu.memref_slice %arg3[%add3A_252, %dma_start3A_258, %dma_start3A_259] : memref<2560x2x128xi32, #tpu.memory_space<hbm>> -> memref<1x2x128xi32, #tpu.memory_space<hbm>>
        %dma_start3A_261 = tpu.memref_squeeze %dma_start3A_260 : memref<1x2x128xi32, #tpu.memory_space<hbm>> -> memref<2x128xi32, #tpu.memory_space<hbm>>
        %dma_start3A_262 = arith.constant 0 : i32
        %dma_start3A_263 = arith.constant 0 : i32
        %dma_start3A_264 = tpu.memref_slice %arg5[%dma_start3A_253, %dma_start3A_262, %dma_start3A_263] : memref<4x2x128xi32, #tpu.memory_space<vmem>> -> memref<1x2x128xi32, #tpu.memory_space<vmem>>
        %dma_start3A_265 = tpu.memref_squeeze %dma_start3A_264 : memref<1x2x128xi32, #tpu.memory_space<vmem>> -> memref<2x128xi32, #tpu.memory_space<vmem>>
        %dma_start3A_266 = arith.constant 0 : i32
        %dma_start3A_267 = arith.constant 0 : i32
        %dma_start3A_268 = tpu.memref_slice %arg3[%add3A_252, %dma_start3A_266, %dma_start3A_267] : memref<2560x2x128xi32, #tpu.memory_space<hbm>> -> memref<1x2x128xi32, #tpu.memory_space<hbm>>
        %dma_start3A_269 = tpu.memref_squeeze %dma_start3A_268 : memref<1x2x128xi32, #tpu.memory_space<hbm>> -> memref<2x128xi32, #tpu.memory_space<hbm>>
        tpu.enqueue_dma source(%dma_start3A_269 : memref<2x128xi32, #tpu.memory_space<hbm>>) target(%dma_start3A_265 : memref<2x128xi32, #tpu.memory_space<vmem>>) target_semaphore(%arg14 : memref<!tpu.dma_semaphore, #tpu.memory_space<semaphore_mem>>)
      } else {
      }
    }
    %scan3A_135 = arith.constant 20 : i32
    %barrier3A_136 = arith.constant 0 : index
    tpu.barrier barrier_id(%barrier3A_136)
    %mul3A_137 = arith.constant 640 : i32
    %mul3A_138 = arith.muli %arg1, %mul3A_137 : i32
    %mul3A_139 = arith.constant 640 : i32
    %mul3A_140 = arith.muli %arg1, %mul3A_139 : i32
    "tpu.region"() ({
      %run_scoped3A = tpu.sem_alloc : memref<!tpu.dma_semaphore, #tpu.memory_space<semaphore_mem>>
      %dma_start3A_141 = arith.constant 0 : i32
      %dma_start3A_142 = tpu.memref_slice %arg4[%arg0, %mul3A_140, %dma_start3A_141] : memref<2x10240x48xf32, #tpu.memory_space<hbm>> -> memref<1x640x48xf32, #tpu.memory_space<hbm>>
      %dma_start3A_143 = tpu.memref_squeeze %dma_start3A_142 : memref<1x640x48xf32, #tpu.memory_space<hbm>> -> memref<640x48xf32, #tpu.memory_space<hbm>>
      %dma_start3A_144 = arith.constant 0 : i32
      %dma_start3A_145 = tpu.memref_slice %arg8[%mul3A_138, %dma_start3A_144] : memref<10240x48xf32, #tpu.memory_space<vmem_shared>> -> memref<640x48xf32, #tpu.memory_space<vmem_shared>>
      tpu.enqueue_dma source(%dma_start3A_145 : memref<640x48xf32, #tpu.memory_space<vmem_shared>>) target(%dma_start3A_143 : memref<640x48xf32, #tpu.memory_space<hbm>>) target_semaphore(%run_scoped3A : memref<!tpu.dma_semaphore, #tpu.memory_space<semaphore_mem>>)
      %dma_wait3A_146 = arith.constant 0 : i32
      %dma_wait3A_147 = tpu.memref_slice %arg4[%arg0, %mul3A_140, %dma_wait3A_146] : memref<2x10240x48xf32, #tpu.memory_space<hbm>> -> memref<1x640x48xf32, #tpu.memory_space<hbm>>
      %dma_wait3A_148 = tpu.memref_squeeze %dma_wait3A_147 : memref<1x640x48xf32, #tpu.memory_space<hbm>> -> memref<640x48xf32, #tpu.memory_space<hbm>>
      %dma_wait3A_149 = arith.constant 0 : i32
      %dma_wait3A_150 = tpu.memref_slice %arg8[%mul3A_138, %dma_wait3A_149] : memref<10240x48xf32, #tpu.memory_space<vmem_shared>> -> memref<640x48xf32, #tpu.memory_space<vmem_shared>>
      tpu.wait_dma2 semaphore(%run_scoped3A : memref<!tpu.dma_semaphore, #tpu.memory_space<semaphore_mem>>) src(%dma_wait3A_150 : memref<640x48xf32, #tpu.memory_space<vmem_shared>>) dst(%dma_wait3A_148 : memref<640x48xf32, #tpu.memory_space<hbm>>)
      tpu.yield
    }) : () -> ()
    return
  }
}

module attributes {stable_mosaic.version = 14 : i64} {
  func.func @_tc1_body(%arg0: memref<2x10240x16xf32, #tpu.memory_space<vmem>>, %arg1: memref<10240x128xf32, #tpu.memory_space<vmem>>, %arg2: memref<128x128xf32, #tpu.memory_space<vmem>>, %arg3: memref<10240x128xf32, #tpu.memory_space<vmem>>, %arg4: memref<10240x1xf32, #tpu.memory_space<vmem>>) attributes {dimension_semantics = [], scalar_prefetch = 0 : i64, scratch_operands = 0 : i64, tpu.core_type = #tpu.core_type<tc>} {
    %get3A = arith.constant 0 : index
    %get3A_0 = arith.constant 0 : index
    %get3A_1 = arith.constant 0 : index
    %get3A_2 = vector.load %arg0[%get3A, %get3A_0, %get3A_1] : memref<2x10240x16xf32, #tpu.memory_space<vmem>>, vector<1x10240x1xf32>
    %get3A_3 = vector.shape_cast %get3A_2 : vector<1x10240x1xf32> to vector<10240x1xf32>
    %get3A_4 = arith.constant 1 : index
    %get3A_5 = arith.constant 0 : index
    %get3A_6 = arith.constant 0 : index
    %get3A_7 = vector.load %arg0[%get3A_4, %get3A_5, %get3A_6] : memref<2x10240x16xf32, #tpu.memory_space<vmem>>, vector<1x10240x1xf32>
    %get3A_8 = vector.shape_cast %get3A_7 : vector<1x10240x1xf32> to vector<10240x1xf32>
    %add3A = arith.addf %get3A_3, %get3A_8 : vector<10240x1xf32>
    %add3A_9 = arith.constant 1.000000e+00 : f32
    %add3A_10 = vector.broadcast %add3A_9 : f32 to vector<10240x1xf32>
    %add3A_11 = arith.addf %add3A, %add3A_10 : vector<10240x1xf32>
    %rsqrt3A = math.rsqrt %add3A_11 : vector<10240x1xf32>
    %get3A_12 = arith.constant 0 : index
    %get3A_13 = arith.constant 0 : index
    %get3A_14 = vector.load %arg1[%get3A_12, %get3A_13] : memref<10240x128xf32, #tpu.memory_space<vmem>>, vector<10240x128xf32>
    %get3A_15 = arith.constant 0 : index
    %get3A_16 = arith.constant 0 : index
    %get3A_17 = vector.load %arg2[%get3A_15, %get3A_16] : memref<128x128xf32, #tpu.memory_space<vmem>>, vector<128x128xf32>
    %dot_general3A = arith.constant dense<0.000000e+00> : vector<10240x128xf32>
    %dot_general3A_18 = tpu.matmul %get3A_14, %get3A_17, %dot_general3A {dimension_numbers = #tpu.dot_dimension_numbers<[1], [0], [0], [1], [0, 0, 1, 1], [], []>, transpose_lhs_hint = false} : vector<10240x128xf32>, vector<128x128xf32>, vector<10240x128xf32> -> vector<10240x128xf32>
    %mul3A = vector.broadcast %rsqrt3A : vector<10240x1xf32> to vector<10240x128xf32>
    %mul3A_19 = arith.mulf %dot_general3A_18, %mul3A : vector<10240x128xf32>
    %swap3A = arith.constant 0 : index
    %swap3A_20 = arith.constant 0 : index
    %swap3A_21 = vector.load %arg3[%swap3A, %swap3A_20] : memref<10240x128xf32, #tpu.memory_space<vmem>>, vector<10240x128xf32>
    tpu.vector_store %arg3[%swap3A, %swap3A_20], %mul3A_19 {strides = array<i32>} : memref<10240x128xf32, #tpu.memory_space<vmem>>, vector<10240x128xf32>,
    %swap3A_22 = arith.constant 0 : index
    %swap3A_23 = arith.constant 0 : index
    %swap3A_24 = vector.load %arg4[%swap3A_22, %swap3A_23] : memref<10240x1xf32, #tpu.memory_space<vmem>>, vector<10240x1xf32>
    tpu.vector_store %arg4[%swap3A_22, %swap3A_23], %rsqrt3A {strides = array<i32>} : memref<10240x1xf32, #tpu.memory_space<vmem>>, vector<10240x1xf32>,
    return
  }
}

module attributes {stable_mosaic.version = 14 : i64} {
  func.func @_tc2_body(%arg0: memref<2x10240x128xf32, #tpu.memory_space<vmem>>, %arg1: memref<10240x128xf32, #tpu.memory_space<vmem>>, %arg2: memref<10240x1xf32, #tpu.memory_space<vmem>>, %arg3: memref<128xf32, #tpu.memory_space<vmem>>, %arg4: memref<128x48xf32, #tpu.memory_space<vmem>>, %arg5: memref<10240x48xf32, #tpu.memory_space<vmem>>) attributes {dimension_semantics = [], scalar_prefetch = 0 : i64, scratch_operands = 0 : i64, tpu.core_type = #tpu.core_type<tc>} {
    %get3A = arith.constant 0 : index
    %get3A_0 = arith.constant 0 : index
    %get3A_1 = arith.constant 0 : index
    %get3A_2 = vector.load %arg0[%get3A, %get3A_0, %get3A_1] : memref<2x10240x128xf32, #tpu.memory_space<vmem>>, vector<1x10240x128xf32>
    %get3A_3 = vector.shape_cast %get3A_2 : vector<1x10240x128xf32> to vector<10240x128xf32>
    %get3A_4 = arith.constant 1 : index
    %get3A_5 = arith.constant 0 : index
    %get3A_6 = arith.constant 0 : index
    %get3A_7 = vector.load %arg0[%get3A_4, %get3A_5, %get3A_6] : memref<2x10240x128xf32, #tpu.memory_space<vmem>>, vector<1x10240x128xf32>
    %get3A_8 = vector.shape_cast %get3A_7 : vector<1x10240x128xf32> to vector<10240x128xf32>
    %add3A = arith.addf %get3A_3, %get3A_8 : vector<10240x128xf32>
    %get3A_9 = arith.constant 0 : index
    %get3A_10 = arith.constant 0 : index
    %get3A_11 = vector.load %arg1[%get3A_9, %get3A_10] : memref<10240x128xf32, #tpu.memory_space<vmem>>, vector<10240x128xf32>
    %add3A_12 = arith.addf %add3A, %get3A_11 : vector<10240x128xf32>
    %get3A_13 = arith.constant 0 : index
    %get3A_14 = arith.constant 0 : index
    %get3A_15 = vector.load %arg2[%get3A_13, %get3A_14] : memref<10240x1xf32, #tpu.memory_space<vmem>>, vector<10240x1xf32>
    %mul3A = vector.broadcast %get3A_15 : vector<10240x1xf32> to vector<10240x128xf32>
    %mul3A_16 = arith.mulf %add3A_12, %mul3A : vector<10240x128xf32>
    %get3A_17 = arith.constant 0 : index
    %get3A_18 = vector.load %arg3[%get3A_17] : memref<128xf32, #tpu.memory_space<vmem>>, vector<128xf32>
    %broadcast_in_dim3A = vector.shape_cast %get3A_18 : vector<128xf32> to vector<1x128xf32>
    %add3A_19 = vector.broadcast %broadcast_in_dim3A : vector<1x128xf32> to vector<10240x128xf32>
    %add3A_20 = arith.addf %mul3A_16, %add3A_19 : vector<10240x128xf32>
    %max3A = arith.constant 0.000000e+00 : f32
    %max3A_21 = vector.broadcast %max3A : f32 to vector<10240x128xf32>
    %max3A_22 = arith.maximumf %add3A_20, %max3A_21 : vector<10240x128xf32>
    %get3A_23 = arith.constant 0 : index
    %get3A_24 = arith.constant 0 : index
    %get3A_25 = vector.load %arg4[%get3A_23, %get3A_24] : memref<128x48xf32, #tpu.memory_space<vmem>>, vector<128x48xf32>
    %dot_general3A = arith.constant dense<0.000000e+00> : vector<10240x48xf32>
    %dot_general3A_26 = tpu.matmul %max3A_22, %get3A_25, %dot_general3A {dimension_numbers = #tpu.dot_dimension_numbers<[1], [0], [0], [1], [0, 0, 1, 1], [], []>, transpose_lhs_hint = false} : vector<10240x128xf32>, vector<128x48xf32>, vector<10240x48xf32> -> vector<10240x48xf32>
    %get3A_27 = arith.constant 0 : index
    %get3A_28 = arith.constant 0 : index
    %get3A_29 = vector.load %arg2[%get3A_27, %get3A_28] : memref<10240x1xf32, #tpu.memory_space<vmem>>, vector<10240x1xf32>
    %mul3A_30 = vector.broadcast %get3A_29 : vector<10240x1xf32> to vector<10240x48xf32>
    %mul3A_31 = arith.mulf %dot_general3A_26, %mul3A_30 : vector<10240x48xf32>
    %swap3A = arith.constant 0 : index
    %swap3A_32 = arith.constant 0 : index
    %swap3A_33 = vector.load %arg5[%swap3A, %swap3A_32] : memref<10240x48xf32, #tpu.memory_space<vmem>>, vector<10240x48xf32>
    tpu.vector_store %arg5[%swap3A, %swap3A_32], %mul3A_31 {strides = array<i32>} : memref<10240x48xf32, #tpu.memory_space<vmem>>, vector<10240x48xf32>,
    return
  }
}

module attributes {stable_mosaic.version = 14 : i64} {
  func.func @_tc3_body(%arg0: memref<2x10240x48xf32, #tpu.memory_space<vmem>>, %arg1: memref<10240x48xf32, #tpu.memory_space<vmem>>, %arg2: memref<10240x1xf32, #tpu.memory_space<vmem>>, %arg3: memref<48xf32, #tpu.memory_space<vmem>>, %arg4: memref<10240x48xf32, #tpu.memory_space<vmem>>) attributes {dimension_semantics = [], scalar_prefetch = 0 : i64, scratch_operands = 0 : i64, tpu.core_type = #tpu.core_type<tc>} {
    %get3A = arith.constant 0 : index
    %get3A_0 = arith.constant 0 : index
    %get3A_1 = arith.constant 0 : index
    %get3A_2 = vector.load %arg0[%get3A, %get3A_0, %get3A_1] : memref<2x10240x48xf32, #tpu.memory_space<vmem>>, vector<1x10240x48xf32>
    %get3A_3 = vector.shape_cast %get3A_2 : vector<1x10240x48xf32> to vector<10240x48xf32>
    %get3A_4 = arith.constant 1 : index
    %get3A_5 = arith.constant 0 : index
    %get3A_6 = arith.constant 0 : index
    %get3A_7 = vector.load %arg0[%get3A_4, %get3A_5, %get3A_6] : memref<2x10240x48xf32, #tpu.memory_space<vmem>>, vector<1x10240x48xf32>
    %get3A_8 = vector.shape_cast %get3A_7 : vector<1x10240x48xf32> to vector<10240x48xf32>
    %add3A = arith.addf %get3A_3, %get3A_8 : vector<10240x48xf32>
    %get3A_9 = arith.constant 0 : index
    %get3A_10 = arith.constant 0 : index
    %get3A_11 = vector.load %arg1[%get3A_9, %get3A_10] : memref<10240x48xf32, #tpu.memory_space<vmem>>, vector<10240x48xf32>
    %add3A_12 = arith.addf %add3A, %get3A_11 : vector<10240x48xf32>
    %get3A_13 = arith.constant 0 : index
    %get3A_14 = arith.constant 0 : index
    %get3A_15 = vector.load %arg2[%get3A_13, %get3A_14] : memref<10240x1xf32, #tpu.memory_space<vmem>>, vector<10240x1xf32>
    %mul3A = vector.broadcast %get3A_15 : vector<10240x1xf32> to vector<10240x48xf32>
    %mul3A_16 = arith.mulf %add3A_12, %mul3A : vector<10240x48xf32>
    %get3A_17 = arith.constant 0 : index
    %get3A_18 = vector.load %arg3[%get3A_17] : memref<48xf32, #tpu.memory_space<vmem>>, vector<48xf32>
    %broadcast_in_dim3A = vector.shape_cast %get3A_18 : vector<48xf32> to vector<1x48xf32>
    %add3A_19 = vector.broadcast %broadcast_in_dim3A : vector<1x48xf32> to vector<10240x48xf32>
    %add3A_20 = arith.addf %mul3A_16, %add3A_19 : vector<10240x48xf32>
    %iota3A = tpu.iota {dimensions = array<i32: 1>} : vector<10240x48xi32>
    %lt3A = arith.constant 40 : i32
    %lt3A_21 = vector.broadcast %lt3A : i32 to vector<10240x48xi32>
    %lt3A_22 = arith.cmpi slt, %iota3A, %lt3A_21 : vector<10240x48xi32>
    %jit3A = arith.constant 0xFF800000 : f32
    %broadcast_in_dim3A_23 = vector.broadcast %jit3A : f32 to vector<10240x48xf32>
    %select_n3A = arith.select %lt3A_22, %add3A_20, %broadcast_in_dim3A_23 : vector<10240x48xi1>, vector<10240x48xf32>
    %reduce_max3A = arith.constant dense<0xFF800000> : vector<10240xf32>
    %reduce_max3A_24 = vector.multi_reduction <maximumf>, %select_n3A, %reduce_max3A [1] : vector<10240x48xf32> to vector<10240xf32>
    %broadcast_in_dim3A_25 = vector.shape_cast %reduce_max3A_24 : vector<10240xf32> to vector<10240x1xf32>
    %sub3A = vector.broadcast %broadcast_in_dim3A_25 : vector<10240x1xf32> to vector<10240x48xf32>
    %sub3A_26 = arith.subf %select_n3A, %sub3A : vector<10240x48xf32>
    %exp3A = math.exp %sub3A_26 : vector<10240x48xf32>
    %jit3A_27 = arith.constant 0.000000e+00 : f32
    %broadcast_in_dim3A_28 = vector.broadcast %jit3A_27 : f32 to vector<10240x48xf32>
    %select_n3A_29 = arith.select %lt3A_22, %exp3A, %broadcast_in_dim3A_28 : vector<10240x48xi1>, vector<10240x48xf32>
    %reduce_sum3A = arith.constant dense<0.000000e+00> : vector<10240xf32>
    %reduce_sum3A_30 = vector.multi_reduction <add>, %select_n3A_29, %reduce_sum3A [1] : vector<10240x48xf32> to vector<10240xf32>
    %broadcast_in_dim3A_31 = vector.shape_cast %reduce_sum3A_30 : vector<10240xf32> to vector<10240x1xf32>
    %log3A = math.log %broadcast_in_dim3A_31 : vector<10240x1xf32>
    %add3A_32 = arith.addf %broadcast_in_dim3A_25, %log3A : vector<10240x1xf32>
    %sub3A_33 = vector.broadcast %add3A_32 : vector<10240x1xf32> to vector<10240x48xf32>
    %sub3A_34 = arith.subf %add3A_20, %sub3A_33 : vector<10240x48xf32>
    %swap3A = arith.constant 0 : index
    %swap3A_35 = arith.constant 0 : index
    %swap3A_36 = vector.load %arg4[%swap3A, %swap3A_35] : memref<10240x48xf32, #tpu.memory_space<vmem>>, vector<10240x48xf32>
    tpu.vector_store %arg4[%swap3A, %swap3A_35], %sub3A_34 {strides = array<i32>} : memref<10240x48xf32, #tpu.memory_space<vmem>>, vector<10240x48xf32>,
    return
  }
}

</mosaic_0001>

<sc_bundles>
// kernel: kernel.11.cloned.1.call-start
scs
__scs_entry_jumppad:
0x0: {  	(pc) =	sbr.rel $0x88, $3  }
0x1: {  	(tag) =	ssettag $0x0;
	lr =	simm.s32 $0x1  }
0x2: {  	[smem:$0x3F9B] =	sst lr;
	_ =	strace $0xD0000000  }
0x3: {  	_ = 	snop  }
0x4: {  	_ = 	snop  }
0x5: {  	_ = 	snop  }
0x6: {  	_ = 	snop  }
0x7: {  	_ = 	snop  }
__scs_overlays_trampoline_lowered:
0x8: {  	[smem:$0x3FAA] =	sst s0  }
0x9: {  	[smem:$0x3FAB] =	sst s1  }
0xa: {  	[smem:$0x3FAC] =	sst s2  }
0xb: {  	[smem:$0x3FAD] =	sst s3  }
0xc: {  	[smem:$0x3FAE] =	sst s4  }
0xd: {  	[smem:$0x3FAF] =	sst s5  }
0xe: {  	[smem:$0x3FB0] =	sst s6  }
0xf: {  	[smem:$0x3FB1] =	sst s7  }
0x10: {  	[smem:$0x3FB2] =	sst s8  }
0x11: {  	[smem:$0x3FB3] =	sst s9;
	s0 =	simm.s32 @!p0 $0x0  }
0x12: {  	s1 =	sld [smem:$0x3F99];
	s0 =	simm.s32 @p0 $0x1  }
0x13: {  	[smem:$0x3FB4] =	sst s0;
	s0 =	simm.s32 @!p1 $0x0  }
0x14: {  	s2 =	sld [smem:$0x3F98];
	s0 =	simm.s32 @p1 $0x1  }
0x15: {  	[smem:$0x3FB5] =	sst s0;
	s0 =	simm.s32 @!p2 $0x0  }
0x16: {  	s3 =	sld [smem:$0x3FDB];
	s0 =	simm.s32 @p2 $0x1  }
0x17: {  	s4 =	simm.s32 $0x1BF5;
	[smem:$0x3FB7] =	sst s0  }
0x18: {  	s0 =	sld [smem:$0x3F9A];
	_ =	swait.ge [sflag:s4], $0x0  }
0x19: {  	s7 =	sld [smem:$0x3F9B]  }
0x1a: {  	s8 =	sadd.s32 $0xFFFFE003, lr  }
0x1b: {  	s9 =	sadd.s32 $0xFFFFFEF7, lr;
	s5 =	simm.s32 $0xFFFFFFFF;
	p2 =	slt.u32 s8, $0xFFFFF086  }
0x1c: {  	p1 =	slt.u32 s9, $0xF7A;
	s5 =	simm.s32 @!p2 $0x0  }
0x1d: {  	s5 =	simm.s32 @p1 $0x1;
	p0 =	seq.s32 s7, s2  }
0x1e: {  	s7 =	smul.u32 @!p0 $0xF7A, s2;
	p2 =	seq.s32 @!p0 s5, $0x0  }
0x1f: {  	s9 =	smul.u32 $0xF7A, s1;
	s8 =	simm.s32 @!p0 $0x1BF5;
	p2 =	por !p2, p0  }
0x20: {  	[sflag:s8] =	ssyncset.s32 @!p0 $0xFFFFF086;
	s6 =	sadd.s32 @!p0 s3, s7;
	s7 =	simm.s32 @!p0 $0x108  }
0x21: {  	s3 =	sadd.s32 s3, s9;
	s6 =	sadd.s32 @!p0 $0x88, s6;
	s7 =	simm.s32 @p2 $0x1082  }
0x22: {  	[simem:s7], [sflag:s8] =	dma.local @!p0 [hbm:s6], $0xF7A  }
0x23: {  	s9 =	sor.u32 $0xD0000000, s2;
	s6 =	simm.s32 $0x108;
	_ =	swait.ge @!p0 [sflag:s8], $0x0  }
0x24: {  	s3 =	sadd.s32 $0x88, s3;
	s6 =	simm.s32 @!p1 $0x1082;
	[sflag:s4] =	ssyncset.s32 $0xFFFFF086  }
0x25: {  	[simem:s6], [sflag:s4] =	dma.local [hbm:s3], $0xF7A  }
0x26: {  	[smem:$0x3F9B] =	sst s1;
	(tag) =	ssettag s2;
	_ =	strace s9  }
0x27: {  	s1 =	sld [smem:$0x3FAB]  }
0x28: {  	s2 =	sld [smem:$0x3FAC]  }
0x29: {  	s4 =	sld [smem:$0x3FAE]  }
0x2a: {  	p0 =	seq.s32 s5, $0x0;
	s5 =	sld [smem:$0x3FAF]  }
0x2b: {  	s6 =	sld [smem:$0x3FB0]  }
0x2c: {  	s7 =	sld [smem:$0x3FB1]  }
0x2d: {  	s3 =	simm.s32 $0x108;
	s8 =	sld [smem:$0x3FB2]  }
0x2e: {  	s3 =	simm.s32 @!p0 $0x1082;
	s9 =	sld [smem:$0x3FB3]  }
0x2f: {  	lr =	sadd.s32 s0, s3;
	s0 =	sld [smem:$0x3FAA]  }
0x30: {  	s3 =	sld [smem:$0x3FAD]  }
0x31: {  	[smem:$0x3FB6] =	sst s10  }
0x32: {  	s10 =	sld [smem:$0x3FB4];
	_ =	sdelay $0x3  }
0x33: {  	p0 =	seq.s32 s10, $0x1;
	s10 =	sld [smem:$0x3FB6];
	_ =	sdelay $0x3  }
0x34: {  	[smem:$0x3FB6] =	sst s10  }
0x35: {  	s10 =	sld [smem:$0x3FB5];
	_ =	sdelay $0x3  }
0x36: {  	p1 =	seq.s32 s10, $0x1;
	s10 =	sld [smem:$0x3FB6];
	_ =	sdelay $0x3  }
0x37: {  	[smem:$0x3FB6] =	sst s10  }
0x38: {  	s10 =	sld [smem:$0x3FB7]  }
0x39: {  	_ = 	snop;
	(pc) =	sbr.ind lr, $3  }
0x3a: {  	_ = 	snop  }
0x3b: {  	_ = 	snop  }
0x3c: {  	p2 =	seq.s32 s10, $0x1;
	s10 =	sld [smem:$0x3FB6]  }
0x3d: {  	_ =	shalt  }
0x3e: {  	_ =	shalt  }
0x3f: {  	_ =	shalt  }
0x40: {  	_ =	shalt  }
0x41: {  	_ =	shalt  }
0x42: {  	_ =	shalt  }
0x43: {  	_ =	shalt  }
0x44: {  	_ =	shalt  }
0x45: {  	_ =	shalt  }
0x46: {  	_ =	shalt  }
0x47: {  	_ =	shalt  }
0x48: {  	_ =	shalt  }
0x49: {  	_ =	shalt  }
0x4a: {  	_ =	shalt  }
0x4b: {  	_ =	shalt  }
0x4c: {  	_ =	shalt  }
0x4d: {  	_ =	shalt  }
0x4e: {  	_ =	shalt  }
0x4f: {  	_ =	shalt  }
0x50: {  	_ =	shalt  }
0x51: {  	_ =	shalt  }
0x52: {  	_ =	shalt  }
0x53: {  	_ =	shalt  }
0x54: {  	_ =	shalt  }
0x55: {  	_ =	shalt  }
0x56: {  	_ =	shalt  }
0x57: {  	_ =	shalt  }
0x58: {  	_ =	shalt  }
0x59: {  	_ =	shalt  }
0x5a: {  	_ =	shalt  }
0x5b: {  	_ =	shalt  }
0x5c: {  	_ =	shalt  }
0x5d: {  	_ =	shalt  }
0x5e: {  	_ =	shalt  }
0x5f: {  	_ =	shalt  }
0x60: {  	_ =	shalt  }
0x61: {  	_ =	shalt  }
0x62: {  	_ =	shalt  }
0x63: {  	_ =	shalt  }
0x64: {  	_ =	shalt  }
0x65: {  	_ =	shalt  }
0x66: {  	_ =	shalt  }
0x67: {  	_ =	shalt  }
0x68: {  	_ =	shalt  }
0x69: {  	_ =	shalt  }
0x6a: {  	_ =	shalt  }
0x6b: {  	_ =	shalt  }
0x6c: {  	_ =	shalt  }
0x6d: {  	_ =	shalt  }
0x6e: {  	_ =	shalt  }
0x6f: {  	_ =	shalt  }
0x70: {  	_ =	shalt  }
0x71: {  	_ =	shalt  }
0x72: {  	_ =	shalt  }
0x73: {  	_ =	shalt  }
0x74: {  	_ =	shalt  }
0x75: {  	_ =	shalt  }
0x76: {  	_ =	shalt  }
0x77: {  	_ =	shalt  }
0x78: {  	_ =	shalt  }
0x79: {  	_ =	shalt  }
0x7a: {  	_ =	shalt  }
0x7b: {  	_ =	shalt  }
0x7c: {  	_ =	shalt  }
0x7d: {  	_ =	shalt  }
0x7e: {  	_ =	shalt  }
0x7f: {  	_ =	shalt  }
0x80: {  	_ =	shalt  }
0x81: {  	_ =	shalt  }
0x82: {  	_ =	shalt  }
0x83: {  	_ =	shalt  }
0x84: {  	_ =	shalt  }
0x85: {  	_ =	shalt  }
0x86: {  	_ =	shalt  }
0x87: {  	_ =	shalt  }
.Lfunc_end0:
.L_simem_size_0:
called_computation.1_lowered:
.L_overlay_start_0:
0x88: {  	s2 =	sld [smem:$0x3FD9]  }
0x89: {  	s3 =	sld [smem:$0x3FFE];
	_ =	sdelay $0x1  }
0x8a: {  	s1 =	srdreg.scid  }
0x8b: {  	s0 =	sand.u32 $0x1, s1  }
0x8c: {  	s16 =	sshll.u32 s0, $0xA;
	s2 =	sadd.s32 s3, s2  }
0x8d: {  	s2 =	sadd.s32 s2, s16  }
0x8e: {  	[smem:$0x3FC2] =	sst s2  }
0x8f: {  	_ = 	snop  }
0x90: {  	(tm) =	ssettm $0x1  }
0x91: {  	s17 =	sld [smem:$0x3FFB];
	_ =	sdelay $0x3  }
0x92: {  	_ =	strace s17  }
0x93: {  	s2 =	sld [smem:$0x3FFC];
	_ =	sdelay $0x3  }
0x94: {  	_ =	strace s2  }
0x95: {  	s2 =	sld [smem:$0x3FFD];
	_ =	sdelay $0x3  }
0x96: {  	_ =	strace s2  }
0x97: {  	_ =	strace $0x8FFFFFFF  }
0x98: {  	s18 =	sld [smem:$0x3FDB];
	_ =	sdelay $0x1  }
0x99: {  	s19 =	simm.s32 $_scs_section_size  }
0x9a: {  	s4 =	simm.s32 $_size__tile_overlayer_lowered;
	s5 =	simm.s32 $_tile_overlayer_lowered  }
0x9b: {  	s22 =	simm.s32 $0x1BFF;
	s21 =	sshll.u32 s5, $0x1;
	s2 =	sadd.s32 s19, s18  }
0x9c: {  	s6 =	simm.s32 $0x0;
	s20 =	sshll.u32 s4, $0x1;
	s4 =	sadd.s32 s21, s2  }
0x9d: {  	[timem:s6], [sflag:s22] =	dma.local [hbm:s4], s20  }
0x9e: {  	_ =	swait.ge [sflag:s22], s20  }
0x9f: {  	s3 =	ssub.s32 $0x0, s20;
	[sflag:s22] =	ssyncset.done $0x0  }
0xa0: {  	[sflag:s22] =	ssyncadd.s32 s3;
	_ =	sdelay $0x1  }
0xa1: {  	s23 =	simm.s32 $0x1B8B  }
0xa2: {  	_ =	swait.ge [sflag:s23], $0x1  }
0xa3: {  	[sflag:s23] =	ssyncset.done $0x0  }
0xa4: {  	s25 =	simm.s32 $0x1B8E;
	s24 =	sld [smem:$0x3FFE];
	[sflag:s23] =	ssyncadd.s32 $0xFFFFFFFF  }
0xa5: {  	s26 =	simm.s32 $execute0_lowered;
	[smem:$0x3FD2] =	sst s25  }
0xa6: {  	s4 =	sshll.u32 s26, $0x1;
	_ =	strace $0x80000049;
	[dreg:$0x1] =	wrdreg $0xFFFFFFFF  }
0xa7: {  	s28 =	simm.s32 $_size_execute0_lowered;
	s2 =	sadd.s32 s2, s4;
	[dreg:$0x0] =	wrdreg $0x0  }
0xa8: {  	s4 =	sshll.u32 s28, $0x1;
	[dreg:$0x2] =	wrdreg s2  }
0xa9: {  	[dreg:$0x3] =	wrdreg s4  }
0xaa: {  	[dreg:$0x4] =	wrdreg $0xC0  }
0xab: {  	_ =	task [dreg:s6], $0x5FFFF  }
0xac: {  	[dreg:$0x1] =	wrdreg $0xFFFFFFFF  }
0xad: {  	[dreg:$0x0] =	wrdreg $0x60  }
0xae: {  	[dreg:$0x2] =	wrdreg s24  }
0xaf: {  	[dreg:$0x3] =	wrdreg $0x84000  }
0xb0: {  	[dreg:$0x4] =	wrdreg $0x9  }
0xb1: {  	_ =	task.clear_ibuf [dreg:s6], $0x5FFFF;
	_ =	strace $0x90000049  }
0xb2: {  	s29 =	simm.s32 $0x9;
	_ =	strace $0x8000004B  }
0xb3: {  	_ =	swait.ge [sflag:s29], $0x1  }
0xb4: {  	[sflag:s29] =	ssyncadd.s32 $0xFFFFFFFF  }
0xb5: {  	_ =	strace $0x9000004B  }
0xb6: {  	_ =	sfence  }
0xb7: {  	s30 =	sld [smem:$0x0];
	_ =	sdelay $0x2  }
0xb8: {  	s31 =	sshll.u32 s1, $0xD;
	s1 =	sshrl.u32 s1, $0x2  }
0xb9: {  	s3 =	sand.u32 $0x4000, s31;
	s1 =	sadd.s32 s1, s30  }
0xba: {  	s0 =	sor.u32 s3, s0;
	s1 =	sshll.u32 s1, $0x11  }
0xbb: {  	s0 =	sor.u32 s1, s0  }
0xbc: {  	s0 =	sadd.s32 $0x8F2B, s0  }
0xbd: {  	[sflag:s0] =	ssyncadd.remote.s32 $0x1  }
0xbe: {  	_ =	sfence.sel $0xFFFF  }
0xbf: {  	[dreg:$0x0] =	wrdreg $0xFFFFFFFF;
	(pc) =	sbr.abs _section_cstart, $3  }
0xc0: {  	[dreg:$0x1] =	wrdreg $0xFFFFFFFF  }
0xc1: {  	_ =	task.clear_ibuf [dreg:s6], $0x2FFFF;
	_ =	strace $0x9FFFFFFF  }
0xc2: {  	(tm) =	ssettm $0x7FFFFFFF  }
0xc3: {  	_ =	shalt  }
tec
execute0_lowered:
.L_overlay_start_1:
0x0: {  	(tag) =	ssettag $0x1  }
0x1: {  	s0 =	rddreg [dreg:$0x0]  }
0x2: {  	s1 =	rddreg [dreg:$0x1];
	s2 =	srdreg.scid  }
0x3: {  	s3 =	simm.s32 $0x0;
	s10 =	stileid.u32;
	s28 =	simm.s32 $0x4400  }
0x4: {  	s29 =	simm.s32 $0x1;
	s30 =	simm.s32 $0x5;
	s31 =	simm.s32 $0x2  }
0x5: {  	s2 =	sand.u32 $0x1, s2;
	[smem:$0x7FF] =	sst s3;
	s6 =	smul.u32 $0x14000, s10  }
0x6: {  	s4 =	sadd.s32 $0x1C00, s0;
	s7 =	smul.u32 $0x50000, s10;
	s8 =	sadd.s32 $0x51C00, s0  }
0x7: {  	s5 =	smul.u32 $0x140000, s2;
	_ =	strace $0x8000004A;
	s17 =	sshll.u32 s2, $0x4  }
0x8: {  	s9 =	ssub.s32 $0x2, s2;
	s2 =	smul.u32 $0x500, s2;
	s18 =	sshrl.u32 s7, $0x2  }
0x9: {  	s19 =	sshrl.u32 s9, $0x1;
	s5 =	sadd.s32 s6, s5;
	s6 =	sor.u32 s10, s17  }
0xa: {  	s10 =	smul.u32 $0x50, s10;
	s7 =	ssub.s32 s9, s19;
	s19 =	simm.s32 $0x400  }
0xb: {  	s5 =	sshrl.u32 s5, $0x3;
	s6 =	smul.u32 $0xA00, s6;
	s16 =	smax.u32 s7, $0x1  }
0xc: {  	s7 =	simm.s32 $0x380;
	s0 =	sadd.s32 s5, s0;
	s5 =	sadd.s32 s18, s1  }
0xd: {  	s2 =	sadd.s32 s10, s2;
	s20 =	sadd.s32 $0x4000, s5;
	s21 =	sadd.s32 $0x8000, s5  }
0xe: {  	s22 =	sadd.s32 $0xC000, s5;
	s9 =	sadd.s32 s8, s6;
	[dreg:$0x3] =	wrdreg s20  }
0xf: {  	s23 =	sadd.s32 $0x10000, s5;
	s2 =	sshll.u32 s2, $0x5;
	[dreg:$0x4] =	wrdreg s21  }
0x10: {  	s15 =	sadd.s32 $0x65C00, s0;
	s0 =	simm.s32 $0x180;
	[dreg:$0x5] =	wrdreg s22  }
0x11: {  	s6 =	simm.s32 $0x280;
	[dreg:$0x6] =	wrdreg s23;
	s24 =	sadd.s32 $0x20, s9  }
0x12: {  	s25 =	sadd.s32 $0x40, s9;
	s26 =	sadd.s32 $0x60, s9;
	s14 =	sadd.s32 s2, s8  }
.Ltmp0:
0x13: {  	s20 =	simm.s32 $0x7;
	s21 =	simm.s32 $0x100;
	(pc) =	sbr.rel .LBB2_1-.Ltmp0, $4  }
0x14: {  	s22 =	simm.s32 $0x200;
	s23 =	simm.s32 $0x300;
	[dreg:$0x7] =	wrdreg s24  }
0x15: {  	s2 =	simm.s32 $0x6;
	s8 =	simm.s32 $0x0;
	[dreg:$0x8] =	wrdreg s25  }
0x16: {  	[dreg:$0x9] =	wrdreg s26;
	s17 =	sadd.s32 $0xC0, s14;
	s18 =	sadd.s32 $0x80, s14  }
0x17: {  	v0 =	vimm.f32 $0.0e+00;
	s24 =	simm.s32 $0x3;
	s25 =	simm.s32 $0x80;
	s26 =	simm.s32 $0x4  }
.LBB2_6:
0x18: {  	_ =	swait.ge [sflag:s31], $0x4000  }
0x19: {  	[sflag:s31] =	ssyncset.done $0x0  }
0x1a: {  	[sflag:s31] =	ssyncadd.s32 $0xFFFFC000  }
0x1b: {  	[spmem:s1] =	stream.indirect.scatter.add.f32 [tilespmem:s28], [sflag:$0x7], $0x80, s7, s25, $0xb8;
	[tilespmem:$0x1C400] =	vst v63  }
0x1c: {  	s10 =	stileid.u32;
	_ =	swait.ge [sflag:s20], $0x4000  }
0x1d: {  	s11 =	sshrl.u32 s5, $0x3;
	s8 =	sadd.s32 $0x1, s8;
	[sflag:s20] =	ssyncset.done $0x0  }
0x1e: {  	s10 =	sshll.u32 s10, $0x6;
	p0 =	sne.s32 s8, s16;
	[sflag:s20] =	ssyncadd.s32 $0xFFFFC000  }
.Ltmp1:
0x1f: {  	s10 =	sor.u32 $0x1C07, s10;
	[bflag:$0x0] =	sbarrier.arrive $0xFFFF;
	(pc) =	sbr.rel @!p0 .LBB2_7-.Ltmp1, $4  }
0x20: {  	[hbm:s15], [sflag:s10] =	dma.local [spmem:s11], $0x2800  }
0x21: {  	_ =	swait.ge [sflag:s20], $0x2800  }
0x22: {  	[sflag:s20] =	ssyncset.done $0x0  }
0x23: {  	[sflag:s20] =	ssyncadd.s32 $0xFFFFD800  }
.LBB2_1:
0x24: {  	s10 =	sand.u32 $0xFE00, s3  }
0x25: {  	s11 =	sand.u32 $0x70, s3;
	s12 =	sshrl.u32 s10, $0x2  }
0x26: {  	s10 =	simm.s32 $0x40;
	s12 =	sor.u32 s11, s12;
	s11 =	simm.s32 $0x0  }
.LBB2_2:
0x27: {  	p0 =	sne.s32 s10, $0xFFC0  }
0x28: {  	[tilespmem:s12+$0x400] =	vst v0;
	s11 =	sadd.s32 $0x10, s11;
	s12 =	smov.u32 s10;
	s10 =	sadd.s32 $0x40, s10  }
.Ltmp2:
0x29: {  	(pc) =	sbr.rel @p0 .LBB2_2-.Ltmp2, $4  }
0x2a: {  	_ = 	snop  }
0x2b: {  	s12 =	sand.u32 $0xFE00, s12  }
0x2c: {  	s13 =	sand.u32 $0x70, s11;
	s12 =	sshrl.u32 s12, $0x2  }
0x2d: {  	s12 =	sor.u32 s13, s12  }
0x2e: {  	[tilespmem:s12+$0x400] =	vst v0  }
0x2f: {  	[spmem:s5] =	stream.linear.scatter [tilespmem:s19], [sflag:$0x7], $0x4000, $0x38;
	[tilespmem:$0x1C400] =	vst v63  }
0x30: {  	_ =	swait.ge [sflag:s20], $0x4000  }
0x31: {  	[sflag:s20] =	ssyncset.done $0x0  }
0x32: {  	s10 =	rddreg [dreg:$0x3];
	[sflag:s20] =	ssyncadd.s32 $0xFFFFC000  }
0x33: {  	[spmem:s10] =	stream.linear.scatter [tilespmem:s19], [sflag:$0x7], $0x4000, $0x38;
	[tilespmem:$0x1C400] =	vst v63  }
0x34: {  	_ =	swait.ge [sflag:s20], $0x4000  }
0x35: {  	[sflag:s20] =	ssyncset.done $0x0  }
0x36: {  	s12 =	rddreg [dreg:$0x4];
	[sflag:s20] =	ssyncadd.s32 $0xFFFFC000  }
0x37: {  	[spmem:s12] =	stream.linear.scatter [tilespmem:s19], [sflag:$0x7], $0x4000, $0x38;
	[tilespmem:$0x1C400] =	vst v63  }
0x38: {  	_ =	swait.ge [sflag:s20], $0x4000  }
0x39: {  	[sflag:s20] =	ssyncset.done $0x0  }
0x3a: {  	s13 =	rddreg [dreg:$0x5];
	[sflag:s20] =	ssyncadd.s32 $0xFFFFC000  }
0x3b: {  	[spmem:s13] =	stream.linear.scatter [tilespmem:s19], [sflag:$0x7], $0x4000, $0x38;
	[tilespmem:$0x1C400] =	vst v63  }
0x3c: {  	_ =	swait.ge [sflag:s20], $0x4000  }
0x3d: {  	[sflag:s20] =	ssyncset.done $0x0  }
0x3e: {  	s11 =	rddreg [dreg:$0x6];
	[sflag:s20] =	ssyncadd.s32 $0xFFFFC000  }
0x3f: {  	[spmem:s11] =	stream.linear.scatter [tilespmem:s19], [sflag:$0x7], $0x4000, $0x38;
	[tilespmem:$0x1C400] =	vst v63  }
0x40: {  	_ =	swait.ge [sflag:s20], $0x4000  }
0x41: {  	[sflag:s20] =	ssyncset.done $0x0  }
0x42: {  	[sflag:s20] =	ssyncadd.s32 $0xFFFFC000  }
0x43: {  	s10 =	simm.s32 $0x0;
	[bflag:$0x0] =	sbarrier.arrive $0xFFFF  }
0x44: {  	[tilespmem:s10], [sflag:$0x3] =	stream.linear.gather [hbm4b:s9+s10], $0x100, $0x38;
	[tilespmem:$0x1C400] =	vst v63  }
0x45: {  	s11 =	rddreg [dreg:$0x7]  }
0x46: {  	[tilespmem:s21], [sflag:$0x4] =	stream.linear.gather [hbm4b:s11+s10], $0x100, $0x38;
	[tilespmem:$0x1C400] =	vst v63  }
0x47: {  	s12 =	rddreg [dreg:$0x8]  }
0x48: {  	[tilespmem:s22], [sflag:$0x5] =	stream.linear.gather [hbm4b:s12+s10], $0x100, $0x38;
	[tilespmem:$0x1C400] =	vst v63  }
0x49: {  	s13 =	rddreg [dreg:$0x9]  }
0x4a: {  	[tilespmem:s23], [sflag:$0x6] =	stream.linear.gather [hbm4b:s13+s10], $0x100, $0x38;
	[tilespmem:$0x1C400] =	vst v63  }
0x4b: {  	_ =	swait.ge [sflag:s24], $0x100  }
0x4c: {  	[sflag:s24] =	ssyncset.done $0x0  }
0x4d: {  	[sflag:s24] =	ssyncadd.s32 $0xFFFFFF00  }
0x4e: {  	[tilespmem:s19], [sflag:$0x1] =	stream.indirect.gather [hbm4b:s4+s25], $0x80, s10, s25, $0xb8;
	[tilespmem:$0x1C400] =	vst v63  }
.LBB2_4:
0x4f: {  	_ =	swait.ge [sflag:s26], $0x100  }
0x50: {  	[sflag:s26] =	ssyncset.done $0x0  }
0x51: {  	[sflag:s26] =	ssyncadd.s32 $0xFFFFFF00  }
0x52: {  	[tilespmem:s28], [sflag:$0x2] =	stream.indirect.gather [hbm4b:s4+s25], $0x80, s21, s25, $0xb8;
	[tilespmem:$0x1C400] =	vst v63  }
0x53: {  	_ =	swait.ge [sflag:s29], $0x4000  }
0x54: {  	[sflag:s29] =	ssyncset.done $0x0  }
0x55: {  	[sflag:s29] =	ssyncadd.s32 $0xFFFFC000  }
0x56: {  	[spmem:s1] =	stream.indirect.scatter.add.f32 [tilespmem:s19], [sflag:$0x7], $0x80, s25, s25, $0xb8;
	[tilespmem:$0x1C400] =	vst v63  }
0x57: {  	_ =	swait.ge [sflag:s20], $0x4000  }
0x58: {  	p0 =	seq.s32 s10, $0x980;
	[sflag:s20] =	ssyncset.done $0x0  }
0x59: {  	s11 =	sadd.s32 @!p0 s10, s18;
	s12 =	simm.s32 @!p0 $0x0;
	[sflag:s20] =	ssyncadd.s32 $0xFFFFC000  }
0x5a: {  	[tilespmem:s12], [sflag:$0x3] =	stream.linear.gather @!p0 [hbm4b:s11+s12], $0x100, $0x38;
	[tilespmem:$0x1C400] =	vst v63  }
0x5b: {  	_ =	swait.ge [sflag:s30], $0x100  }
0x5c: {  	[sflag:s30] =	ssyncset.done $0x0  }
0x5d: {  	[sflag:s30] =	ssyncadd.s32 $0xFFFFFF00  }
0x5e: {  	[tilespmem:s19], [sflag:$0x1] =	stream.indirect.gather [hbm4b:s4+s25], $0x80, s22, s25, $0xb8;
	[tilespmem:$0x1C400] =	vst v63  }
0x5f: {  	_ =	swait.ge [sflag:s31], $0x4000  }
0x60: {  	[sflag:s31] =	ssyncset.done $0x0  }
0x61: {  	[sflag:s31] =	ssyncadd.s32 $0xFFFFC000  }
0x62: {  	[spmem:s1] =	stream.indirect.scatter.add.f32 [tilespmem:s28], [sflag:$0x7], $0x80, s0, s25, $0xb8;
	[tilespmem:$0x1C400] =	vst v63  }
0x63: {  	_ =	swait.ge [sflag:s20], $0x4000  }
0x64: {  	s11 =	sadd.s32 @!p0 s10, s14;
	[sflag:s20] =	ssyncset.done $0x0  }
0x65: {  	s13 =	simm.s32 @!p0 $0x100;
	s11 =	sadd.s32 @!p0 $0xA0, s11;
	[sflag:s20] =	ssyncadd.s32 $0xFFFFC000  }
0x66: {  	[tilespmem:s13], [sflag:$0x4] =	stream.linear.gather @!p0 [hbm4b:s11+s12], $0x100, $0x38;
	[tilespmem:$0x1C400] =	vst v63  }
0x67: {  	_ =	swait.ge [sflag:s2], $0x100  }
0x68: {  	[sflag:s2] =	ssyncset.done $0x0  }
0x69: {  	[sflag:s2] =	ssyncadd.s32 $0xFFFFFF00  }
0x6a: {  	[tilespmem:s28], [sflag:$0x2] =	stream.indirect.gather [hbm4b:s4+s25], $0x80, s23, s25, $0xb8;
	[tilespmem:$0x1C400] =	vst v63  }
0x6b: {  	_ =	swait.ge [sflag:s29], $0x4000  }
0x6c: {  	[sflag:s29] =	ssyncset.done $0x0  }
.Ltmp3:
0x6d: {  	[sflag:s29] =	ssyncadd.s32 $0xFFFFC000;
	(pc) =	sbr.rel @p0 .LBB2_6-.Ltmp3, $4  }
0x6e: {  	[spmem:s1] =	stream.indirect.scatter.add.f32 [tilespmem:s19], [sflag:$0x7], $0x80, s6, s25, $0xb8;
	[tilespmem:$0x1C400] =	vst v63  }
0x6f: {  	_ =	swait.ge [sflag:s20], $0x4000  }
0x70: {  	[sflag:s20] =	ssyncset.done $0x0  }
0x71: {  	[sflag:s20] =	ssyncadd.s32 $0xFFFFC000  }
0x72: {  	s11 =	sadd.s32 s10, s17  }
0x73: {  	[tilespmem:s22], [sflag:$0x5] =	stream.linear.gather [hbm4b:s11+s3], $0x100, $0x38;
	[tilespmem:$0x1C400] =	vst v63  }
0x74: {  	_ =	swait.ge [sflag:s24], $0x100  }
0x75: {  	[sflag:s24] =	ssyncset.done $0x0  }
0x76: {  	[sflag:s24] =	ssyncadd.s32 $0xFFFFFF00  }
0x77: {  	[tilespmem:s19], [sflag:$0x1] =	stream.indirect.gather [hbm4b:s4+s25], $0x80, s3, s25, $0xb8;
	[tilespmem:$0x1C400] =	vst v63  }
0x78: {  	_ =	swait.ge [sflag:s31], $0x4000  }
0x79: {  	[sflag:s31] =	ssyncset.done $0x0  }
0x7a: {  	[sflag:s31] =	ssyncadd.s32 $0xFFFFC000  }
0x7b: {  	[spmem:s1] =	stream.indirect.scatter.add.f32 [tilespmem:s28], [sflag:$0x7], $0x80, s7, s25, $0xb8;
	[tilespmem:$0x1C400] =	vst v63  }
.Ltmp4:
0x7c: {  	_ = 	snop;
	(pc) =	sbr.rel .LBB2_4-.Ltmp4, $4  }
0x7d: {  	_ =	swait.ge [sflag:s20], $0x4000  }
0x7e: {  	s13 =	sadd.s32 s10, s14;
	[sflag:s20] =	ssyncset.done $0x0  }
0x7f: {  	s10 =	sadd.s32 $0x80, s10;
	s11 =	sadd.s32 $0xE0, s13;
	[sflag:s20] =	ssyncadd.s32 $0xFFFFC000  }
0x80: {  	[tilespmem:s23], [sflag:$0x6] =	stream.linear.gather [hbm4b:s11+s3], $0x100, $0x38;
	[tilespmem:$0x1C400] =	vst v63  }
.LBB2_7:
0x81: {  	_ =	sfence.sel $0x180000  }
0x82: {  	[bflag:$0x0] =	sbarrier.arrive $0xFFFF  }
0x83: {  	_ =	strace $0x9000004A  }
0x84: {  	s0 =	stileid.u32;
	[bflag:$0x2] =	sbarrier.arrive $0xFFFF  }
0x85: {  	p0 =	sne.s32 s0, $0x0;
	s0 =	rddreg [dreg:$0x2]  }
0x86: {  	s0 =	sadd.s32 @!p0 $0x100000, s0  }
0x87: {  	[sflag:s0] =	ssyncadd.tile.s32 @!p0 $0x1;
	_ =	shalt  }
.Lfunc_end2:
_tile_overlayer_lowered:
.L_overlay_start_2:
0x88: {  	(tag) =	ssettag $0x2  }
0x89: {  	s0 =	rddreg [dreg:$0x0];
	s2 =	stileid.u32  }
0x8a: {  	s1 =	rddreg [dreg:$0x1];
	p0 =	sne.s32 s2, $0x0  }
0x8b: {  	s3 =	rddreg [dreg:$0x2];
	[bflag:$0x3] =	sbarrier.arrive $0xFFFF;
	s2 =	simm.s32 @!p0 $0x1C07  }
0x8c: {  	[timem:s3], [sflag:s2] =	dma.local @!p0 [hbm:s0], s1  }
0x8d: {  	s0 =	simm.s32 @!p0 $0x7  }
0x8e: {  	_ =	swait.ge @!p0 [sflag:s0], s1  }
0x8f: {  	s1 =	ssub.s32 @!p0 $0x0, s1;
	[sflag:s0] =	ssyncset.done @!p0 $0x0  }
0x90: {  	[sflag:s0] =	ssyncadd.s32 @!p0 s1  }
0x91: {  	[bflag:$0x3] =	sbarrier.arrive $0xFFFF  }
0x92: {  	_ =	shalt  }

// kernel: kernel.14.cloned.1.call-start
scs
__scs_entry_jumppad:
0x0: {  	(pc) =	sbr.rel $0x88, $3  }
0x1: {  	(tag) =	ssettag $0x0;
	lr =	simm.s32 $0x1  }
0x2: {  	[smem:$0x3F9B] =	sst lr;
	_ =	strace $0xD0000000  }
0x3: {  	_ = 	snop  }
0x4: {  	_ = 	snop  }
0x5: {  	_ = 	snop  }
0x6: {  	_ = 	snop  }
0x7: {  	_ = 	snop  }
__scs_overlays_trampoline_lowered:
0x8: {  	[smem:$0x3FAA] =	sst s0  }
0x9: {  	[smem:$0x3FAB] =	sst s1  }
0xa: {  	[smem:$0x3FAC] =	sst s2  }
0xb: {  	[smem:$0x3FAD] =	sst s3  }
0xc: {  	[smem:$0x3FAE] =	sst s4  }
0xd: {  	[smem:$0x3FAF] =	sst s5  }
0xe: {  	[smem:$0x3FB0] =	sst s6  }
0xf: {  	[smem:$0x3FB1] =	sst s7  }
0x10: {  	[smem:$0x3FB2] =	sst s8  }
0x11: {  	[smem:$0x3FB3] =	sst s9;
	s0 =	simm.s32 @!p0 $0x0  }
0x12: {  	s1 =	sld [smem:$0x3F99];
	s0 =	simm.s32 @p0 $0x1  }
0x13: {  	[smem:$0x3FB4] =	sst s0;
	s0 =	simm.s32 @!p1 $0x0  }
0x14: {  	s2 =	sld [smem:$0x3F98];
	s0 =	simm.s32 @p1 $0x1  }
0x15: {  	[smem:$0x3FB5] =	sst s0;
	s0 =	simm.s32 @!p2 $0x0  }
0x16: {  	s3 =	sld [smem:$0x3FDB];
	s0 =	simm.s32 @p2 $0x1  }
0x17: {  	s4 =	simm.s32 $0x1BF5;
	[smem:$0x3FB7] =	sst s0  }
0x18: {  	s0 =	sld [smem:$0x3F9A];
	_ =	swait.ge [sflag:s4], $0x0  }
0x19: {  	s7 =	sld [smem:$0x3F9B]  }
0x1a: {  	s8 =	sadd.s32 $0xFFFFE003, lr  }
0x1b: {  	s9 =	sadd.s32 $0xFFFFFEF7, lr;
	s5 =	simm.s32 $0xFFFFFFFF;
	p2 =	slt.u32 s8, $0xFFFFF086  }
0x1c: {  	p1 =	slt.u32 s9, $0xF7A;
	s5 =	simm.s32 @!p2 $0x0  }
0x1d: {  	s5 =	simm.s32 @p1 $0x1;
	p0 =	seq.s32 s7, s2  }
0x1e: {  	s7 =	smul.u32 @!p0 $0xF7A, s2;
	p2 =	seq.s32 @!p0 s5, $0x0  }
0x1f: {  	s9 =	smul.u32 $0xF7A, s1;
	s8 =	simm.s32 @!p0 $0x1BF5;
	p2 =	por !p2, p0  }
0x20: {  	[sflag:s8] =	ssyncset.s32 @!p0 $0xFFFFF086;
	s6 =	sadd.s32 @!p0 s3, s7;
	s7 =	simm.s32 @!p0 $0x108  }
0x21: {  	s3 =	sadd.s32 s3, s9;
	s6 =	sadd.s32 @!p0 $0x88, s6;
	s7 =	simm.s32 @p2 $0x1082  }
0x22: {  	[simem:s7], [sflag:s8] =	dma.local @!p0 [hbm:s6], $0xF7A  }
0x23: {  	s9 =	sor.u32 $0xD0000000, s2;
	s6 =	simm.s32 $0x108;
	_ =	swait.ge @!p0 [sflag:s8], $0x0  }
0x24: {  	s3 =	sadd.s32 $0x88, s3;
	s6 =	simm.s32 @!p1 $0x1082;
	[sflag:s4] =	ssyncset.s32 $0xFFFFF086  }
0x25: {  	[simem:s6], [sflag:s4] =	dma.local [hbm:s3], $0xF7A  }
0x26: {  	[smem:$0x3F9B] =	sst s1;
	(tag) =	ssettag s2;
	_ =	strace s9  }
0x27: {  	s1 =	sld [smem:$0x3FAB]  }
0x28: {  	s2 =	sld [smem:$0x3FAC]  }
0x29: {  	s4 =	sld [smem:$0x3FAE]  }
0x2a: {  	p0 =	seq.s32 s5, $0x0;
	s5 =	sld [smem:$0x3FAF]  }
0x2b: {  	s6 =	sld [smem:$0x3FB0]  }
0x2c: {  	s7 =	sld [smem:$0x3FB1]  }
0x2d: {  	s3 =	simm.s32 $0x108;
	s8 =	sld [smem:$0x3FB2]  }
0x2e: {  	s3 =	simm.s32 @!p0 $0x1082;
	s9 =	sld [smem:$0x3FB3]  }
0x2f: {  	lr =	sadd.s32 s0, s3;
	s0 =	sld [smem:$0x3FAA]  }
0x30: {  	s3 =	sld [smem:$0x3FAD]  }
0x31: {  	[smem:$0x3FB6] =	sst s10  }
0x32: {  	s10 =	sld [smem:$0x3FB4];
	_ =	sdelay $0x3  }
0x33: {  	p0 =	seq.s32 s10, $0x1;
	s10 =	sld [smem:$0x3FB6];
	_ =	sdelay $0x3  }
0x34: {  	[smem:$0x3FB6] =	sst s10  }
0x35: {  	s10 =	sld [smem:$0x3FB5];
	_ =	sdelay $0x3  }
0x36: {  	p1 =	seq.s32 s10, $0x1;
	s10 =	sld [smem:$0x3FB6];
	_ =	sdelay $0x3  }
0x37: {  	[smem:$0x3FB6] =	sst s10  }
0x38: {  	s10 =	sld [smem:$0x3FB7]  }
0x39: {  	_ = 	snop;
	(pc) =	sbr.ind lr, $3  }
0x3a: {  	_ = 	snop  }
0x3b: {  	_ = 	snop  }
0x3c: {  	p2 =	seq.s32 s10, $0x1;
	s10 =	sld [smem:$0x3FB6]  }
0x3d: {  	_ =	shalt  }
0x3e: {  	_ =	shalt  }
0x3f: {  	_ =	shalt  }
0x40: {  	_ =	shalt  }
0x41: {  	_ =	shalt  }
0x42: {  	_ =	shalt  }
0x43: {  	_ =	shalt  }
0x44: {  	_ =	shalt  }
0x45: {  	_ =	shalt  }
0x46: {  	_ =	shalt  }
0x47: {  	_ =	shalt  }
0x48: {  	_ =	shalt  }
0x49: {  	_ =	shalt  }
0x4a: {  	_ =	shalt  }
0x4b: {  	_ =	shalt  }
0x4c: {  	_ =	shalt  }
0x4d: {  	_ =	shalt  }
0x4e: {  	_ =	shalt  }
0x4f: {  	_ =	shalt  }
0x50: {  	_ =	shalt  }
0x51: {  	_ =	shalt  }
0x52: {  	_ =	shalt  }
0x53: {  	_ =	shalt  }
0x54: {  	_ =	shalt  }
0x55: {  	_ =	shalt  }
0x56: {  	_ =	shalt  }
0x57: {  	_ =	shalt  }
0x58: {  	_ =	shalt  }
0x59: {  	_ =	shalt  }
0x5a: {  	_ =	shalt  }
0x5b: {  	_ =	shalt  }
0x5c: {  	_ =	shalt  }
0x5d: {  	_ =	shalt  }
0x5e: {  	_ =	shalt  }
0x5f: {  	_ =	shalt  }
0x60: {  	_ =	shalt  }
0x61: {  	_ =	shalt  }
0x62: {  	_ =	shalt  }
0x63: {  	_ =	shalt  }
0x64: {  	_ =	shalt  }
0x65: {  	_ =	shalt  }
0x66: {  	_ =	shalt  }
0x67: {  	_ =	shalt  }
0x68: {  	_ =	shalt  }
0x69: {  	_ =	shalt  }
0x6a: {  	_ =	shalt  }
0x6b: {  	_ =	shalt  }
0x6c: {  	_ =	shalt  }
0x6d: {  	_ =	shalt  }
0x6e: {  	_ =	shalt  }
0x6f: {  	_ =	shalt  }
0x70: {  	_ =	shalt  }
0x71: {  	_ =	shalt  }
0x72: {  	_ =	shalt  }
0x73: {  	_ =	shalt  }
0x74: {  	_ =	shalt  }
0x75: {  	_ =	shalt  }
0x76: {  	_ =	shalt  }
0x77: {  	_ =	shalt  }
0x78: {  	_ =	shalt  }
0x79: {  	_ =	shalt  }
0x7a: {  	_ =	shalt  }
0x7b: {  	_ =	shalt  }
0x7c: {  	_ =	shalt  }
0x7d: {  	_ =	shalt  }
0x7e: {  	_ =	shalt  }
0x7f: {  	_ =	shalt  }
0x80: {  	_ =	shalt  }
0x81: {  	_ =	shalt  }
0x82: {  	_ =	shalt  }
0x83: {  	_ =	shalt  }
0x84: {  	_ =	shalt  }
0x85: {  	_ =	shalt  }
0x86: {  	_ =	shalt  }
0x87: {  	_ =	shalt  }
.Lfunc_end0:
.L_simem_size_0:
called_computation.2_lowered:
.L_overlay_start_0:
0x88: {  	s2 =	sld [smem:$0x3FD9]  }
0x89: {  	s3 =	sld [smem:$0x3FFE];
	_ =	sdelay $0x1  }
0x8a: {  	s1 =	srdreg.scid  }
0x8b: {  	s0 =	sand.u32 $0x1, s1  }
0x8c: {  	s16 =	sshll.u32 s0, $0xA;
	s2 =	sadd.s32 s3, s2  }
0x8d: {  	s2 =	sadd.s32 s2, s16  }
0x8e: {  	[smem:$0x3FC2] =	sst s2  }
0x8f: {  	_ = 	snop  }
0x90: {  	(tm) =	ssettm $0x1  }
0x91: {  	s17 =	sld [smem:$0x3FFB];
	_ =	sdelay $0x3  }
0x92: {  	_ =	strace s17  }
0x93: {  	s2 =	sld [smem:$0x3FFC];
	_ =	sdelay $0x3  }
0x94: {  	_ =	strace s2  }
0x95: {  	s2 =	sld [smem:$0x3FFD];
	_ =	sdelay $0x3  }
0x96: {  	_ =	strace s2  }
0x97: {  	_ =	strace $0x8FFFFFFF  }
0x98: {  	s18 =	sld [smem:$0x3FDB];
	_ =	sdelay $0x1  }
0x99: {  	s19 =	simm.s32 $_scs_section_size  }
0x9a: {  	s4 =	simm.s32 $_size__tile_overlayer_lowered;
	s5 =	simm.s32 $_tile_overlayer_lowered  }
0x9b: {  	s22 =	simm.s32 $0x1BFF;
	s21 =	sshll.u32 s5, $0x1;
	s2 =	sadd.s32 s19, s18  }
0x9c: {  	s6 =	simm.s32 $0x0;
	s20 =	sshll.u32 s4, $0x1;
	s4 =	sadd.s32 s21, s2  }
0x9d: {  	[timem:s6], [sflag:s22] =	dma.local [hbm:s4], s20  }
0x9e: {  	_ =	swait.ge [sflag:s22], s20  }
0x9f: {  	s3 =	ssub.s32 $0x0, s20;
	[sflag:s22] =	ssyncset.done $0x0  }
0xa0: {  	[sflag:s22] =	ssyncadd.s32 s3;
	_ =	sdelay $0x1  }
0xa1: {  	s23 =	simm.s32 $0x1B8B  }
0xa2: {  	_ =	swait.ge [sflag:s23], $0x1  }
0xa3: {  	[sflag:s23] =	ssyncset.done $0x0  }
0xa4: {  	s25 =	simm.s32 $0x1B8E;
	s24 =	sld [smem:$0x3FFE];
	[sflag:s23] =	ssyncadd.s32 $0xFFFFFFFF  }
0xa5: {  	s26 =	simm.s32 $execute0_lowered;
	[smem:$0x3FD2] =	sst s25  }
0xa6: {  	s4 =	sshll.u32 s26, $0x1;
	_ =	strace $0x8000004C;
	[dreg:$0x1] =	wrdreg $0xFFFFFFFF  }
0xa7: {  	s28 =	simm.s32 $_size_execute0_lowered;
	s2 =	sadd.s32 s2, s4;
	[dreg:$0x0] =	wrdreg $0x0  }
0xa8: {  	s4 =	sshll.u32 s28, $0x1;
	[dreg:$0x2] =	wrdreg s2  }
0xa9: {  	[dreg:$0x3] =	wrdreg s4  }
0xaa: {  	[dreg:$0x4] =	wrdreg $0xC0  }
0xab: {  	_ =	task [dreg:s6], $0x5FFFF  }
0xac: {  	[dreg:$0x1] =	wrdreg $0xFFFFFFFF  }
0xad: {  	[dreg:$0x0] =	wrdreg $0x60  }
0xae: {  	[dreg:$0x2] =	wrdreg s24  }
0xaf: {  	[dreg:$0x3] =	wrdreg $0x34000  }
0xb0: {  	[dreg:$0x4] =	wrdreg $0x9  }
0xb1: {  	_ =	task.clear_ibuf [dreg:s6], $0x5FFFF;
	_ =	strace $0x9000004C  }
0xb2: {  	s29 =	simm.s32 $0x9;
	_ =	strace $0x8000004E  }
0xb3: {  	_ =	swait.ge [sflag:s29], $0x1  }
0xb4: {  	[sflag:s29] =	ssyncadd.s32 $0xFFFFFFFF  }
0xb5: {  	_ =	strace $0x9000004E  }
0xb6: {  	_ =	sfence  }
0xb7: {  	s30 =	sld [smem:$0x0];
	_ =	sdelay $0x2  }
0xb8: {  	s31 =	sshll.u32 s1, $0xD;
	s1 =	sshrl.u32 s1, $0x2  }
0xb9: {  	s3 =	sand.u32 $0x4000, s31;
	s1 =	sadd.s32 s1, s30  }
0xba: {  	s0 =	sor.u32 s3, s0;
	s1 =	sshll.u32 s1, $0x11  }
0xbb: {  	s0 =	sor.u32 s1, s0  }
0xbc: {  	s0 =	sadd.s32 $0x8F2B, s0  }
0xbd: {  	[sflag:s0] =	ssyncadd.remote.s32 $0x1  }
0xbe: {  	_ =	sfence.sel $0xFFFF  }
0xbf: {  	[dreg:$0x0] =	wrdreg $0xFFFFFFFF;
	(pc) =	sbr.abs _section_cstart, $3  }
0xc0: {  	[dreg:$0x1] =	wrdreg $0xFFFFFFFF  }
0xc1: {  	_ =	task.clear_ibuf [dreg:s6], $0x2FFFF;
	_ =	strace $0x9FFFFFFF  }
0xc2: {  	(tm) =	ssettm $0x7FFFFFFF  }
0xc3: {  	_ =	shalt  }
tec
execute0_lowered:
.L_overlay_start_1:
0x0: {  	(tag) =	ssettag $0x1  }
0x1: {  	s0 =	rddreg [dreg:$0x0]  }
0x2: {  	s2 =	rddreg [dreg:$0x1]  }
0x3: {  	s1 =	srdreg.scid;
	s11 =	stileid.u32  }
0x4: {  	s3 =	simm.s32 $0x0;
	s28 =	simm.s32 $0x1C00;
	s29 =	simm.s32 $0x1  }
0x5: {  	s30 =	simm.s32 $0x5;
	s31 =	simm.s32 $0x2;
	s5 =	smul.u32 $0x7800, s11  }
0x6: {  	s1 =	sand.u32 $0x1, s1;
	[smem:$0x7FF] =	sst s3;
	s9 =	smul.u32 $0x1E000, s11  }
0x7: {  	s4 =	sadd.s32 $0x1C00, s0;
	s7 =	sadd.s32 $0x51C00, s0;
	s6 =	smul.u32 $0x78000, s1  }
0x8: {  	_ =	strace $0x8000004D;
	s8 =	sshll.u32 s1, $0x4;
	s19 =	ssub.s32 $0x2, s1  }
0x9: {  	s1 =	smul.u32 $0x500, s1;
	s8 =	sor.u32 s11, s8;
	s10 =	sshrl.u32 s19, $0x1  }
0xa: {  	s9 =	sshrl.u32 s9, $0x2;
	s11 =	smul.u32 $0x50, s11;
	s6 =	sadd.s32 s5, s6  }
0xb: {  	s8 =	smul.u32 $0xA00, s8;
	s20 =	sadd.s32 s9, s2;
	s5 =	sadd.s32 s5, s2  }
0xc: {  	s6 =	sshrl.u32 s6, $0x3;
	s9 =	sadd.s32 $0x1800, s20;
	s21 =	sadd.s32 $0x3000, s20  }
0xd: {  	s22 =	sadd.s32 $0x4800, s20;
	s1 =	sadd.s32 s11, s1;
	[dreg:$0x3] =	wrdreg s9  }
0xe: {  	s23 =	sadd.s32 $0x6000, s20;
	s20 =	simm.s32 $0x7;
	[dreg:$0x4] =	wrdreg s21  }
0xf: {  	s0 =	sadd.s32 s6, s0;
	s6 =	ssub.s32 s19, s10;
	[dreg:$0x5] =	wrdreg s22  }
0x10: {  	s8 =	sadd.s32 s7, s8;
	[dreg:$0x7] =	wrdreg s23;
	s1 =	sshll.u32 s1, $0x5  }
0x11: {  	s19 =	simm.s32 $0x400;
	s21 =	simm.s32 $0x100;
	s22 =	simm.s32 $0x200  }
0x12: {  	s23 =	simm.s32 $0x300;
	s24 =	sadd.s32 $0x20, s8;
	[dreg:$0x6] =	wrdreg s8  }
0x13: {  	s25 =	sadd.s32 $0x40, s8;
	s8 =	sadd.s32 $0x60, s8;
	[dreg:$0x8] =	wrdreg s24  }
0x14: {  	s14 =	sadd.s32 s1, s7;
	s0 =	sadd.s32 $0x10C00, s0;
	[dreg:$0x9] =	wrdreg s25  }
.Ltmp0:
0x15: {  	s26 =	smax.u32 s6, $0x1;
	[dreg:$0xa] =	wrdreg s8;
	(pc) =	sbr.rel .LBB2_1-.Ltmp0, $4  }
0x16: {  	s1 =	simm.s32 $0x6;
	s6 =	simm.s32 $0x280;
	[dreg:$0xb] =	wrdreg s0  }
0x17: {  	s7 =	simm.s32 $0x380;
	[dreg:$0xc] =	wrdreg s26;
	s17 =	sadd.s32 $0xC0, s14  }
0x18: {  	s18 =	sadd.s32 $0x80, s14;
	s24 =	simm.s32 $0x3;
	s25 =	simm.s32 $0x80  }
0x19: {  	v0 =	vimm.f32 $0.0e+00;
	s26 =	simm.s32 $0x4;
	s0 =	simm.s32 $0x180;
	s8 =	simm.s32 $0x0  }
.LBB2_6:
0x1a: {  	_ =	swait.ge [sflag:s31], $0x1800  }
0x1b: {  	[sflag:s31] =	ssyncset.done $0x0  }
0x1c: {  	[sflag:s31] =	ssyncadd.s32 $0xFFFFE800  }
0x1d: {  	[spmem:s2] =	stream.indirect.scatter.add.f32 [tilespmem:s28], [sflag:$0x7], $0x30, s7, s25, $0xb8;
	[tilespmem:$0xAC00] =	vst v63  }
0x1e: {  	_ =	swait.ge [sflag:s20], $0x1800  }
0x1f: {  	[sflag:s20] =	ssyncset.done $0x0  }
0x20: {  	s9 =	stileid.u32;
	[sflag:s20] =	ssyncadd.s32 $0xFFFFE800  }
0x21: {  	s9 =	sshll.u32 s9, $0x6;
	[bflag:$0x0] =	sbarrier.arrive $0xFFFF  }
0x22: {  	s10 =	sshrl.u32 s5, $0x3;
	s9 =	sor.u32 $0x1C07, s9;
	s11 =	rddreg [dreg:$0xb]  }
0x23: {  	[hbm:s11], [sflag:s9] =	dma.local [spmem:s10], $0xF00  }
0x24: {  	_ =	swait.ge [sflag:s20], $0xF00  }
0x25: {  	s8 =	sadd.s32 $0x1, s8;
	s16 =	rddreg [dreg:$0xc]  }
0x26: {  	p0 =	sne.s32 s8, s16  }
.Ltmp1:
0x27: {  	_ = 	snop;
	(pc) =	sbr.rel @!p0 .LBB2_7-.Ltmp1, $3  }
0x28: {  	_ =	sdelay $0x1  }
0x29: {  	[sflag:s20] =	ssyncset.done $0x0  }
0x2a: {  	[sflag:s20] =	ssyncadd.s32 $0xFFFFF100  }
.LBB2_1:
0x2b: {  	s10 =	smul.u32 $0xAAAB, s3;
	_ =	sdelay $0x1  }
0x2c: {  	s11 =	sshrl.u32 s10, $0x11  }
0x2d: {  	s12 =	simm.s32 $0x0;
	s10 =	simm.s32 $0x1;
	s13 =	smul.u32 $0x3, s11  }
.LBB2_2:
0x2e: {  	s15 =	smul.u32 $0xAAAB, s10  }
0x2f: {  	s16 =	smov.u32 s10;
	s11 =	smul.u32 $0xC0, s11;
	p0 =	sne.s32 s10, $0x17F  }
.Ltmp2:
0x30: {  	s12 =	ssub.s32 s12, s13;
	(pc) =	sbr.rel @p0 .LBB2_2-.Ltmp2, $4  }
0x31: {  	s10 =	sadd.s32 $0x1, s10;
	s12 =	sand.u32 $0xFFFF, s12  }
0x32: {  	s13 =	sshrl.u32 s11, $0x2;
	s9 =	sshll.u32 s12, $0x4;
	s12 =	smov.u32 s16  }
0x33: {  	s11 =	sshrl.u32 s15, $0x11;
	s9 =	sadd.s32 s9, s13  }
0x34: {  	s13 =	smul.u32 $0x3, s11;
	[tilespmem:s9+$0x400] =	vst v0  }
0x35: {  	_ = 	snop  }
0x36: {  	s10 =	smul.u32 $0xC0, s11;
	s9 =	ssub.s32 s12, s13  }
0x37: {  	s9 =	sand.u32 $0xFFFF, s9  }
0x38: {  	s10 =	sshrl.u32 s10, $0x2;
	s9 =	sshll.u32 s9, $0x4  }
0x39: {  	s9 =	sadd.s32 s9, s10  }
0x3a: {  	[tilespmem:s9+$0x400] =	vst v0  }
0x3b: {  	[spmem:s5] =	stream.linear.scatter [tilespmem:s19], [sflag:$0x7], $0x1800, $0x38;
	[tilespmem:$0xAC00] =	vst v63  }
0x3c: {  	_ =	swait.ge [sflag:s20], $0x1800  }
0x3d: {  	[sflag:s20] =	ssyncset.done $0x0  }
0x3e: {  	s15 =	rddreg [dreg:$0x3];
	[sflag:s20] =	ssyncadd.s32 $0xFFFFE800  }
0x3f: {  	[spmem:s15] =	stream.linear.scatter [tilespmem:s19], [sflag:$0x7], $0x1800, $0x38;
	[tilespmem:$0xAC00] =	vst v63  }
0x40: {  	_ =	swait.ge [sflag:s20], $0x1800  }
0x41: {  	[sflag:s20] =	ssyncset.done $0x0  }
0x42: {  	s16 =	rddreg [dreg:$0x4];
	[sflag:s20] =	ssyncadd.s32 $0xFFFFE800  }
0x43: {  	[spmem:s16] =	stream.linear.scatter [tilespmem:s19], [sflag:$0x7], $0x1800, $0x38;
	[tilespmem:$0xAC00] =	vst v63  }
0x44: {  	_ =	swait.ge [sflag:s20], $0x1800  }
0x45: {  	[sflag:s20] =	ssyncset.done $0x0  }
0x46: {  	s10 =	rddreg [dreg:$0x5];
	[sflag:s20] =	ssyncadd.s32 $0xFFFFE800  }
0x47: {  	[spmem:s10] =	stream.linear.scatter [tilespmem:s19], [sflag:$0x7], $0x1800, $0x38;
	[tilespmem:$0xAC00] =	vst v63  }
0x48: {  	_ =	swait.ge [sflag:s20], $0x1800  }
0x49: {  	[sflag:s20] =	ssyncset.done $0x0  }
0x4a: {  	s11 =	rddreg [dreg:$0x7];
	[sflag:s20] =	ssyncadd.s32 $0xFFFFE800  }
0x4b: {  	[spmem:s11] =	stream.linear.scatter [tilespmem:s19], [sflag:$0x7], $0x1800, $0x38;
	[tilespmem:$0xAC00] =	vst v63  }
0x4c: {  	_ =	swait.ge [sflag:s20], $0x1800  }
0x4d: {  	[sflag:s20] =	ssyncset.done $0x0  }
0x4e: {  	[sflag:s20] =	ssyncadd.s32 $0xFFFFE800  }
0x4f: {  	[bflag:$0x0] =	sbarrier.arrive $0xFFFF  }
0x50: {  	s10 =	simm.s32 $0x0;
	s12 =	rddreg [dreg:$0x6]  }
0x51: {  	[tilespmem:s10], [sflag:$0x3] =	stream.linear.gather [hbm4b:s12+s10], $0x100, $0x38;
	[tilespmem:$0xAC00] =	vst v63  }
0x52: {  	s13 =	rddreg [dreg:$0x8]  }
0x53: {  	[tilespmem:s21], [sflag:$0x4] =	stream.linear.gather [hbm4b:s13+s10], $0x100, $0x38;
	[tilespmem:$0xAC00] =	vst v63  }
0x54: {  	s15 =	rddreg [dreg:$0x9]  }
0x55: {  	[tilespmem:s22], [sflag:$0x5] =	stream.linear.gather [hbm4b:s15+s10], $0x100, $0x38;
	[tilespmem:$0xAC00] =	vst v63  }
0x56: {  	s16 =	rddreg [dreg:$0xa]  }
0x57: {  	[tilespmem:s23], [sflag:$0x6] =	stream.linear.gather [hbm4b:s16+s10], $0x100, $0x38;
	[tilespmem:$0xAC00] =	vst v63  }
0x58: {  	_ =	swait.ge [sflag:s24], $0x100  }
0x59: {  	[sflag:s24] =	ssyncset.done $0x0  }
0x5a: {  	[sflag:s24] =	ssyncadd.s32 $0xFFFFFF00  }
0x5b: {  	[tilespmem:s19], [sflag:$0x1] =	stream.indirect.gather [hbm4b:s4+s25], $0x30, s10, s25, $0xb8;
	[tilespmem:$0xAC00] =	vst v63  }
.LBB2_4:
0x5c: {  	_ =	swait.ge [sflag:s26], $0x100  }
0x5d: {  	[sflag:s26] =	ssyncset.done $0x0  }
0x5e: {  	[sflag:s26] =	ssyncadd.s32 $0xFFFFFF00  }
0x5f: {  	[tilespmem:s28], [sflag:$0x2] =	stream.indirect.gather [hbm4b:s4+s25], $0x30, s21, s25, $0xb8;
	[tilespmem:$0xAC00] =	vst v63  }
0x60: {  	_ =	swait.ge [sflag:s29], $0x1800  }
0x61: {  	[sflag:s29] =	ssyncset.done $0x0  }
0x62: {  	[sflag:s29] =	ssyncadd.s32 $0xFFFFE800  }
0x63: {  	[spmem:s2] =	stream.indirect.scatter.add.f32 [tilespmem:s19], [sflag:$0x7], $0x30, s25, s25, $0xb8;
	[tilespmem:$0xAC00] =	vst v63  }
0x64: {  	_ =	swait.ge [sflag:s20], $0x1800  }
0x65: {  	p0 =	seq.s32 s10, $0x980;
	[sflag:s20] =	ssyncset.done $0x0  }
0x66: {  	s9 =	sadd.s32 @!p0 s10, s18;
	s11 =	simm.s32 @!p0 $0x0;
	[sflag:s20] =	ssyncadd.s32 $0xFFFFE800  }
0x67: {  	[tilespmem:s11], [sflag:$0x3] =	stream.linear.gather @!p0 [hbm4b:s9+s11], $0x100, $0x38;
	[tilespmem:$0xAC00] =	vst v63  }
0x68: {  	_ =	swait.ge [sflag:s30], $0x100  }
0x69: {  	[sflag:s30] =	ssyncset.done $0x0  }
0x6a: {  	[sflag:s30] =	ssyncadd.s32 $0xFFFFFF00  }
0x6b: {  	[tilespmem:s19], [sflag:$0x1] =	stream.indirect.gather [hbm4b:s4+s25], $0x30, s22, s25, $0xb8;
	[tilespmem:$0xAC00] =	vst v63  }
0x6c: {  	_ =	swait.ge [sflag:s31], $0x1800  }
0x6d: {  	[sflag:s31] =	ssyncset.done $0x0  }
0x6e: {  	[sflag:s31] =	ssyncadd.s32 $0xFFFFE800  }
0x6f: {  	[spmem:s2] =	stream.indirect.scatter.add.f32 [tilespmem:s28], [sflag:$0x7], $0x30, s0, s25, $0xb8;
	[tilespmem:$0xAC00] =	vst v63  }
0x70: {  	_ =	swait.ge [sflag:s20], $0x1800  }
0x71: {  	s9 =	sadd.s32 @!p0 s10, s14;
	[sflag:s20] =	ssyncset.done $0x0  }
0x72: {  	s12 =	simm.s32 @!p0 $0x100;
	s9 =	sadd.s32 @!p0 $0xA0, s9;
	[sflag:s20] =	ssyncadd.s32 $0xFFFFE800  }
0x73: {  	[tilespmem:s12], [sflag:$0x4] =	stream.linear.gather @!p0 [hbm4b:s9+s11], $0x100, $0x38;
	[tilespmem:$0xAC00] =	vst v63  }
0x74: {  	_ =	swait.ge [sflag:s1], $0x100  }
0x75: {  	[sflag:s1] =	ssyncset.done $0x0  }
0x76: {  	[sflag:s1] =	ssyncadd.s32 $0xFFFFFF00  }
0x77: {  	[tilespmem:s28], [sflag:$0x2] =	stream.indirect.gather [hbm4b:s4+s25], $0x30, s23, s25, $0xb8;
	[tilespmem:$0xAC00] =	vst v63  }
0x78: {  	_ =	swait.ge [sflag:s29], $0x1800  }
0x79: {  	[sflag:s29] =	ssyncset.done $0x0  }
.Ltmp3:
0x7a: {  	[sflag:s29] =	ssyncadd.s32 $0xFFFFE800;
	(pc) =	sbr.rel @p0 .LBB2_6-.Ltmp3, $4  }
0x7b: {  	[spmem:s2] =	stream.indirect.scatter.add.f32 [tilespmem:s19], [sflag:$0x7], $0x30, s6, s25, $0xb8;
	[tilespmem:$0xAC00] =	vst v63  }
0x7c: {  	_ =	swait.ge [sflag:s20], $0x1800  }
0x7d: {  	[sflag:s20] =	ssyncset.done $0x0  }
0x7e: {  	[sflag:s20] =	ssyncadd.s32 $0xFFFFE800  }
0x7f: {  	s9 =	sadd.s32 s10, s17  }
0x80: {  	[tilespmem:s22], [sflag:$0x5] =	stream.linear.gather [hbm4b:s9+s3], $0x100, $0x38;
	[tilespmem:$0xAC00] =	vst v63  }
0x81: {  	_ =	swait.ge [sflag:s24], $0x100  }
0x82: {  	[sflag:s24] =	ssyncset.done $0x0  }
0x83: {  	[sflag:s24] =	ssyncadd.s32 $0xFFFFFF00  }
0x84: {  	[tilespmem:s19], [sflag:$0x1] =	stream.indirect.gather [hbm4b:s4+s25], $0x30, s3, s25, $0xb8;
	[tilespmem:$0xAC00] =	vst v63  }
0x85: {  	_ =	swait.ge [sflag:s31], $0x1800  }
0x86: {  	[sflag:s31] =	ssyncset.done $0x0  }
0x87: {  	[sflag:s31] =	ssyncadd.s32 $0xFFFFE800  }
0x88: {  	[spmem:s2] =	stream.indirect.scatter.add.f32 [tilespmem:s28], [sflag:$0x7], $0x30, s7, s25, $0xb8;
	[tilespmem:$0xAC00] =	vst v63  }
.Ltmp4:
0x89: {  	_ = 	snop;
	(pc) =	sbr.rel .LBB2_4-.Ltmp4, $4  }
0x8a: {  	_ =	swait.ge [sflag:s20], $0x1800  }
0x8b: {  	s16 =	sadd.s32 s10, s14;
	[sflag:s20] =	ssyncset.done $0x0  }
0x8c: {  	s10 =	sadd.s32 $0x80, s10;
	s9 =	sadd.s32 $0xE0, s16;
	[sflag:s20] =	ssyncadd.s32 $0xFFFFE800  }
0x8d: {  	[tilespmem:s23], [sflag:$0x6] =	stream.linear.gather [hbm4b:s9+s3], $0x100, $0x38;
	[tilespmem:$0xAC00] =	vst v63  }
.LBB2_7:
0x8e: {  	_ =	sfence.sel $0x180000  }
0x8f: {  	[bflag:$0x0] =	sbarrier.arrive $0xFFFF  }
0x90: {  	_ =	strace $0x9000004D  }
0x91: {  	s0 =	stileid.u32;
	[bflag:$0x2] =	sbarrier.arrive $0xFFFF  }
0x92: {  	p0 =	sne.s32 s0, $0x0;
	s0 =	rddreg [dreg:$0x2]  }
0x93: {  	s0 =	sadd.s32 @!p0 $0x100000, s0  }
0x94: {  	[sflag:s0] =	ssyncadd.tile.s32 @!p0 $0x1;
	_ =	shalt  }
.Lfunc_end2:
_tile_overlayer_lowered:
.L_overlay_start_2:
0x95: {  	(tag) =	ssettag $0x2  }
0x96: {  	s0 =	rddreg [dreg:$0x0];
	s2 =	stileid.u32  }
0x97: {  	s1 =	rddreg [dreg:$0x1];
	p0 =	sne.s32 s2, $0x0  }
0x98: {  	s3 =	rddreg [dreg:$0x2];
	[bflag:$0x3] =	sbarrier.arrive $0xFFFF;
	s2 =	simm.s32 @!p0 $0x1C07  }
0x99: {  	[timem:s3], [sflag:s2] =	dma.local @!p0 [hbm:s0], s1  }
0x9a: {  	s0 =	simm.s32 @!p0 $0x7  }
0x9b: {  	_ =	swait.ge @!p0 [sflag:s0], s1  }
0x9c: {  	s1 =	ssub.s32 @!p0 $0x0, s1;
	[sflag:s0] =	ssyncset.done @!p0 $0x0  }
0x9d: {  	[sflag:s0] =	ssyncadd.s32 @!p0 s1  }
0x9e: {  	[bflag:$0x3] =	sbarrier.arrive $0xFFFF  }
0x9f: {  	_ =	shalt  }

// kernel: kernel.8.cloned.1.call-start
scs
__scs_entry_jumppad:
0x0: {  	(pc) =	sbr.rel $0x88, $3  }
0x1: {  	(tag) =	ssettag $0x0;
	lr =	simm.s32 $0x1  }
0x2: {  	[smem:$0x3F9B] =	sst lr;
	_ =	strace $0xD0000000  }
0x3: {  	_ = 	snop  }
0x4: {  	_ = 	snop  }
0x5: {  	_ = 	snop  }
0x6: {  	_ = 	snop  }
0x7: {  	_ = 	snop  }
__scs_overlays_trampoline_lowered:
0x8: {  	[smem:$0x3FAA] =	sst s0  }
0x9: {  	[smem:$0x3FAB] =	sst s1  }
0xa: {  	[smem:$0x3FAC] =	sst s2  }
0xb: {  	[smem:$0x3FAD] =	sst s3  }
0xc: {  	[smem:$0x3FAE] =	sst s4  }
0xd: {  	[smem:$0x3FAF] =	sst s5  }
0xe: {  	[smem:$0x3FB0] =	sst s6  }
0xf: {  	[smem:$0x3FB1] =	sst s7  }
0x10: {  	[smem:$0x3FB2] =	sst s8  }
0x11: {  	[smem:$0x3FB3] =	sst s9;
	s0 =	simm.s32 @!p0 $0x0  }
0x12: {  	s1 =	sld [smem:$0x3F99];
	s0 =	simm.s32 @p0 $0x1  }
0x13: {  	[smem:$0x3FB4] =	sst s0;
	s0 =	simm.s32 @!p1 $0x0  }
0x14: {  	s2 =	sld [smem:$0x3F98];
	s0 =	simm.s32 @p1 $0x1  }
0x15: {  	[smem:$0x3FB5] =	sst s0;
	s0 =	simm.s32 @!p2 $0x0  }
0x16: {  	s3 =	sld [smem:$0x3FDB];
	s0 =	simm.s32 @p2 $0x1  }
0x17: {  	s4 =	simm.s32 $0x1BF5;
	[smem:$0x3FB7] =	sst s0  }
0x18: {  	s0 =	sld [smem:$0x3F9A];
	_ =	swait.ge [sflag:s4], $0x0  }
0x19: {  	s7 =	sld [smem:$0x3F9B]  }
0x1a: {  	s8 =	sadd.s32 $0xFFFFE003, lr  }
0x1b: {  	s9 =	sadd.s32 $0xFFFFFEF7, lr;
	s5 =	simm.s32 $0xFFFFFFFF;
	p2 =	slt.u32 s8, $0xFFFFF086  }
0x1c: {  	p1 =	slt.u32 s9, $0xF7A;
	s5 =	simm.s32 @!p2 $0x0  }
0x1d: {  	s5 =	simm.s32 @p1 $0x1;
	p0 =	seq.s32 s7, s2  }
0x1e: {  	s7 =	smul.u32 @!p0 $0xF7A, s2;
	p2 =	seq.s32 @!p0 s5, $0x0  }
0x1f: {  	s9 =	smul.u32 $0xF7A, s1;
	s8 =	simm.s32 @!p0 $0x1BF5;
	p2 =	por !p2, p0  }
0x20: {  	[sflag:s8] =	ssyncset.s32 @!p0 $0xFFFFF086;
	s6 =	sadd.s32 @!p0 s3, s7;
	s7 =	simm.s32 @!p0 $0x108  }
0x21: {  	s3 =	sadd.s32 s3, s9;
	s6 =	sadd.s32 @!p0 $0x88, s6;
	s7 =	simm.s32 @p2 $0x1082  }
0x22: {  	[simem:s7], [sflag:s8] =	dma.local @!p0 [hbm:s6], $0xF7A  }
0x23: {  	s9 =	sor.u32 $0xD0000000, s2;
	s6 =	simm.s32 $0x108;
	_ =	swait.ge @!p0 [sflag:s8], $0x0  }
0x24: {  	s3 =	sadd.s32 $0x88, s3;
	s6 =	simm.s32 @!p1 $0x1082;
	[sflag:s4] =	ssyncset.s32 $0xFFFFF086  }
0x25: {  	[simem:s6], [sflag:s4] =	dma.local [hbm:s3], $0xF7A  }
0x26: {  	[smem:$0x3F9B] =	sst s1;
	(tag) =	ssettag s2;
	_ =	strace s9  }
0x27: {  	s1 =	sld [smem:$0x3FAB]  }
0x28: {  	s2 =	sld [smem:$0x3FAC]  }
0x29: {  	s4 =	sld [smem:$0x3FAE]  }
0x2a: {  	p0 =	seq.s32 s5, $0x0;
	s5 =	sld [smem:$0x3FAF]  }
0x2b: {  	s6 =	sld [smem:$0x3FB0]  }
0x2c: {  	s7 =	sld [smem:$0x3FB1]  }
0x2d: {  	s3 =	simm.s32 $0x108;
	s8 =	sld [smem:$0x3FB2]  }
0x2e: {  	s3 =	simm.s32 @!p0 $0x1082;
	s9 =	sld [smem:$0x3FB3]  }
0x2f: {  	lr =	sadd.s32 s0, s3;
	s0 =	sld [smem:$0x3FAA]  }
0x30: {  	s3 =	sld [smem:$0x3FAD]  }
0x31: {  	[smem:$0x3FB6] =	sst s10  }
0x32: {  	s10 =	sld [smem:$0x3FB4];
	_ =	sdelay $0x3  }
0x33: {  	p0 =	seq.s32 s10, $0x1;
	s10 =	sld [smem:$0x3FB6];
	_ =	sdelay $0x3  }
0x34: {  	[smem:$0x3FB6] =	sst s10  }
0x35: {  	s10 =	sld [smem:$0x3FB5];
	_ =	sdelay $0x3  }
0x36: {  	p1 =	seq.s32 s10, $0x1;
	s10 =	sld [smem:$0x3FB6];
	_ =	sdelay $0x3  }
0x37: {  	[smem:$0x3FB6] =	sst s10  }
0x38: {  	s10 =	sld [smem:$0x3FB7]  }
0x39: {  	_ = 	snop;
	(pc) =	sbr.ind lr, $3  }
0x3a: {  	_ = 	snop  }
0x3b: {  	_ = 	snop  }
0x3c: {  	p2 =	seq.s32 s10, $0x1;
	s10 =	sld [smem:$0x3FB6]  }
0x3d: {  	_ =	shalt  }
0x3e: {  	_ =	shalt  }
0x3f: {  	_ =	shalt  }
0x40: {  	_ =	shalt  }
0x41: {  	_ =	shalt  }
0x42: {  	_ =	shalt  }
0x43: {  	_ =	shalt  }
0x44: {  	_ =	shalt  }
0x45: {  	_ =	shalt  }
0x46: {  	_ =	shalt  }
0x47: {  	_ =	shalt  }
0x48: {  	_ =	shalt  }
0x49: {  	_ =	shalt  }
0x4a: {  	_ =	shalt  }
0x4b: {  	_ =	shalt  }
0x4c: {  	_ =	shalt  }
0x4d: {  	_ =	shalt  }
0x4e: {  	_ =	shalt  }
0x4f: {  	_ =	shalt  }
0x50: {  	_ =	shalt  }
0x51: {  	_ =	shalt  }
0x52: {  	_ =	shalt  }
0x53: {  	_ =	shalt  }
0x54: {  	_ =	shalt  }
0x55: {  	_ =	shalt  }
0x56: {  	_ =	shalt  }
0x57: {  	_ =	shalt  }
0x58: {  	_ =	shalt  }
0x59: {  	_ =	shalt  }
0x5a: {  	_ =	shalt  }
0x5b: {  	_ =	shalt  }
0x5c: {  	_ =	shalt  }
0x5d: {  	_ =	shalt  }
0x5e: {  	_ =	shalt  }
0x5f: {  	_ =	shalt  }
0x60: {  	_ =	shalt  }
0x61: {  	_ =	shalt  }
0x62: {  	_ =	shalt  }
0x63: {  	_ =	shalt  }
0x64: {  	_ =	shalt  }
0x65: {  	_ =	shalt  }
0x66: {  	_ =	shalt  }
0x67: {  	_ =	shalt  }
0x68: {  	_ =	shalt  }
0x69: {  	_ =	shalt  }
0x6a: {  	_ =	shalt  }
0x6b: {  	_ =	shalt  }
0x6c: {  	_ =	shalt  }
0x6d: {  	_ =	shalt  }
0x6e: {  	_ =	shalt  }
0x6f: {  	_ =	shalt  }
0x70: {  	_ =	shalt  }
0x71: {  	_ =	shalt  }
0x72: {  	_ =	shalt  }
0x73: {  	_ =	shalt  }
0x74: {  	_ =	shalt  }
0x75: {  	_ =	shalt  }
0x76: {  	_ =	shalt  }
0x77: {  	_ =	shalt  }
0x78: {  	_ =	shalt  }
0x79: {  	_ =	shalt  }
0x7a: {  	_ =	shalt  }
0x7b: {  	_ =	shalt  }
0x7c: {  	_ =	shalt  }
0x7d: {  	_ =	shalt  }
0x7e: {  	_ =	shalt  }
0x7f: {  	_ =	shalt  }
0x80: {  	_ =	shalt  }
0x81: {  	_ =	shalt  }
0x82: {  	_ =	shalt  }
0x83: {  	_ =	shalt  }
0x84: {  	_ =	shalt  }
0x85: {  	_ =	shalt  }
0x86: {  	_ =	shalt  }
0x87: {  	_ =	shalt  }
.Lfunc_end0:
.L_simem_size_0:
called_computation_lowered:
.L_overlay_start_0:
0x88: {  	s2 =	sld [smem:$0x3FD9]  }
0x89: {  	s3 =	sld [smem:$0x3FFE];
	_ =	sdelay $0x1  }
0x8a: {  	s1 =	srdreg.scid  }
0x8b: {  	s0 =	sand.u32 $0x1, s1  }
0x8c: {  	s17 =	sshll.u32 s0, $0xA;
	s2 =	sadd.s32 s3, s2  }
0x8d: {  	s2 =	sadd.s32 s2, s17  }
0x8e: {  	[smem:$0x3FC2] =	sst s2  }
0x8f: {  	_ = 	snop  }
0x90: {  	s2 =	sld [smem:$0x3FD0];
	(tm) =	ssettm $0x1  }
0x91: {  	s18 =	sld [smem:$0x3FFB];
	_ =	sdelay $0x3  }
0x92: {  	_ =	strace s18  }
0x93: {  	s3 =	sld [smem:$0x3FFC];
	_ =	sdelay $0x3  }
0x94: {  	_ =	strace s3  }
0x95: {  	s3 =	sld [smem:$0x3FFD];
	_ =	sdelay $0x3  }
0x96: {  	_ =	strace s3  }
0x97: {  	_ =	strace $0x8FFFFFFF  }
0x98: {  	s19 =	sld [smem:$0x3FDB];
	_ =	sdelay $0x1  }
0x99: {  	s4 =	simm.s32 $_scs_section_size  }
0x9a: {  	s5 =	simm.s32 $_size__tile_overlayer_lowered;
	s6 =	simm.s32 $_tile_overlayer_lowered  }
0x9b: {  	s22 =	simm.s32 $0x1BFF;
	s21 =	sshll.u32 s6, $0x1;
	s3 =	sadd.s32 s4, s19  }
0x9c: {  	s7 =	simm.s32 $0x0;
	s20 =	sshll.u32 s5, $0x1;
	s5 =	sadd.s32 s21, s3  }
0x9d: {  	[timem:s7], [sflag:s22] =	dma.local [hbm:s5], s20  }
0x9e: {  	_ =	swait.ge [sflag:s22], s20  }
0x9f: {  	s4 =	ssub.s32 $0x0, s20;
	[sflag:s22] =	ssyncset.done $0x0  }
0xa0: {  	[sflag:s22] =	ssyncadd.s32 s4;
	_ =	sdelay $0x1  }
0xa1: {  	s23 =	simm.s32 $0x1B8B  }
0xa2: {  	_ =	swait.ge [sflag:s23], $0x1  }
0xa3: {  	[sflag:s23] =	ssyncset.done $0x0  }
0xa4: {  	s25 =	simm.s32 $0x1B8E;
	s24 =	sld [smem:$0x3FFE];
	[sflag:s23] =	ssyncadd.s32 $0xFFFFFFFF  }
0xa5: {  	s26 =	simm.s32 $execute0_lowered;
	[smem:$0x3FD2] =	sst s25  }
0xa6: {  	s5 =	sshll.u32 s26, $0x1;
	_ =	strace $0x80000046;
	[dreg:$0x1] =	wrdreg $0xFFFFFFFF  }
0xa7: {  	s28 =	simm.s32 $_size_execute0_lowered;
	s3 =	sadd.s32 s3, s5;
	[dreg:$0x0] =	wrdreg $0x0  }
0xa8: {  	s5 =	sshll.u32 s28, $0x1;
	[dreg:$0x2] =	wrdreg s3  }
0xa9: {  	[dreg:$0x3] =	wrdreg s5  }
0xaa: {  	[dreg:$0x4] =	wrdreg $0xC0  }
0xab: {  	_ =	task [dreg:s7], $0x5FFFF  }
0xac: {  	[dreg:$0x1] =	wrdreg $0xFFFFFFFF  }
0xad: {  	[dreg:$0x0] =	wrdreg $0x60  }
0xae: {  	[dreg:$0x2] =	wrdreg s2  }
0xaf: {  	[dreg:$0x3] =	wrdreg s24  }
0xb0: {  	[dreg:$0x4] =	wrdreg $0x68000  }
0xb1: {  	[dreg:$0x5] =	wrdreg $0x9  }
0xb2: {  	_ =	task.clear_ibuf [dreg:s7], $0x6FFFF;
	_ =	strace $0x90000046  }
0xb3: {  	s29 =	simm.s32 $0x9;
	_ =	strace $0x80000048  }
0xb4: {  	_ =	swait.ge [sflag:s29], $0x1  }
0xb5: {  	[sflag:s29] =	ssyncadd.s32 $0xFFFFFFFF  }
0xb6: {  	_ =	strace $0x90000048  }
0xb7: {  	_ =	sfence  }
0xb8: {  	s30 =	sld [smem:$0x0];
	_ =	sdelay $0x2  }
0xb9: {  	s31 =	sshll.u32 s1, $0xD;
	s1 =	sshrl.u32 s1, $0x2  }
0xba: {  	s3 =	sand.u32 $0x4000, s31;
	s1 =	sadd.s32 s1, s30  }
0xbb: {  	s0 =	sor.u32 s3, s0;
	s1 =	sshll.u32 s1, $0x11  }
0xbc: {  	s0 =	sor.u32 s1, s0  }
0xbd: {  	s0 =	sadd.s32 $0x8F2B, s0  }
0xbe: {  	[sflag:s0] =	ssyncadd.remote.s32 $0x1  }
0xbf: {  	_ =	sfence.sel $0xFFFF  }
0xc0: {  	[dreg:$0x0] =	wrdreg $0xFFFFFFFF;
	(pc) =	sbr.abs _section_cstart, $3  }
0xc1: {  	[dreg:$0x1] =	wrdreg $0xFFFFFFFF  }
0xc2: {  	_ =	task.clear_ibuf [dreg:s7], $0x2FFFF;
	_ =	strace $0x9FFFFFFF  }
0xc3: {  	(tm) =	ssettm $0x7FFFFFFF  }
tec
execute0_lowered:
.L_overlay_start_1:
0x0: {  	(tag) =	ssettag $0x1  }
0x1: {  	s9 =	rddreg [dreg:$0x0]  }
0x2: {  	s6 =	rddreg [dreg:$0x1]  }
0x3: {  	s0 =	srdreg.scid;
	s2 =	rddreg [dreg:$0x2]  }
0x4: {  	s1 =	rddreg [dreg:$0x3];
	s3 =	simm.s32 $0x0;
	s4 =	sand.u32 $0x1, s0  }
0x5: {  	s13 =	simm.s32 $0x1;
	s0 =	stileid.u32;
	s5 =	smul.u32 $0x140000, s4  }
0x6: {  	s14 =	simm.s32 $0x80;
	[smem:$0x7FF] =	sst s3;
	s7 =	smul.u32 $0x14000, s0  }
0x7: {  	s28 =	smul.u32 $0x50000, s0;
	_ =	strace $0x80000047;
	s29 =	ssub.s32 $0x2, s4  }
0x8: {  	s4 =	sshll.u32 s4, $0x4;
	s15 =	sshll.u32 s0, $0x6;
	s31 =	sshrl.u32 s29, $0x1  }
0x9: {  	s8 =	sor.u32 s0, s4;
	s15 =	sor.u32 $0x1C01, s15;
	s5 =	sadd.s32 s7, s5  }
0xa: {  	s30 =	sshrl.u32 s28, $0x2;
	s11 =	ssub.s32 s29, s31;
	s12 =	smul.u32 $0x500, s8  }
0xb: {  	s5 =	sshrl.u32 s5, $0x3;
	s4 =	sadd.s32 s30, s2;
	s11 =	smax.u32 s11, $0x1  }
0xc: {  	s10 =	sadd.s32 s5, s6;
	s5 =	sadd.s32 $0x4000, s4;
	s6 =	sadd.s32 $0x8000, s4  }
0xd: {  	s7 =	sadd.s32 $0xC000, s4;
	s8 =	sadd.s32 $0x10000, s4;
	s9 =	sadd.s32 s9, s12  }
0xe: {  	v0 =	vimm.f32 $0.0e+00;
	v1 =	vimm.f32 $1.000000000e+00;
	s12 =	simm.s32 $0x2800;
	s16 =	sshrl.u32 s4, $0x3;
	s10 =	sadd.s32 $0x1C00, s10  }
.LBB2_1:
0xf: {  	s17 =	simm.s32 $0x200;
	s18 =	simm.s32 $0x0  }
.LBB2_2:
0x10: {  	p0 =	sne.s32 s17, $0xFE00;
	[tilespmem:s18+$0x2800] =	vst v0;
	s18 =	smov.u32 s17;
	s17 =	sadd.s32 $0x200, s17  }
.Ltmp0:
0x11: {  	(pc) =	sbr.rel @p0 .LBB2_2-.Ltmp0, $2  }
0x12: {  	_ =	sdelay $0x2  }
0x13: {  	s18 =	sshra.s32 s18, $0x2  }
0x14: {  	[tilespmem:s18+$0x2800] =	vst v0  }
0x15: {  	[spmem:s4] =	stream.linear.scatter [tilespmem:s12], [sflag:$0x1], $0x4000, $0x38;
	[tilespmem:$0x9000] =	vst v63  }
0x16: {  	_ =	swait.ge [sflag:s13], $0x4000  }
0x17: {  	[sflag:s13] =	ssyncset.done $0x0  }
0x18: {  	[sflag:s13] =	ssyncadd.s32 $0xFFFFC000  }
0x19: {  	[spmem:s5] =	stream.linear.scatter [tilespmem:s12], [sflag:$0x1], $0x4000, $0x38;
	[tilespmem:$0x9000] =	vst v63  }
0x1a: {  	_ =	swait.ge [sflag:s13], $0x4000  }
0x1b: {  	[sflag:s13] =	ssyncset.done $0x0  }
0x1c: {  	[sflag:s13] =	ssyncadd.s32 $0xFFFFC000  }
0x1d: {  	[spmem:s6] =	stream.linear.scatter [tilespmem:s12], [sflag:$0x1], $0x4000, $0x38;
	[tilespmem:$0x9000] =	vst v63  }
0x1e: {  	_ =	swait.ge [sflag:s13], $0x4000  }
0x1f: {  	[sflag:s13] =	ssyncset.done $0x0  }
0x20: {  	[sflag:s13] =	ssyncadd.s32 $0xFFFFC000  }
0x21: {  	[spmem:s7] =	stream.linear.scatter [tilespmem:s12], [sflag:$0x1], $0x4000, $0x38;
	[tilespmem:$0x9000] =	vst v63  }
0x22: {  	_ =	swait.ge [sflag:s13], $0x4000  }
0x23: {  	[sflag:s13] =	ssyncset.done $0x0  }
0x24: {  	[sflag:s13] =	ssyncadd.s32 $0xFFFFC000  }
0x25: {  	[spmem:s8] =	stream.linear.scatter [tilespmem:s12], [sflag:$0x1], $0x4000, $0x38;
	[tilespmem:$0x9000] =	vst v63  }
0x26: {  	_ =	swait.ge [sflag:s13], $0x4000  }
0x27: {  	[sflag:s13] =	ssyncset.done $0x0  }
0x28: {  	[sflag:s13] =	ssyncadd.s32 $0xFFFFC000  }
0x29: {  	s17 =	simm.s32 $0x0;
	[bflag:$0x0] =	sbarrier.arrive $0xFFFF  }
0x2a: {  	[tilespmem:s17], [sflag:$0x1] =	stream.linear.gather [hbm4b:s9+s17], $0x2800, $0x38;
	[tilespmem:$0x9000] =	vst v63  }
0x2b: {  	_ =	swait.ge [sflag:s13], $0x2800  }
0x2c: {  	[sflag:s13] =	ssyncset.done $0x0  }
0x2d: {  	s18 =	simm.s32 $0x0;
	s17 =	simm.s32 $0x200;
	[sflag:s13] =	ssyncadd.s32 $0xFFFFD800  }
.LBB2_4:
0x2e: {  	p0 =	sne.s32 s17, $0xFE00;
	[tilespmem:s18+$0x2800] =	vst v1;
	s18 =	smov.u32 s17;
	s17 =	sadd.s32 $0x200, s17  }
.Ltmp1:
0x2f: {  	(pc) =	sbr.rel @p0 .LBB2_4-.Ltmp1, $2  }
0x30: {  	_ =	sdelay $0x2  }
0x31: {  	s18 =	sshra.s32 s18, $0x2  }
0x32: {  	[tilespmem:s18+$0x2800] =	vst v1;
	s17 =	simm.s32 $0x0  }
0x33: {  	[spmem:s2] =	stream.indirect.scatter.add.f32 [tilespmem:s12], [sflag:$0x1], $0x10, s17, s14, $0xb8;
	[tilespmem:$0x9000] =	vst v63  }
0x34: {  	_ =	swait.ge [sflag:s13], $0x800  }
0x35: {  	s17 =	simm.s32 $0x200;
	[sflag:s13] =	ssyncset.done $0x0  }
.LBB2_6:
0x36: {  	s18 =	sshra.s32 s17, $0x2;
	[sflag:s13] =	ssyncadd.s32 $0xFFFFF800;
	p0 =	sne.s32 s17, $0x9E00  }
0x37: {  	[spmem:s2] =	stream.indirect.scatter.add.f32 [tilespmem:s12], [sflag:$0x1], $0x10, s18, s14, $0xb8;
	[tilespmem:$0x9000] =	vst v63  }
.Ltmp2:
0x38: {  	_ = 	snop;
	(pc) =	sbr.rel @p0 .LBB2_6-.Ltmp2, $4  }
0x39: {  	_ = 	snop  }
0x3a: {  	s17 =	sadd.s32 $0x200, s17  }
0x3b: {  	_ =	swait.ge [sflag:s13], $0x800  }
0x3c: {  	[sflag:s13] =	ssyncset.done $0x0  }
0x3d: {  	s3 =	sadd.s32 $0x1, s3  }
0x3e: {  	[sflag:s13] =	ssyncadd.s32 $0xFFFFF800;
	p0 =	sne.s32 s3, s11  }
.Ltmp3:
0x3f: {  	[bflag:$0x0] =	sbarrier.arrive $0xFFFF;
	(pc) =	sbr.rel @p0 .LBB2_1-.Ltmp3, $4  }
0x40: {  	[hbm:s10], [sflag:s15] =	dma.local [spmem:s16], $0x2800  }
0x41: {  	_ =	swait.ge [sflag:s13], $0x2800  }
0x42: {  	[sflag:s13] =	ssyncset.done $0x0  }
0x43: {  	[sflag:s13] =	ssyncadd.s32 $0xFFFFD800  }
0x44: {  	_ =	sfence.sel $0x180000  }
0x45: {  	[bflag:$0x0] =	sbarrier.arrive $0xFFFF  }
0x46: {  	p0 =	sne.s32 s0, $0x0;
	_ =	strace $0x90000047  }
0x47: {  	s0 =	sadd.s32 @!p0 $0x100000, s1;
	[bflag:$0x2] =	sbarrier.arrive $0xFFFF  }
0x48: {  	[sflag:s0] =	ssyncadd.tile.s32 @!p0 $0x1;
	_ =	shalt  }
.Lfunc_end2:
_tile_overlayer_lowered:
.L_overlay_start_2:
0x49: {  	(tag) =	ssettag $0x2  }
0x4a: {  	s0 =	rddreg [dreg:$0x0];
	s2 =	stileid.u32  }
0x4b: {  	s1 =	rddreg [dreg:$0x1];
	p0 =	sne.s32 s2, $0x0  }
0x4c: {  	s3 =	rddreg [dreg:$0x2];
	[bflag:$0x3] =	sbarrier.arrive $0xFFFF;
	s2 =	simm.s32 @!p0 $0x1C01  }
0x4d: {  	[timem:s3], [sflag:s2] =	dma.local @!p0 [hbm:s0], s1  }
0x4e: {  	s0 =	simm.s32 @!p0 $0x1  }
0x4f: {  	_ =	swait.ge @!p0 [sflag:s0], s1  }
0x50: {  	s1 =	ssub.s32 @!p0 $0x0, s1;
	[sflag:s0] =	ssyncset.done @!p0 $0x0  }
0x51: {  	[sflag:s0] =	ssyncadd.s32 @!p0 s1  }
0x52: {  	[bflag:$0x3] =	sbarrier.arrive $0xFFFF  }
0x53: {  	_ =	shalt  }

</sc_bundles>
